<compile_context>
chip_gen: v7x
topology: tpu7x:2x2x1
jax: 0.10.2.dev20260603
libtpu: 0.0.44.dev20260713+nightly
codegen_flags: <defaults>
</compile_context>

<pallas_src>
import functools

import jax
import jax.numpy as jnp
from jax import lax
from jax.experimental import pallas as pl
from jax.experimental.pallas import tpu as pltpu
from jax.experimental.pallas import tpu_sc as plsc

_N = 10000
_NPAD = 10112
_ROWS_PER_SUB = _NPAD // 16
_CHUNK = 128
_NSC = 2
_NSUB = 16
_NW = _NSC * _NSUB


def _sc_mesh():
    return plsc.VectorSubcoreMesh(core_axis_name="c", subcore_axis_name="s")


def _tile_sched(c, s, cpt_lo, n_hi):
    wid = c * _NSUB + s
    cpt = jnp.where(wid < n_hi, cpt_lo + 2, cpt_lo)
    ebase = cpt_lo * wid + 2 * jnp.minimum(wid, n_hi)
    return cpt, ebase


def _make_deg_kernel(cpt_lo, n_hi):
    F = 16
    cpt_max = cpt_lo + (2 if n_hi else 0)

    @functools.partial(
        pl.kernel,
        mesh=_sc_mesh(),
        out_type=jax.ShapeDtypeStruct((_NSC, _NPAD, F), jnp.float32),
        scratch_types=[
            pltpu.VMEM((cpt_max, _CHUNK), jnp.int32),
            pltpu.VMEM((_CHUNK, F), jnp.float32),
            pltpu.VMEM_SHARED((_NPAD, F), jnp.float32),
            pltpu.SemaphoreType.DMA,
        ],
        compiler_params=pltpu.CompilerParams(use_tc_tiling_on_sc=False),
    )
    def deg_kernel(dst_hbm, ones_hbm, zeros_hbm, out_hbm, dst_v, ones_v, acc_sh, sem):
        c = lax.axis_index("c")
        s = lax.axis_index("s")
        cpt, ebase = _tile_sched(c, s, cpt_lo, n_hi)
        pltpu.sync_copy(dst_hbm.at[pl.ds(ebase, cpt_max)], dst_v)
        pltpu.sync_copy(ones_hbm, ones_v)
        nbase = s * _ROWS_PER_SUB
        pltpu.sync_copy(zeros_hbm.at[pl.ds(nbase, _ROWS_PER_SUB)],
                        acc_sh.at[pl.ds(nbase, _ROWS_PER_SUB)])
        plsc.subcore_barrier()

        def body(j, carry):
            pltpu.async_copy(ones_v, acc_sh.at[dst_v.at[j]], sem, add=True)
            return carry

        lax.fori_loop(0, cpt, body, 0)

        def drain(j, carry):
            pltpu.make_async_copy(ones_v, acc_sh.at[dst_v.at[j]], sem).wait()
            return carry

        lax.fori_loop(0, cpt, drain, 0)
        plsc.subcore_barrier()
        pltpu.sync_copy(acc_sh.at[pl.ds(nbase, _ROWS_PER_SUB)],
                        out_hbm.at[c, pl.ds(nbase, _ROWS_PER_SUB)])

    return deg_kernel


def _make_scatter_kernel(F, cpt_lo, n_hi):
    cpt_max = cpt_lo + (2 if n_hi else 0)

    @functools.partial(
        pl.kernel,
        mesh=_sc_mesh(),
        out_type=jax.ShapeDtypeStruct((_NSC, _NPAD, F), jnp.float32),
        scratch_types=[
            pltpu.VMEM((cpt_max, _CHUNK), jnp.int32),
            pltpu.VMEM((cpt_max, _CHUNK), jnp.int32),
            pltpu.VMEM((2, _CHUNK, F), jnp.float32),
            pltpu.VMEM_SHARED((_NPAD, F), jnp.float32),
            pltpu.VMEM_SHARED((_NPAD, F), jnp.float32),
        ] + [pltpu.SemaphoreType.DMA] * 2,
        compiler_params=pltpu.CompilerParams(use_tc_tiling_on_sc=False),
    )
    def scatter_kernel(g_hbm, src_hbm, dst_hbm, zeros_hbm, out_hbm,
                       src_v, dst_v, rows_v, acc_sh, g_sh, *sems):
        c = lax.axis_index("c")
        s = lax.axis_index("s")
        cpt, ebase = _tile_sched(c, s, cpt_lo, n_hi)
        pltpu.sync_copy(src_hbm.at[pl.ds(ebase, cpt_max)], src_v)
        pltpu.sync_copy(dst_hbm.at[pl.ds(ebase, cpt_max)], dst_v)
        nbase = s * _ROWS_PER_SUB
        pltpu.sync_copy(zeros_hbm.at[pl.ds(nbase, _ROWS_PER_SUB)],
                        acc_sh.at[pl.ds(nbase, _ROWS_PER_SUB)])
        pltpu.sync_copy(g_hbm.at[pl.ds(nbase, _ROWS_PER_SUB)],
                        g_sh.at[pl.ds(nbase, _ROWS_PER_SUB)])
        plsc.subcore_barrier()

        def gather_start(j, b):
            pltpu.async_copy(g_sh.at[src_v.at[j]], rows_v.at[b], sems[b])

        def gather_wait(j, b):
            pltpu.make_async_copy(g_sh.at[src_v.at[j]], rows_v.at[b], sems[b]).wait()

        def scat(j, b):
            pltpu.sync_copy(rows_v.at[b], acc_sh.at[dst_v.at[j]], add=True)

        gather_start(0, 0)
        gather_start(1, 1)

        def body(j0, carry):
            j = j0 * 2
            for b in range(2):
                gather_wait(j + b, b)
                scat(j + b, b)
                gather_start(j + b + 2, b)
            return carry

        lax.fori_loop(0, (cpt - 2) // 2, body, 0)
        for b in range(2):
            j = cpt - 2 + b
            gather_wait(j, b)
            scat(j, b)
        plsc.subcore_barrier()
        pltpu.sync_copy(acc_sh.at[pl.ds(nbase, _ROWS_PER_SUB)],
                        out_hbm.at[c, pl.ds(nbase, _ROWS_PER_SUB)])

    return scatter_kernel


def _tc1a_body(x_ref, w1_ref, xw1_ref):
    xw1_ref[pl.ds(0, _N), :] = jnp.dot(x_ref[...], w1_ref[...],
                                       preferred_element_type=jnp.float32)
    xw1_ref[pl.ds(_N, _NPAD - _N), :] = jnp.zeros((_NPAD - _N, 64), jnp.float32)


def _tc1b_body(xw1_ref, degp_ref, g1_ref, dis_ref):
    deg = degp_ref[0, :, 0:1] + degp_ref[1, :, 0:1] + 1.0
    dis = lax.rsqrt(deg)
    dis_ref[...] = dis
    g1_ref[...] = xw1_ref[...] * dis


def _tc1c_body(x_ref, ws02_ref, ws03_ref, xs02_ref, xs03_ref):
    x = x_ref[...]
    pad = _NPAD - _N
    xs02_ref[pl.ds(0, _N), :] = jnp.dot(x, ws02_ref[...],
                                        preferred_element_type=jnp.float32)
    xs02_ref[pl.ds(_N, pad), :] = jnp.zeros((pad, 32), jnp.float32)
    xs03_ref[pl.ds(0, _N), :] = jnp.dot(x, ws03_ref[...],
                                        preferred_element_type=jnp.float32)
    xs03_ref[pl.ds(_N, pad), :] = jnp.zeros((pad, 16), jnp.float32)


def _tc2_body(s1_ref, g1_ref, dis_ref, b1_ref, w2_ref,
              g2_ref, x1_ref):
    dis = dis_ref[...]
    x1 = jnp.maximum((s1_ref[0] + s1_ref[1] + g1_ref[...]) * dis + b1_ref[...], 0.0)
    x1_ref[...] = x1
    g2_ref[...] = jnp.dot(x1, w2_ref[...], preferred_element_type=jnp.float32) * dis


def _tc2b_body(x1_ref, ws13_ref, xs13_ref):
    xs13_ref[...] = jnp.dot(x1_ref[...], ws13_ref[...], preferred_element_type=jnp.float32)


def _tc3_body(s2_ref, g2_ref, xs02_ref, dis_ref, b2_ref, bs02_ref, w3_ref,
              g3_ref):
    dis = dis_ref[...]
    x2 = jnp.maximum((s2_ref[0] + s2_ref[1] + g2_ref[...]) * dis + b2_ref[...]
                     + xs02_ref[...] + bs02_ref[...], 0.0)
    g3_ref[...] = jnp.dot(x2, w3_ref[...], preferred_element_type=jnp.float32) * dis


def _tc4_body(s3_ref, g3_ref, xs03_ref, xs13_ref, dis_ref,
              b3_ref, bs03_ref, bs13_ref, wl_ref, bl_ref, out_ref):
    dis = dis_ref[...]
    x3 = jnp.maximum((s3_ref[0] + s3_ref[1] + g3_ref[...]) * dis + b3_ref[...]
                     + xs03_ref[...] + bs03_ref[...] + xs13_ref[...] + bs13_ref[...], 0.0)
    z = jnp.dot(x3, wl_ref[...], preferred_element_type=jnp.float32) + bl_ref[...]
    out_ref[...] = jax.nn.sigmoid(z)


def _f32(shape):
    return jax.ShapeDtypeStruct(shape, jnp.float32)


def kernel(x, edge_index, W1, b1, Ws02, bs02, W2, b2, Ws03, bs03, Ws13, bs13, W3, b3, Wl, bl):
    E = edge_index.shape[1]
    nchunks = 2 * ((E + 2 * _CHUNK - 1) // (2 * _CHUNK))
    npairs = nchunks // 2
    cpt_lo = 2 * (npairs // _NW)
    n_hi = npairs - _NW * (npairs // _NW)
    sched = (cpt_lo, n_hi)

    ep = (nchunks + 2) * _CHUNK
    pad = ep - E
    fill = jnp.full((pad,), _N, jnp.int32)
    src = jnp.concatenate([edge_index[0], fill]).reshape(ep // _CHUNK, _CHUNK)
    dst = jnp.concatenate([edge_index[1], fill]).reshape(ep // _CHUNK, _CHUNK)
    ones16 = jnp.ones((_CHUNK, 16), jnp.float32)
    z64 = jnp.zeros((_NPAD, 64), jnp.float32)
    z32 = jnp.zeros((_NPAD, 32), jnp.float32)
    z16 = jnp.zeros((_NPAD, 16), jnp.float32)

    degp = _make_deg_kernel(*sched)(dst, ones16, z16)

    xw1 = pl.pallas_call(_tc1a_body, out_shape=_f32((_NPAD, 64)))(x, W1)
    g1, dis = pl.pallas_call(
        _tc1b_body,
        out_shape=[_f32((_NPAD, 64)), _f32((_NPAD, 1))],
    )(xw1, degp)

    s1 = _make_scatter_kernel(64, *sched)(g1, src, dst, z64)

    xs02, xs03 = pl.pallas_call(
        _tc1c_body,
        out_shape=[_f32((_NPAD, 32)), _f32((_NPAD, 16))],
    )(x, Ws02, Ws03)

    g2, x1 = pl.pallas_call(
        _tc2_body,
        out_shape=[_f32((_NPAD, 32)), _f32((_NPAD, 64))],
    )(s1, g1, dis, b1.reshape(1, -1), W2)

    s2 = _make_scatter_kernel(32, *sched)(g2, src, dst, z32)

    xs13 = pl.pallas_call(_tc2b_body, out_shape=_f32((_NPAD, 16)))(x1, Ws13)

    g3 = pl.pallas_call(
        _tc3_body,
        out_shape=_f32((_NPAD, 16)),
    )(s2, g2, xs02, dis, b2.reshape(1, -1), bs02.reshape(1, -1), W3)

    s3 = _make_scatter_kernel(16, *sched)(g3, src, dst, z16)

    out = pl.pallas_call(
        _tc4_body,
        out_shape=_f32((_NPAD, 1)),
    )(s3, g3, xs03, xs13, dis, b3.reshape(1, -1), bs03.reshape(1, -1),
      bs13.reshape(1, -1), Wl, bl.reshape(1, -1))

    return out[:_N]

# --- scband reference (transcript-rebuilt; emitter-appended) ---
"""Pipeline reference for scband-dense-gcn3-layer-83124797046811 (READ-ONLY COPY).

The authoritative reference and input builder live on the scoring server;
editing this copy changes nothing except your own understanding.
"""

import jax, jax.numpy as jnp
import numpy as np

N = 10000
E = 320000
D = 128


def gcn_conv(x, edge_index, W, b):
    # Faithful PyG GCNConv: x' = D^{-1/2} (A + I) D^{-1/2} X W + b
    n = x.shape[0]
    h = x @ W
    loop = jnp.arange(n, dtype=edge_index.dtype)
    src = jnp.concatenate([edge_index[0], loop])
    dst = jnp.concatenate([edge_index[1], loop])
    deg = jnp.zeros((n,), dtype=h.dtype).at[dst].add(1.0)
    dis = jnp.where(deg > 0, jax.lax.rsqrt(jnp.maximum(deg, 1e-12)), 0.0)
    norm = dis[src] * dis[dst]
    msg = h[src] * norm[:, None]
    out = jnp.zeros((n, h.shape[1]), dtype=h.dtype).at[dst].add(msg)
    return out + b


def _glorot(k, shape):
    fan_in, fan_out = shape
    lim = float(np.sqrt(6.0 / (fan_in + fan_out)))
    return jax.random.uniform(k, shape, jnp.float32, -lim, lim)


def setup_inputs(seed: int = 0) -> dict:
    key = jax.random.key(seed)
    ks = jax.random.split(key, 12)
    x = jax.random.normal(ks[0], (N, D), dtype=jnp.float32)
    edge_index = jax.random.randint(ks[1], (2, E), 0, N, dtype=jnp.int32)
    return {
        'x': x,
        'edge_index': edge_index,
        'W1': _glorot(ks[2], (D, 64)),   'b1': jnp.zeros((64,), jnp.float32),
        'Ws02': _glorot(ks[3], (D, 32)), 'bs02': jnp.zeros((32,), jnp.float32),
        'W2': _glorot(ks[4], (64, 32)),  'b2': jnp.zeros((32,), jnp.float32),
        'Ws03': _glorot(ks[5], (D, 16)), 'bs03': jnp.zeros((16,), jnp.float32),
        'Ws13': _glorot(ks[6], (64, 16)),'bs13': jnp.zeros((16,), jnp.float32),
        'W3': _glorot(ks[7], (32, 16)),  'b3': jnp.zeros((16,), jnp.float32),
        'Wl': _glorot(ks[8], (16, 1)),   'bl': jnp.zeros((1,), jnp.float32),
    }


def reference(x, edge_index, W1, b1, Ws02, bs02, W2, b2, Ws03, bs03, Ws13, bs13, W3, b3, Wl, bl):
    # Dropout is identity in eval mode.
    x1 = jax.nn.relu(gcn_conv(x, edge_index, W1, b1))
    x2 = jax.nn.relu(gcn_conv(x1, edge_index, W2, b2) + x @ Ws02 + bs02)
    x3 = jax.nn.relu(gcn_conv(x2, edge_index, W3, b3) + x @ Ws03 + bs03 + x1 @ Ws13 + bs13)
    out = jax.nn.sigmoid(x3 @ Wl + bl)
    return out

if __name__ == "__main__":
    import jax
    _d = setup_inputs()
    print(jax.jit(kernel)(*tuple(_d.values())))

</pallas_src>

<mosaic_0001>
#map = affine_map<(d0, d1) -> (0, 0)>
#map1 = affine_map<(d0, d1) -> (0, 0, 0)>
module attributes {stable_mosaic.version = 14 : i64} {
  func.func @deg_kernel(%arg0: i32, %arg1: i32, %arg2: memref<2502x128xi32, #tpu.memory_space<hbm>>, %arg3: memref<128x16xf32, #tpu.memory_space<hbm>>, %arg4: memref<10112x16xf32, #tpu.memory_space<hbm>>, %arg5: memref<2x10112x16xf32, #tpu.memory_space<hbm>>, %arg6: memref<80x128xi32, #tpu.memory_space<vmem>>, %arg7: memref<128x16xf32, #tpu.memory_space<vmem>>, %arg8: memref<10112x16xf32, #tpu.memory_space<vmem_shared>>, %arg9: memref<!tpu.dma_semaphore, #tpu.memory_space<semaphore_mem>>) attributes {dimension_semantics = [#tpu.dimension_semantics<core_parallel>, #tpu.dimension_semantics<subcore_parallel>], iteration_bounds = array<i64: 2, 16>, scalar_prefetch = 0 : i64, scratch_operands = 4 : i64, tpu.core_type = #tpu.core_type<sc_vector_subcore>, window_params = [{transform_indices = #map}, {transform_indices = #map}, {transform_indices = #map}, {transform_indices = #map1}]} {
    %mul3A = arith.constant 16 : i32
    %mul3A_0 = arith.muli %arg0, %mul3A : i32
    %add3A = arith.addi %mul3A_0, %arg1 : i32
    %lt3A = arith.constant 2 : i32
    %lt3A_1 = arith.cmpi slt, %add3A, %lt3A : i32
    %jit3A = arith.constant 80 : i32
    %jit3A_2 = arith.constant 78 : i32
    %select_n3A = arith.select %lt3A_1, %jit3A, %jit3A_2 : i32
    %mul3A_3 = arith.constant 78 : i32
    %mul3A_4 = arith.muli %mul3A_3, %add3A : i32
    %min3A = arith.constant 2 : i32
    %min3A_5 = arith.minsi %add3A, %min3A : i32
    %mul3A_6 = arith.constant 2 : i32
    %mul3A_7 = arith.muli %mul3A_6, %min3A_5 : i32
    %add3A_8 = arith.addi %mul3A_4, %mul3A_7 : i32
    "tpu.region"() ({
      %run_scoped3A = tpu.sem_alloc : memref<!tpu.dma_semaphore, #tpu.memory_space<semaphore_mem>>
      %dma_start3A = arith.constant 0 : i32
      %dma_start3A_31 = tpu.memref_slice %arg2[%add3A_8, %dma_start3A] : memref<2502x128xi32, #tpu.memory_space<hbm>> -> memref<80x128xi32, #tpu.memory_space<hbm>>
      %dma_start3A_32 = arith.constant 0 : i32
      %dma_start3A_33 = tpu.memref_slice %arg2[%add3A_8, %dma_start3A_32] : memref<2502x128xi32, #tpu.memory_space<hbm>> -> memref<80x128xi32, #tpu.memory_space<hbm>>
      tpu.enqueue_dma source(%dma_start3A_33 : memref<80x128xi32, #tpu.memory_space<hbm>>) target(%arg6 : memref<80x128xi32, #tpu.memory_space<vmem>>) target_semaphore(%run_scoped3A : memref<!tpu.dma_semaphore, #tpu.memory_space<semaphore_mem>>)
      %dma_wait3A = arith.constant 0 : i32
      %dma_wait3A_34 = tpu.memref_slice %arg2[%add3A_8, %dma_wait3A] : memref<2502x128xi32, #tpu.memory_space<hbm>> -> memref<80x128xi32, #tpu.memory_space<hbm>>
      %dma_wait3A_35 = arith.constant 0 : i32
      %dma_wait3A_36 = tpu.memref_slice %arg2[%add3A_8, %dma_wait3A_35] : memref<2502x128xi32, #tpu.memory_space<hbm>> -> memref<80x128xi32, #tpu.memory_space<hbm>>
      tpu.wait_dma2 semaphore(%run_scoped3A : memref<!tpu.dma_semaphore, #tpu.memory_space<semaphore_mem>>) src(%dma_wait3A_36 : memref<80x128xi32, #tpu.memory_space<hbm>>) dst(%arg6 : memref<80x128xi32, #tpu.memory_space<vmem>>)
      tpu.yield
    }) : () -> ()
    "tpu.region"() ({
      %run_scoped3A = tpu.sem_alloc : memref<!tpu.dma_semaphore, #tpu.memory_space<semaphore_mem>>
      tpu.enqueue_dma source(%arg3 : memref<128x16xf32, #tpu.memory_space<hbm>>) target(%arg7 : memref<128x16xf32, #tpu.memory_space<vmem>>) target_semaphore(%run_scoped3A : memref<!tpu.dma_semaphore, #tpu.memory_space<semaphore_mem>>)
      tpu.wait_dma2 semaphore(%run_scoped3A : memref<!tpu.dma_semaphore, #tpu.memory_space<semaphore_mem>>) src(%arg3 : memref<128x16xf32, #tpu.memory_space<hbm>>) dst(%arg7 : memref<128x16xf32, #tpu.memory_space<vmem>>)
      tpu.yield
    }) : () -> ()
    %mul3A_9 = arith.constant 632 : i32
    %mul3A_10 = arith.muli %arg1, %mul3A_9 : i32
    "tpu.region"() ({
      %run_scoped3A = tpu.sem_alloc : memref<!tpu.dma_semaphore, #tpu.memory_space<semaphore_mem>>
      %dma_start3A = arith.constant 0 : i32
      %dma_start3A_31 = tpu.memref_slice %arg8[%mul3A_10, %dma_start3A] : memref<10112x16xf32, #tpu.memory_space<vmem_shared>> -> memref<632x16xf32, #tpu.memory_space<vmem_shared>>
      %dma_start3A_32 = arith.constant 0 : i32
      %dma_start3A_33 = tpu.memref_slice %arg4[%mul3A_10, %dma_start3A_32] : memref<10112x16xf32, #tpu.memory_space<hbm>> -> memref<632x16xf32, #tpu.memory_space<hbm>>
      tpu.enqueue_dma source(%dma_start3A_33 : memref<632x16xf32, #tpu.memory_space<hbm>>) target(%dma_start3A_31 : memref<632x16xf32, #tpu.memory_space<vmem_shared>>) target_semaphore(%run_scoped3A : memref<!tpu.dma_semaphore, #tpu.memory_space<semaphore_mem>>)
      %dma_wait3A = arith.constant 0 : i32
      %dma_wait3A_34 = tpu.memref_slice %arg8[%mul3A_10, %dma_wait3A] : memref<10112x16xf32, #tpu.memory_space<vmem_shared>> -> memref<632x16xf32, #tpu.memory_space<vmem_shared>>
      %dma_wait3A_35 = arith.constant 0 : i32
      %dma_wait3A_36 = tpu.memref_slice %arg4[%mul3A_10, %dma_wait3A_35] : memref<10112x16xf32, #tpu.memory_space<hbm>> -> memref<632x16xf32, #tpu.memory_space<hbm>>
      tpu.wait_dma2 semaphore(%run_scoped3A : memref<!tpu.dma_semaphore, #tpu.memory_space<semaphore_mem>>) src(%dma_wait3A_36 : memref<632x16xf32, #tpu.memory_space<hbm>>) dst(%dma_wait3A_34 : memref<632x16xf32, #tpu.memory_space<vmem_shared>>)
      tpu.yield
    }) : () -> ()
    %barrier3A = arith.constant 0 : index
    tpu.barrier barrier_id(%barrier3A)
    %while3A = arith.constant 0 : i32
    %while3A_11 = arith.constant 0 : i32
    %while3A_12 = arith.subi %select_n3A, %while3A_11 : i32
    %while3A_13 = arith.addi %while3A_11, %while3A_12 : i32
    %while3A_14 = arith.constant 1 : i32
    %while3A_15 = arith.divsi %while3A_12, %while3A_14 : i32
    %while3A_16 = arith.muli %while3A_15, %while3A_14 : i32
    %while3A_17 = arith.addi %while3A_11, %while3A_16 : i32
    %while3A_18 = arith.constant 1 : i32
    scf.for %while3A_31 = %while3A_11 to %while3A_17 step %while3A_18  : i32 {
      %dma_start3A = arith.constant 0 : i32
      %dma_start3A_32 = tpu.memref_slice %arg6[%while3A_31, %dma_start3A] : memref<80x128xi32, #tpu.memory_space<vmem>> -> memref<1x128xi32, #tpu.memory_space<vmem>>
      %dma_start3A_33 = tpu.memref_squeeze %dma_start3A_32 : memref<1x128xi32, #tpu.memory_space<vmem>> -> memref<128xi32, #tpu.memory_space<vmem>>
      %dma_start3A_34 = arith.constant 0 : i32
      %dma_start3A_35 = arith.constant 0 : i32
      %dma_start3A_36 = tpu.memref_slice %arg8[%dma_start3A_34, %dma_start3A_35] : memref<10112x16xf32, #tpu.memory_space<vmem_shared>> -> memref<10112x16xf32, #tpu.memory_space<vmem_shared>>
      tpu.enqueue_indirect_dma source(%arg7 : memref<128x16xf32, #tpu.memory_space<vmem>>) target(%dma_start3A_36 : memref<10112x16xf32, #tpu.memory_space<vmem_shared>>) offsets(%dma_start3A_33 : memref<128xi32, #tpu.memory_space<vmem>>) semaphore(%arg9 : memref<!tpu.dma_semaphore, #tpu.memory_space<semaphore_mem>>) {add = true}
    }
    %while3A_19 = arith.constant 1 : i32
    scf.for %while3A_31 = %while3A_17 to %while3A_13 step %while3A_19  : i32 {
      %dma_start3A = arith.constant 0 : i32
      %dma_start3A_32 = tpu.memref_slice %arg6[%while3A_31, %dma_start3A] : memref<80x128xi32, #tpu.memory_space<vmem>> -> memref<1x128xi32, #tpu.memory_space<vmem>>
      %dma_start3A_33 = tpu.memref_squeeze %dma_start3A_32 : memref<1x128xi32, #tpu.memory_space<vmem>> -> memref<128xi32, #tpu.memory_space<vmem>>
      %dma_start3A_34 = arith.constant 0 : i32
      %dma_start3A_35 = arith.constant 0 : i32
      %dma_start3A_36 = tpu.memref_slice %arg8[%dma_start3A_34, %dma_start3A_35] : memref<10112x16xf32, #tpu.memory_space<vmem_shared>> -> memref<10112x16xf32, #tpu.memory_space<vmem_shared>>
      tpu.enqueue_indirect_dma source(%arg7 : memref<128x16xf32, #tpu.memory_space<vmem>>) target(%dma_start3A_36 : memref<10112x16xf32, #tpu.memory_space<vmem_shared>>) offsets(%dma_start3A_33 : memref<128xi32, #tpu.memory_space<vmem>>) semaphore(%arg9 : memref<!tpu.dma_semaphore, #tpu.memory_space<semaphore_mem>>) {add = true}
    }
    %while3A_20 = arith.constant 0 : i32
    %while3A_21 = arith.constant 0 : i32
    %while3A_22 = arith.subi %select_n3A, %while3A_21 : i32
    %while3A_23 = arith.addi %while3A_21, %while3A_22 : i32
    %while3A_24 = arith.constant 1 : i32
    %while3A_25 = arith.divsi %while3A_22, %while3A_24 : i32
    %while3A_26 = arith.muli %while3A_25, %while3A_24 : i32
    %while3A_27 = arith.addi %while3A_21, %while3A_26 : i32
    %while3A_28 = arith.constant 1 : i32
    scf.for %while3A_31 = %while3A_21 to %while3A_27 step %while3A_28  : i32 {
      %dma_wait3A = arith.constant 0 : i32
      %dma_wait3A_32 = tpu.memref_slice %arg6[%while3A_31, %dma_wait3A] : memref<80x128xi32, #tpu.memory_space<vmem>> -> memref<1x128xi32, #tpu.memory_space<vmem>>
      %dma_wait3A_33 = tpu.memref_squeeze %dma_wait3A_32 : memref<1x128xi32, #tpu.memory_space<vmem>> -> memref<128xi32, #tpu.memory_space<vmem>>
      %dma_wait3A_34 = arith.constant 0 : i32
      %dma_wait3A_35 = arith.constant 0 : i32
      %dma_wait3A_36 = tpu.memref_slice %arg8[%dma_wait3A_34, %dma_wait3A_35] : memref<10112x16xf32, #tpu.memory_space<vmem_shared>> -> memref<10112x16xf32, #tpu.memory_space<vmem_shared>>
      tpu.wait_indirect_dma semaphore(%arg9 : memref<!tpu.dma_semaphore, #tpu.memory_space<semaphore_mem>>) src(%arg7 : memref<128x16xf32, #tpu.memory_space<vmem>>) dst(%dma_wait3A_36 : memref<10112x16xf32, #tpu.memory_space<vmem_shared>>)
    }
    %while3A_29 = arith.constant 1 : i32
    scf.for %while3A_31 = %while3A_27 to %while3A_23 step %while3A_29  : i32 {
      %dma_wait3A = arith.constant 0 : i32
      %dma_wait3A_32 = tpu.memref_slice %arg6[%while3A_31, %dma_wait3A] : memref<80x128xi32, #tpu.memory_space<vmem>> -> memref<1x128xi32, #tpu.memory_space<vmem>>
      %dma_wait3A_33 = tpu.memref_squeeze %dma_wait3A_32 : memref<1x128xi32, #tpu.memory_space<vmem>> -> memref<128xi32, #tpu.memory_space<vmem>>
      %dma_wait3A_34 = arith.constant 0 : i32
      %dma_wait3A_35 = arith.constant 0 : i32
      %dma_wait3A_36 = tpu.memref_slice %arg8[%dma_wait3A_34, %dma_wait3A_35] : memref<10112x16xf32, #tpu.memory_space<vmem_shared>> -> memref<10112x16xf32, #tpu.memory_space<vmem_shared>>
      tpu.wait_indirect_dma semaphore(%arg9 : memref<!tpu.dma_semaphore, #tpu.memory_space<semaphore_mem>>) src(%arg7 : memref<128x16xf32, #tpu.memory_space<vmem>>) dst(%dma_wait3A_36 : memref<10112x16xf32, #tpu.memory_space<vmem_shared>>)
    }
    %barrier3A_30 = arith.constant 0 : index
    tpu.barrier barrier_id(%barrier3A_30)
    "tpu.region"() ({
      %run_scoped3A = tpu.sem_alloc : memref<!tpu.dma_semaphore, #tpu.memory_space<semaphore_mem>>
      %dma_start3A = arith.constant 0 : i32
      %dma_start3A_31 = tpu.memref_slice %arg5[%arg0, %mul3A_10, %dma_start3A] : memref<2x10112x16xf32, #tpu.memory_space<hbm>> -> memref<1x632x16xf32, #tpu.memory_space<hbm>>
      %dma_start3A_32 = tpu.memref_squeeze %dma_start3A_31 : memref<1x632x16xf32, #tpu.memory_space<hbm>> -> memref<632x16xf32, #tpu.memory_space<hbm>>
      %dma_start3A_33 = arith.constant 0 : i32
      %dma_start3A_34 = tpu.memref_slice %arg8[%mul3A_10, %dma_start3A_33] : memref<10112x16xf32, #tpu.memory_space<vmem_shared>> -> memref<632x16xf32, #tpu.memory_space<vmem_shared>>
      tpu.enqueue_dma source(%dma_start3A_34 : memref<632x16xf32, #tpu.memory_space<vmem_shared>>) target(%dma_start3A_32 : memref<632x16xf32, #tpu.memory_space<hbm>>) target_semaphore(%run_scoped3A : memref<!tpu.dma_semaphore, #tpu.memory_space<semaphore_mem>>)
      %dma_wait3A = arith.constant 0 : i32
      %dma_wait3A_35 = tpu.memref_slice %arg5[%arg0, %mul3A_10, %dma_wait3A] : memref<2x10112x16xf32, #tpu.memory_space<hbm>> -> memref<1x632x16xf32, #tpu.memory_space<hbm>>
      %dma_wait3A_36 = tpu.memref_squeeze %dma_wait3A_35 : memref<1x632x16xf32, #tpu.memory_space<hbm>> -> memref<632x16xf32, #tpu.memory_space<hbm>>
      %dma_wait3A_37 = arith.constant 0 : i32
      %dma_wait3A_38 = tpu.memref_slice %arg8[%mul3A_10, %dma_wait3A_37] : memref<10112x16xf32, #tpu.memory_space<vmem_shared>> -> memref<632x16xf32, #tpu.memory_space<vmem_shared>>
      tpu.wait_dma2 semaphore(%run_scoped3A : memref<!tpu.dma_semaphore, #tpu.memory_space<semaphore_mem>>) src(%dma_wait3A_38 : memref<632x16xf32, #tpu.memory_space<vmem_shared>>) dst(%dma_wait3A_36 : memref<632x16xf32, #tpu.memory_space<hbm>>)
      tpu.yield
    }) : () -> ()
    return
  }
}

#map = affine_map<(d0, d1) -> (0, 0)>
#map1 = affine_map<(d0, d1) -> (0, 0, 0)>
module attributes {stable_mosaic.version = 14 : i64} {
  func.func @scatter_kernel(%arg0: i32, %arg1: i32, %arg2: memref<10112x32xf32, #tpu.memory_space<hbm>>, %arg3: memref<2502x128xi32, #tpu.memory_space<hbm>>, %arg4: memref<2502x128xi32, #tpu.memory_space<hbm>>, %arg5: memref<10112x32xf32, #tpu.memory_space<hbm>>, %arg6: memref<2x10112x32xf32, #tpu.memory_space<hbm>>, %arg7: memref<80x128xi32, #tpu.memory_space<vmem>>, %arg8: memref<80x128xi32, #tpu.memory_space<vmem>>, %arg9: memref<2x128x32xf32, #tpu.memory_space<vmem>>, %arg10: memref<10112x32xf32, #tpu.memory_space<vmem_shared>>, %arg11: memref<10112x32xf32, #tpu.memory_space<vmem_shared>>, %arg12: memref<!tpu.dma_semaphore, #tpu.memory_space<semaphore_mem>>, %arg13: memref<!tpu.dma_semaphore, #tpu.memory_space<semaphore_mem>>) attributes {dimension_semantics = [#tpu.dimension_semantics<core_parallel>, #tpu.dimension_semantics<subcore_parallel>], iteration_bounds = array<i64: 2, 16>, scalar_prefetch = 0 : i64, scratch_operands = 7 : i64, tpu.core_type = #tpu.core_type<sc_vector_subcore>, window_params = [{transform_indices = #map}, {transform_indices = #map}, {transform_indices = #map}, {transform_indices = #map}, {transform_indices = #map1}]} {
    %mul3A = arith.constant 16 : i32
    %mul3A_0 = arith.muli %arg0, %mul3A : i32
    %add3A = arith.addi %mul3A_0, %arg1 : i32
    %lt3A = arith.constant 2 : i32
    %lt3A_1 = arith.cmpi slt, %add3A, %lt3A : i32
    %jit3A = arith.constant 80 : i32
    %jit3A_2 = arith.constant 78 : i32
    %select_n3A = arith.select %lt3A_1, %jit3A, %jit3A_2 : i32
    %mul3A_3 = arith.constant 78 : i32
    %mul3A_4 = arith.muli %mul3A_3, %add3A : i32
    %min3A = arith.constant 2 : i32
    %min3A_5 = arith.minsi %add3A, %min3A : i32
    %mul3A_6 = arith.constant 2 : i32
    %mul3A_7 = arith.muli %mul3A_6, %min3A_5 : i32
    %add3A_8 = arith.addi %mul3A_4, %mul3A_7 : i32
    "tpu.region"() ({
      %run_scoped3A_94 = tpu.sem_alloc : memref<!tpu.dma_semaphore, #tpu.memory_space<semaphore_mem>>
      %dma_start3A_95 = arith.constant 0 : i32
      %dma_start3A_96 = tpu.memref_slice %arg3[%add3A_8, %dma_start3A_95] : memref<2502x128xi32, #tpu.memory_space<hbm>> -> memref<80x128xi32, #tpu.memory_space<hbm>>
      %dma_start3A_97 = arith.constant 0 : i32
      %dma_start3A_98 = tpu.memref_slice %arg3[%add3A_8, %dma_start3A_97] : memref<2502x128xi32, #tpu.memory_space<hbm>> -> memref<80x128xi32, #tpu.memory_space<hbm>>
      tpu.enqueue_dma source(%dma_start3A_98 : memref<80x128xi32, #tpu.memory_space<hbm>>) target(%arg7 : memref<80x128xi32, #tpu.memory_space<vmem>>) target_semaphore(%run_scoped3A_94 : memref<!tpu.dma_semaphore, #tpu.memory_space<semaphore_mem>>)
      %dma_wait3A_99 = arith.constant 0 : i32
      %dma_wait3A_100 = tpu.memref_slice %arg3[%add3A_8, %dma_wait3A_99] : memref<2502x128xi32, #tpu.memory_space<hbm>> -> memref<80x128xi32, #tpu.memory_space<hbm>>
      %dma_wait3A_101 = arith.constant 0 : i32
      %dma_wait3A_102 = tpu.memref_slice %arg3[%add3A_8, %dma_wait3A_101] : memref<2502x128xi32, #tpu.memory_space<hbm>> -> memref<80x128xi32, #tpu.memory_space<hbm>>
      tpu.wait_dma2 semaphore(%run_scoped3A_94 : memref<!tpu.dma_semaphore, #tpu.memory_space<semaphore_mem>>) src(%dma_wait3A_102 : memref<80x128xi32, #tpu.memory_space<hbm>>) dst(%arg7 : memref<80x128xi32, #tpu.memory_space<vmem>>)
      tpu.yield
    }) : () -> ()
    "tpu.region"() ({
      %run_scoped3A_94 = tpu.sem_alloc : memref<!tpu.dma_semaphore, #tpu.memory_space<semaphore_mem>>
      %dma_start3A_95 = arith.constant 0 : i32
      %dma_start3A_96 = tpu.memref_slice %arg4[%add3A_8, %dma_start3A_95] : memref<2502x128xi32, #tpu.memory_space<hbm>> -> memref<80x128xi32, #tpu.memory_space<hbm>>
      %dma_start3A_97 = arith.constant 0 : i32
      %dma_start3A_98 = tpu.memref_slice %arg4[%add3A_8, %dma_start3A_97] : memref<2502x128xi32, #tpu.memory_space<hbm>> -> memref<80x128xi32, #tpu.memory_space<hbm>>
      tpu.enqueue_dma source(%dma_start3A_98 : memref<80x128xi32, #tpu.memory_space<hbm>>) target(%arg8 : memref<80x128xi32, #tpu.memory_space<vmem>>) target_semaphore(%run_scoped3A_94 : memref<!tpu.dma_semaphore, #tpu.memory_space<semaphore_mem>>)
      %dma_wait3A_99 = arith.constant 0 : i32
      %dma_wait3A_100 = tpu.memref_slice %arg4[%add3A_8, %dma_wait3A_99] : memref<2502x128xi32, #tpu.memory_space<hbm>> -> memref<80x128xi32, #tpu.memory_space<hbm>>
      %dma_wait3A_101 = arith.constant 0 : i32
      %dma_wait3A_102 = tpu.memref_slice %arg4[%add3A_8, %dma_wait3A_101] : memref<2502x128xi32, #tpu.memory_space<hbm>> -> memref<80x128xi32, #tpu.memory_space<hbm>>
      tpu.wait_dma2 semaphore(%run_scoped3A_94 : memref<!tpu.dma_semaphore, #tpu.memory_space<semaphore_mem>>) src(%dma_wait3A_102 : memref<80x128xi32, #tpu.memory_space<hbm>>) dst(%arg8 : memref<80x128xi32, #tpu.memory_space<vmem>>)
      tpu.yield
    }) : () -> ()
    %mul3A_9 = arith.constant 632 : i32
    %mul3A_10 = arith.muli %arg1, %mul3A_9 : i32
    "tpu.region"() ({
      %run_scoped3A_94 = tpu.sem_alloc : memref<!tpu.dma_semaphore, #tpu.memory_space<semaphore_mem>>
      %dma_start3A_95 = arith.constant 0 : i32
      %dma_start3A_96 = tpu.memref_slice %arg10[%mul3A_10, %dma_start3A_95] : memref<10112x32xf32, #tpu.memory_space<vmem_shared>> -> memref<632x32xf32, #tpu.memory_space<vmem_shared>>
      %dma_start3A_97 = arith.constant 0 : i32
      %dma_start3A_98 = tpu.memref_slice %arg5[%mul3A_10, %dma_start3A_97] : memref<10112x32xf32, #tpu.memory_space<hbm>> -> memref<632x32xf32, #tpu.memory_space<hbm>>
      tpu.enqueue_dma source(%dma_start3A_98 : memref<632x32xf32, #tpu.memory_space<hbm>>) target(%dma_start3A_96 : memref<632x32xf32, #tpu.memory_space<vmem_shared>>) target_semaphore(%run_scoped3A_94 : memref<!tpu.dma_semaphore, #tpu.memory_space<semaphore_mem>>)
      %dma_wait3A_99 = arith.constant 0 : i32
      %dma_wait3A_100 = tpu.memref_slice %arg10[%mul3A_10, %dma_wait3A_99] : memref<10112x32xf32, #tpu.memory_space<vmem_shared>> -> memref<632x32xf32, #tpu.memory_space<vmem_shared>>
      %dma_wait3A_101 = arith.constant 0 : i32
      %dma_wait3A_102 = tpu.memref_slice %arg5[%mul3A_10, %dma_wait3A_101] : memref<10112x32xf32, #tpu.memory_space<hbm>> -> memref<632x32xf32, #tpu.memory_space<hbm>>
      tpu.wait_dma2 semaphore(%run_scoped3A_94 : memref<!tpu.dma_semaphore, #tpu.memory_space<semaphore_mem>>) src(%dma_wait3A_102 : memref<632x32xf32, #tpu.memory_space<hbm>>) dst(%dma_wait3A_100 : memref<632x32xf32, #tpu.memory_space<vmem_shared>>)
      tpu.yield
    }) : () -> ()
    "tpu.region"() ({
      %run_scoped3A_94 = tpu.sem_alloc : memref<!tpu.dma_semaphore, #tpu.memory_space<semaphore_mem>>
      %dma_start3A_95 = arith.constant 0 : i32
      %dma_start3A_96 = tpu.memref_slice %arg11[%mul3A_10, %dma_start3A_95] : memref<10112x32xf32, #tpu.memory_space<vmem_shared>> -> memref<632x32xf32, #tpu.memory_space<vmem_shared>>
      %dma_start3A_97 = arith.constant 0 : i32
      %dma_start3A_98 = tpu.memref_slice %arg2[%mul3A_10, %dma_start3A_97] : memref<10112x32xf32, #tpu.memory_space<hbm>> -> memref<632x32xf32, #tpu.memory_space<hbm>>
      tpu.enqueue_dma source(%dma_start3A_98 : memref<632x32xf32, #tpu.memory_space<hbm>>) target(%dma_start3A_96 : memref<632x32xf32, #tpu.memory_space<vmem_shared>>) target_semaphore(%run_scoped3A_94 : memref<!tpu.dma_semaphore, #tpu.memory_space<semaphore_mem>>)
      %dma_wait3A_99 = arith.constant 0 : i32
      %dma_wait3A_100 = tpu.memref_slice %arg11[%mul3A_10, %dma_wait3A_99] : memref<10112x32xf32, #tpu.memory_space<vmem_shared>> -> memref<632x32xf32, #tpu.memory_space<vmem_shared>>
      %dma_wait3A_101 = arith.constant 0 : i32
      %dma_wait3A_102 = tpu.memref_slice %arg2[%mul3A_10, %dma_wait3A_101] : memref<10112x32xf32, #tpu.memory_space<hbm>> -> memref<632x32xf32, #tpu.memory_space<hbm>>
      tpu.wait_dma2 semaphore(%run_scoped3A_94 : memref<!tpu.dma_semaphore, #tpu.memory_space<semaphore_mem>>) src(%dma_wait3A_102 : memref<632x32xf32, #tpu.memory_space<hbm>>) dst(%dma_wait3A_100 : memref<632x32xf32, #tpu.memory_space<vmem_shared>>)
      tpu.yield
    }) : () -> ()
    %barrier3A = arith.constant 0 : index
    tpu.barrier barrier_id(%barrier3A)
    %dma_start3A = arith.constant 0 : i32
    %dma_start3A_11 = arith.constant 0 : i32
    %dma_start3A_12 = arith.constant 0 : i32
    %dma_start3A_13 = arith.constant 0 : i32
    %dma_start3A_14 = tpu.memref_slice %arg9[%dma_start3A_11, %dma_start3A_12, %dma_start3A_13] : memref<2x128x32xf32, #tpu.memory_space<vmem>> -> memref<1x128x32xf32, #tpu.memory_space<vmem>>
    %dma_start3A_15 = tpu.memref_squeeze %dma_start3A_14 : memref<1x128x32xf32, #tpu.memory_space<vmem>> -> memref<128x32xf32, #tpu.memory_space<vmem>>
    %dma_start3A_16 = arith.constant 0 : i32
    %dma_start3A_17 = tpu.memref_slice %arg7[%dma_start3A, %dma_start3A_16] : memref<80x128xi32, #tpu.memory_space<vmem>> -> memref<1x128xi32, #tpu.memory_space<vmem>>
    %dma_start3A_18 = tpu.memref_squeeze %dma_start3A_17 : memref<1x128xi32, #tpu.memory_space<vmem>> -> memref<128xi32, #tpu.memory_space<vmem>>
    %dma_start3A_19 = arith.constant 0 : i32
    %dma_start3A_20 = arith.constant 0 : i32
    %dma_start3A_21 = tpu.memref_slice %arg11[%dma_start3A_19, %dma_start3A_20] : memref<10112x32xf32, #tpu.memory_space<vmem_shared>> -> memref<10112x32xf32, #tpu.memory_space<vmem_shared>>
    tpu.enqueue_indirect_dma source(%dma_start3A_21 : memref<10112x32xf32, #tpu.memory_space<vmem_shared>>) target(%dma_start3A_15 : memref<128x32xf32, #tpu.memory_space<vmem>>) offsets(%dma_start3A_18 : memref<128xi32, #tpu.memory_space<vmem>>) semaphore(%arg12 : memref<!tpu.dma_semaphore, #tpu.memory_space<semaphore_mem>>)
    %dma_start3A_22 = arith.constant 1 : i32
    %dma_start3A_23 = arith.constant 1 : i32
    %dma_start3A_24 = arith.constant 0 : i32
    %dma_start3A_25 = arith.constant 0 : i32
    %dma_start3A_26 = tpu.memref_slice %arg9[%dma_start3A_23, %dma_start3A_24, %dma_start3A_25] : memref<2x128x32xf32, #tpu.memory_space<vmem>> -> memref<1x128x32xf32, #tpu.memory_space<vmem>>
    %dma_start3A_27 = tpu.memref_squeeze %dma_start3A_26 : memref<1x128x32xf32, #tpu.memory_space<vmem>> -> memref<128x32xf32, #tpu.memory_space<vmem>>
    %dma_start3A_28 = arith.constant 0 : i32
    %dma_start3A_29 = tpu.memref_slice %arg7[%dma_start3A_22, %dma_start3A_28] : memref<80x128xi32, #tpu.memory_space<vmem>> -> memref<1x128xi32, #tpu.memory_space<vmem>>
    %dma_start3A_30 = tpu.memref_squeeze %dma_start3A_29 : memref<1x128xi32, #tpu.memory_space<vmem>> -> memref<128xi32, #tpu.memory_space<vmem>>
    %dma_start3A_31 = arith.constant 0 : i32
    %dma_start3A_32 = arith.constant 0 : i32
    %dma_start3A_33 = tpu.memref_slice %arg11[%dma_start3A_31, %dma_start3A_32] : memref<10112x32xf32, #tpu.memory_space<vmem_shared>> -> memref<10112x32xf32, #tpu.memory_space<vmem_shared>>
    tpu.enqueue_indirect_dma source(%dma_start3A_33 : memref<10112x32xf32, #tpu.memory_space<vmem_shared>>) target(%dma_start3A_27 : memref<128x32xf32, #tpu.memory_space<vmem>>) offsets(%dma_start3A_30 : memref<128xi32, #tpu.memory_space<vmem>>) semaphore(%arg13 : memref<!tpu.dma_semaphore, #tpu.memory_space<semaphore_mem>>)
    %sub3A = arith.constant 2 : i32
    %sub3A_34 = arith.subi %select_n3A, %sub3A : i32
    %jit3A_35 = arith.constant 2 : i32
    %div3A = arith.divsi %sub3A_34, %jit3A_35 : i32
    %sign3A = arith.constant 0 : i32
    %sign3A_36 = arith.cmpi sgt, %sub3A_34, %sign3A : i32
    %sign3A_37 = arith.extui %sign3A_36 : i1 to i32
    %sign3A_38 = arith.constant 0 : i32
    %sign3A_39 = arith.cmpi slt, %sub3A_34, %sign3A_38 : i32
    %sign3A_40 = arith.extui %sign3A_39 : i1 to i32
    %sign3A_41 = arith.subi %sign3A_37, %sign3A_40 : i32
    %sign3A_42 = arith.constant 0 : i32
    %sign3A_43 = arith.cmpi sgt, %jit3A_35, %sign3A_42 : i32
    %sign3A_44 = arith.extui %sign3A_43 : i1 to i32
    %sign3A_45 = arith.constant 0 : i32
    %sign3A_46 = arith.cmpi slt, %jit3A_35, %sign3A_45 : i32
    %sign3A_47 = arith.extui %sign3A_46 : i1 to i32
    %sign3A_48 = arith.subi %sign3A_44, %sign3A_47 : i32
    %ne3A = arith.cmpi ne, %sign3A_41, %sign3A_48 : i32
    %rem3A = arith.remsi %sub3A_34, %jit3A_35 : i32
    %ne3A_49 = arith.constant 0 : i32
    %ne3A_50 = arith.cmpi ne, %rem3A, %ne3A_49 : i32
    %and3A = arith.andi %ne3A, %ne3A_50 : i1
    %sub3A_51 = arith.constant 1 : i32
    %sub3A_52 = arith.subi %div3A, %sub3A_51 : i32
    %select_n3A_53 = arith.select %and3A, %sub3A_52, %div3A : i32
    %while3A = arith.constant 0 : i32
    %while3A_54 = arith.constant 0 : i32
    %while3A_55 = arith.subi %select_n3A_53, %while3A_54 : i32
    %while3A_56 = arith.addi %while3A_54, %while3A_55 : i32
    %while3A_57 = arith.constant 1 : i32
    %while3A_58 = arith.divsi %while3A_55, %while3A_57 : i32
    %while3A_59 = arith.muli %while3A_58, %while3A_57 : i32
    %while3A_60 = arith.addi %while3A_54, %while3A_59 : i32
    %while3A_61 = arith.constant 1 : i32
    scf.for %while3A_94 = %while3A_54 to %while3A_60 step %while3A_61  : i32 {
      %mul3A_95 = arith.constant 2 : i32
      %mul3A_96 = arith.muli %while3A_94, %mul3A_95 : i32
      %add3A_97 = arith.constant 0 : i32
      %add3A_98 = arith.addi %mul3A_96, %add3A_97 : i32
      %dma_wait3A_99 = arith.constant 0 : i32
      %dma_wait3A_100 = arith.constant 0 : i32
      %dma_wait3A_101 = arith.constant 0 : i32
      %dma_wait3A_102 = tpu.memref_slice %arg9[%dma_wait3A_99, %dma_wait3A_100, %dma_wait3A_101] : memref<2x128x32xf32, #tpu.memory_space<vmem>> -> memref<1x128x32xf32, #tpu.memory_space<vmem>>
      %dma_wait3A_103 = tpu.memref_squeeze %dma_wait3A_102 : memref<1x128x32xf32, #tpu.memory_space<vmem>> -> memref<128x32xf32, #tpu.memory_space<vmem>>
      %dma_wait3A_104 = arith.constant 0 : i32
      %dma_wait3A_105 = tpu.memref_slice %arg7[%add3A_98, %dma_wait3A_104] : memref<80x128xi32, #tpu.memory_space<vmem>> -> memref<1x128xi32, #tpu.memory_space<vmem>>
      %dma_wait3A_106 = tpu.memref_squeeze %dma_wait3A_105 : memref<1x128xi32, #tpu.memory_space<vmem>> -> memref<128xi32, #tpu.memory_space<vmem>>
      %dma_wait3A_107 = arith.constant 0 : i32
      %dma_wait3A_108 = arith.constant 0 : i32
      %dma_wait3A_109 = tpu.memref_slice %arg11[%dma_wait3A_107, %dma_wait3A_108] : memref<10112x32xf32, #tpu.memory_space<vmem_shared>> -> memref<10112x32xf32, #tpu.memory_space<vmem_shared>>
      tpu.wait_indirect_dma semaphore(%arg12 : memref<!tpu.dma_semaphore, #tpu.memory_space<semaphore_mem>>) src(%dma_wait3A_109 : memref<10112x32xf32, #tpu.memory_space<vmem_shared>>) dst(%dma_wait3A_103 : memref<128x32xf32, #tpu.memory_space<vmem>>)
      %add3A_110 = arith.constant 0 : i32
      %add3A_111 = arith.addi %mul3A_96, %add3A_110 : i32
      %run_scoped3A_112 = arith.constant 0 : i32
      "tpu.region"() ({
        %run_scoped3A_159 = tpu.sem_alloc : memref<!tpu.dma_semaphore, #tpu.memory_space<semaphore_mem>>
        %dma_start3A_160 = arith.constant 0 : i32
        %dma_start3A_161 = arith.constant 0 : i32
        %dma_start3A_162 = tpu.memref_slice %arg9[%run_scoped3A_112, %dma_start3A_160, %dma_start3A_161] : memref<2x128x32xf32, #tpu.memory_space<vmem>> -> memref<1x128x32xf32, #tpu.memory_space<vmem>>
        %dma_start3A_163 = tpu.memref_squeeze %dma_start3A_162 : memref<1x128x32xf32, #tpu.memory_space<vmem>> -> memref<128x32xf32, #tpu.memory_space<vmem>>
        %dma_start3A_164 = arith.constant 0 : i32
        %dma_start3A_165 = tpu.memref_slice %arg8[%add3A_111, %dma_start3A_164] : memref<80x128xi32, #tpu.memory_space<vmem>> -> memref<1x128xi32, #tpu.memory_space<vmem>>
        %dma_start3A_166 = tpu.memref_squeeze %dma_start3A_165 : memref<1x128xi32, #tpu.memory_space<vmem>> -> memref<128xi32, #tpu.memory_space<vmem>>
        %dma_start3A_167 = arith.constant 0 : i32
        %dma_start3A_168 = arith.constant 0 : i32
        %dma_start3A_169 = tpu.memref_slice %arg10[%dma_start3A_167, %dma_start3A_168] : memref<10112x32xf32, #tpu.memory_space<vmem_shared>> -> memref<10112x32xf32, #tpu.memory_space<vmem_shared>>
        tpu.enqueue_indirect_dma source(%dma_start3A_163 : memref<128x32xf32, #tpu.memory_space<vmem>>) target(%dma_start3A_169 : memref<10112x32xf32, #tpu.memory_space<vmem_shared>>) offsets(%dma_start3A_166 : memref<128xi32, #tpu.memory_space<vmem>>) semaphore(%run_scoped3A_159 : memref<!tpu.dma_semaphore, #tpu.memory_space<semaphore_mem>>) {add = true}
        %dma_wait3A_170 = arith.constant 0 : i32
        %dma_wait3A_171 = arith.constant 0 : i32
        %dma_wait3A_172 = tpu.memref_slice %arg9[%run_scoped3A_112, %dma_wait3A_170, %dma_wait3A_171] : memref<2x128x32xf32, #tpu.memory_space<vmem>> -> memref<1x128x32xf32, #tpu.memory_space<vmem>>
        %dma_wait3A_173 = tpu.memref_squeeze %dma_wait3A_172 : memref<1x128x32xf32, #tpu.memory_space<vmem>> -> memref<128x32xf32, #tpu.memory_space<vmem>>
        %dma_wait3A_174 = arith.constant 0 : i32
        %dma_wait3A_175 = tpu.memref_slice %arg8[%add3A_111, %dma_wait3A_174] : memref<80x128xi32, #tpu.memory_space<vmem>> -> memref<1x128xi32, #tpu.memory_space<vmem>>
        %dma_wait3A_176 = tpu.memref_squeeze %dma_wait3A_175 : memref<1x128xi32, #tpu.memory_space<vmem>> -> memref<128xi32, #tpu.memory_space<vmem>>
        %dma_wait3A_177 = arith.constant 0 : i32
        %dma_wait3A_178 = arith.constant 0 : i32
        %dma_wait3A_179 = tpu.memref_slice %arg10[%dma_wait3A_177, %dma_wait3A_178] : memref<10112x32xf32, #tpu.memory_space<vmem_shared>> -> memref<10112x32xf32, #tpu.memory_space<vmem_shared>>
        tpu.wait_indirect_dma semaphore(%run_scoped3A_159 : memref<!tpu.dma_semaphore, #tpu.memory_space<semaphore_mem>>) src(%dma_wait3A_173 : memref<128x32xf32, #tpu.memory_space<vmem>>) dst(%dma_wait3A_179 : memref<10112x32xf32, #tpu.memory_space<vmem_shared>>)
        tpu.yield
      }) : () -> ()
      %add3A_113 = arith.constant 0 : i32
      %add3A_114 = arith.addi %mul3A_96, %add3A_113 : i32
      %add3A_115 = arith.constant 2 : i32
      %add3A_116 = arith.addi %add3A_114, %add3A_115 : i32
      %dma_start3A_117 = arith.constant 0 : i32
      %dma_start3A_118 = arith.constant 0 : i32
      %dma_start3A_119 = arith.constant 0 : i32
      %dma_start3A_120 = tpu.memref_slice %arg9[%dma_start3A_117, %dma_start3A_118, %dma_start3A_119] : memref<2x128x32xf32, #tpu.memory_space<vmem>> -> memref<1x128x32xf32, #tpu.memory_space<vmem>>
      %dma_start3A_121 = tpu.memref_squeeze %dma_start3A_120 : memref<1x128x32xf32, #tpu.memory_space<vmem>> -> memref<128x32xf32, #tpu.memory_space<vmem>>
      %dma_start3A_122 = arith.constant 0 : i32
      %dma_start3A_123 = tpu.memref_slice %arg7[%add3A_116, %dma_start3A_122] : memref<80x128xi32, #tpu.memory_space<vmem>> -> memref<1x128xi32, #tpu.memory_space<vmem>>
      %dma_start3A_124 = tpu.memref_squeeze %dma_start3A_123 : memref<1x128xi32, #tpu.memory_space<vmem>> -> memref<128xi32, #tpu.memory_space<vmem>>
      %dma_start3A_125 = arith.constant 0 : i32
      %dma_start3A_126 = arith.constant 0 : i32
      %dma_start3A_127 = tpu.memref_slice %arg11[%dma_start3A_125, %dma_start3A_126] : memref<10112x32xf32, #tpu.memory_space<vmem_shared>> -> memref<10112x32xf32, #tpu.memory_space<vmem_shared>>
      tpu.enqueue_indirect_dma source(%dma_start3A_127 : memref<10112x32xf32, #tpu.memory_space<vmem_shared>>) target(%dma_start3A_121 : memref<128x32xf32, #tpu.memory_space<vmem>>) offsets(%dma_start3A_124 : memref<128xi32, #tpu.memory_space<vmem>>) semaphore(%arg12 : memref<!tpu.dma_semaphore, #tpu.memory_space<semaphore_mem>>)
      %add3A_128 = arith.constant 1 : i32
      %add3A_129 = arith.addi %mul3A_96, %add3A_128 : i32
      %dma_wait3A_130 = arith.constant 1 : i32
      %dma_wait3A_131 = arith.constant 0 : i32
      %dma_wait3A_132 = arith.constant 0 : i32
      %dma_wait3A_133 = tpu.memref_slice %arg9[%dma_wait3A_130, %dma_wait3A_131, %dma_wait3A_132] : memref<2x128x32xf32, #tpu.memory_space<vmem>> -> memref<1x128x32xf32, #tpu.memory_space<vmem>>
      %dma_wait3A_134 = tpu.memref_squeeze %dma_wait3A_133 : memref<1x128x32xf32, #tpu.memory_space<vmem>> -> memref<128x32xf32, #tpu.memory_space<vmem>>
      %dma_wait3A_135 = arith.constant 0 : i32
      %dma_wait3A_136 = tpu.memref_slice %arg7[%add3A_129, %dma_wait3A_135] : memref<80x128xi32, #tpu.memory_space<vmem>> -> memref<1x128xi32, #tpu.memory_space<vmem>>
      %dma_wait3A_137 = tpu.memref_squeeze %dma_wait3A_136 : memref<1x128xi32, #tpu.memory_space<vmem>> -> memref<128xi32, #tpu.memory_space<vmem>>
      %dma_wait3A_138 = arith.constant 0 : i32
      %dma_wait3A_139 = arith.constant 0 : i32
      %dma_wait3A_140 = tpu.memref_slice %arg11[%dma_wait3A_138, %dma_wait3A_139] : memref<10112x32xf32, #tpu.memory_space<vmem_shared>> -> memref<10112x32xf32, #tpu.memory_space<vmem_shared>>
      tpu.wait_indirect_dma semaphore(%arg13 : memref<!tpu.dma_semaphore, #tpu.memory_space<semaphore_mem>>) src(%dma_wait3A_140 : memref<10112x32xf32, #tpu.memory_space<vmem_shared>>) dst(%dma_wait3A_134 : memref<128x32xf32, #tpu.memory_space<vmem>>)
      %add3A_141 = arith.constant 1 : i32
      %add3A_142 = arith.addi %mul3A_96, %add3A_141 : i32
      %run_scoped3A_143 = arith.constant 1 : i32
      "tpu.region"() ({
        %run_scoped3A_159 = tpu.sem_alloc : memref<!tpu.dma_semaphore, #tpu.memory_space<semaphore_mem>>
        %dma_start3A_160 = arith.constant 0 : i32
        %dma_start3A_161 = arith.constant 0 : i32
        %dma_start3A_162 = tpu.memref_slice %arg9[%run_scoped3A_143, %dma_start3A_160, %dma_start3A_161] : memref<2x128x32xf32, #tpu.memory_space<vmem>> -> memref<1x128x32xf32, #tpu.memory_space<vmem>>
        %dma_start3A_163 = tpu.memref_squeeze %dma_start3A_162 : memref<1x128x32xf32, #tpu.memory_space<vmem>> -> memref<128x32xf32, #tpu.memory_space<vmem>>
        %dma_start3A_164 = arith.constant 0 : i32
        %dma_start3A_165 = tpu.memref_slice %arg8[%add3A_142, %dma_start3A_164] : memref<80x128xi32, #tpu.memory_space<vmem>> -> memref<1x128xi32, #tpu.memory_space<vmem>>
        %dma_start3A_166 = tpu.memref_squeeze %dma_start3A_165 : memref<1x128xi32, #tpu.memory_space<vmem>> -> memref<128xi32, #tpu.memory_space<vmem>>
        %dma_start3A_167 = arith.constant 0 : i32
        %dma_start3A_168 = arith.constant 0 : i32
        %dma_start3A_169 = tpu.memref_slice %arg10[%dma_start3A_167, %dma_start3A_168] : memref<10112x32xf32, #tpu.memory_space<vmem_shared>> -> memref<10112x32xf32, #tpu.memory_space<vmem_shared>>
        tpu.enqueue_indirect_dma source(%dma_start3A_163 : memref<128x32xf32, #tpu.memory_space<vmem>>) target(%dma_start3A_169 : memref<10112x32xf32, #tpu.memory_space<vmem_shared>>) offsets(%dma_start3A_166 : memref<128xi32, #tpu.memory_space<vmem>>) semaphore(%run_scoped3A_159 : memref<!tpu.dma_semaphore, #tpu.memory_space<semaphore_mem>>) {add = true}
        %dma_wait3A_170 = arith.constant 0 : i32
        %dma_wait3A_171 = arith.constant 0 : i32
        %dma_wait3A_172 = tpu.memref_slice %arg9[%run_scoped3A_143, %dma_wait3A_170, %dma_wait3A_171] : memref<2x128x32xf32, #tpu.memory_space<vmem>> -> memref<1x128x32xf32, #tpu.memory_space<vmem>>
        %dma_wait3A_173 = tpu.memref_squeeze %dma_wait3A_172 : memref<1x128x32xf32, #tpu.memory_space<vmem>> -> memref<128x32xf32, #tpu.memory_space<vmem>>
        %dma_wait3A_174 = arith.constant 0 : i32
        %dma_wait3A_175 = tpu.memref_slice %arg8[%add3A_142, %dma_wait3A_174] : memref<80x128xi32, #tpu.memory_space<vmem>> -> memref<1x128xi32, #tpu.memory_space<vmem>>
        %dma_wait3A_176 = tpu.memref_squeeze %dma_wait3A_175 : memref<1x128xi32, #tpu.memory_space<vmem>> -> memref<128xi32, #tpu.memory_space<vmem>>
        %dma_wait3A_177 = arith.constant 0 : i32
        %dma_wait3A_178 = arith.constant 0 : i32
        %dma_wait3A_179 = tpu.memref_slice %arg10[%dma_wait3A_177, %dma_wait3A_178] : memref<10112x32xf32, #tpu.memory_space<vmem_shared>> -> memref<10112x32xf32, #tpu.memory_space<vmem_shared>>
        tpu.wait_indirect_dma semaphore(%run_scoped3A_159 : memref<!tpu.dma_semaphore, #tpu.memory_space<semaphore_mem>>) src(%dma_wait3A_173 : memref<128x32xf32, #tpu.memory_space<vmem>>) dst(%dma_wait3A_179 : memref<10112x32xf32, #tpu.memory_space<vmem_shared>>)
        tpu.yield
      }) : () -> ()
      %add3A_144 = arith.constant 1 : i32
      %add3A_145 = arith.addi %mul3A_96, %add3A_144 : i32
      %add3A_146 = arith.constant 2 : i32
      %add3A_147 = arith.addi %add3A_145, %add3A_146 : i32
      %dma_start3A_148 = arith.constant 1 : i32
      %dma_start3A_149 = arith.constant 0 : i32
      %dma_start3A_150 = arith.constant 0 : i32
      %dma_start3A_151 = tpu.memref_slice %arg9[%dma_start3A_148, %dma_start3A_149, %dma_start3A_150] : memref<2x128x32xf32, #tpu.memory_space<vmem>> -> memref<1x128x32xf32, #tpu.memory_space<vmem>>
      %dma_start3A_152 = tpu.memref_squeeze %dma_start3A_151 : memref<1x128x32xf32, #tpu.memory_space<vmem>> -> memref<128x32xf32, #tpu.memory_space<vmem>>
      %dma_start3A_153 = arith.constant 0 : i32
      %dma_start3A_154 = tpu.memref_slice %arg7[%add3A_147, %dma_start3A_153] : memref<80x128xi32, #tpu.memory_space<vmem>> -> memref<1x128xi32, #tpu.memory_space<vmem>>
      %dma_start3A_155 = tpu.memref_squeeze %dma_start3A_154 : memref<1x128xi32, #tpu.memory_space<vmem>> -> memref<128xi32, #tpu.memory_space<vmem>>
      %dma_start3A_156 = arith.constant 0 : i32
      %dma_start3A_157 = arith.constant 0 : i32
      %dma_start3A_158 = tpu.memref_slice %arg11[%dma_start3A_156, %dma_start3A_157] : memref<10112x32xf32, #tpu.memory_space<vmem_shared>> -> memref<10112x32xf32, #tpu.memory_space<vmem_shared>>
      tpu.enqueue_indirect_dma source(%dma_start3A_158 : memref<10112x32xf32, #tpu.memory_space<vmem_shared>>) target(%dma_start3A_152 : memref<128x32xf32, #tpu.memory_space<vmem>>) offsets(%dma_start3A_155 : memref<128xi32, #tpu.memory_space<vmem>>) semaphore(%arg13 : memref<!tpu.dma_semaphore, #tpu.memory_space<semaphore_mem>>)
    }
    %while3A_62 = arith.constant 1 : i32
    scf.for %while3A_94 = %while3A_60 to %while3A_56 step %while3A_62  : i32 {
      %mul3A_95 = arith.constant 2 : i32
      %mul3A_96 = arith.muli %while3A_94, %mul3A_95 : i32
      %add3A_97 = arith.constant 0 : i32
      %add3A_98 = arith.addi %mul3A_96, %add3A_97 : i32
      %dma_wait3A_99 = arith.constant 0 : i32
      %dma_wait3A_100 = arith.constant 0 : i32
      %dma_wait3A_101 = arith.constant 0 : i32
      %dma_wait3A_102 = tpu.memref_slice %arg9[%dma_wait3A_99, %dma_wait3A_100, %dma_wait3A_101] : memref<2x128x32xf32, #tpu.memory_space<vmem>> -> memref<1x128x32xf32, #tpu.memory_space<vmem>>
      %dma_wait3A_103 = tpu.memref_squeeze %dma_wait3A_102 : memref<1x128x32xf32, #tpu.memory_space<vmem>> -> memref<128x32xf32, #tpu.memory_space<vmem>>
      %dma_wait3A_104 = arith.constant 0 : i32
      %dma_wait3A_105 = tpu.memref_slice %arg7[%add3A_98, %dma_wait3A_104] : memref<80x128xi32, #tpu.memory_space<vmem>> -> memref<1x128xi32, #tpu.memory_space<vmem>>
      %dma_wait3A_106 = tpu.memref_squeeze %dma_wait3A_105 : memref<1x128xi32, #tpu.memory_space<vmem>> -> memref<128xi32, #tpu.memory_space<vmem>>
      %dma_wait3A_107 = arith.constant 0 : i32
      %dma_wait3A_108 = arith.constant 0 : i32
      %dma_wait3A_109 = tpu.memref_slice %arg11[%dma_wait3A_107, %dma_wait3A_108] : memref<10112x32xf32, #tpu.memory_space<vmem_shared>> -> memref<10112x32xf32, #tpu.memory_space<vmem_shared>>
      tpu.wait_indirect_dma semaphore(%arg12 : memref<!tpu.dma_semaphore, #tpu.memory_space<semaphore_mem>>) src(%dma_wait3A_109 : memref<10112x32xf32, #tpu.memory_space<vmem_shared>>) dst(%dma_wait3A_103 : memref<128x32xf32, #tpu.memory_space<vmem>>)
      %add3A_110 = arith.constant 0 : i32
      %add3A_111 = arith.addi %mul3A_96, %add3A_110 : i32
      %run_scoped3A_112 = arith.constant 0 : i32
      "tpu.region"() ({
        %run_scoped3A_159 = tpu.sem_alloc : memref<!tpu.dma_semaphore, #tpu.memory_space<semaphore_mem>>
        %dma_start3A_160 = arith.constant 0 : i32
        %dma_start3A_161 = arith.constant 0 : i32
        %dma_start3A_162 = tpu.memref_slice %arg9[%run_scoped3A_112, %dma_start3A_160, %dma_start3A_161] : memref<2x128x32xf32, #tpu.memory_space<vmem>> -> memref<1x128x32xf32, #tpu.memory_space<vmem>>
        %dma_start3A_163 = tpu.memref_squeeze %dma_start3A_162 : memref<1x128x32xf32, #tpu.memory_space<vmem>> -> memref<128x32xf32, #tpu.memory_space<vmem>>
        %dma_start3A_164 = arith.constant 0 : i32
        %dma_start3A_165 = tpu.memref_slice %arg8[%add3A_111, %dma_start3A_164] : memref<80x128xi32, #tpu.memory_space<vmem>> -> memref<1x128xi32, #tpu.memory_space<vmem>>
        %dma_start3A_166 = tpu.memref_squeeze %dma_start3A_165 : memref<1x128xi32, #tpu.memory_space<vmem>> -> memref<128xi32, #tpu.memory_space<vmem>>
        %dma_start3A_167 = arith.constant 0 : i32
        %dma_start3A_168 = arith.constant 0 : i32
        %dma_start3A_169 = tpu.memref_slice %arg10[%dma_start3A_167, %dma_start3A_168] : memref<10112x32xf32, #tpu.memory_space<vmem_shared>> -> memref<10112x32xf32, #tpu.memory_space<vmem_shared>>
        tpu.enqueue_indirect_dma source(%dma_start3A_163 : memref<128x32xf32, #tpu.memory_space<vmem>>) target(%dma_start3A_169 : memref<10112x32xf32, #tpu.memory_space<vmem_shared>>) offsets(%dma_start3A_166 : memref<128xi32, #tpu.memory_space<vmem>>) semaphore(%run_scoped3A_159 : memref<!tpu.dma_semaphore, #tpu.memory_space<semaphore_mem>>) {add = true}
        %dma_wait3A_170 = arith.constant 0 : i32
        %dma_wait3A_171 = arith.constant 0 : i32
        %dma_wait3A_172 = tpu.memref_slice %arg9[%run_scoped3A_112, %dma_wait3A_170, %dma_wait3A_171] : memref<2x128x32xf32, #tpu.memory_space<vmem>> -> memref<1x128x32xf32, #tpu.memory_space<vmem>>
        %dma_wait3A_173 = tpu.memref_squeeze %dma_wait3A_172 : memref<1x128x32xf32, #tpu.memory_space<vmem>> -> memref<128x32xf32, #tpu.memory_space<vmem>>
        %dma_wait3A_174 = arith.constant 0 : i32
        %dma_wait3A_175 = tpu.memref_slice %arg8[%add3A_111, %dma_wait3A_174] : memref<80x128xi32, #tpu.memory_space<vmem>> -> memref<1x128xi32, #tpu.memory_space<vmem>>
        %dma_wait3A_176 = tpu.memref_squeeze %dma_wait3A_175 : memref<1x128xi32, #tpu.memory_space<vmem>> -> memref<128xi32, #tpu.memory_space<vmem>>
        %dma_wait3A_177 = arith.constant 0 : i32
        %dma_wait3A_178 = arith.constant 0 : i32
        %dma_wait3A_179 = tpu.memref_slice %arg10[%dma_wait3A_177, %dma_wait3A_178] : memref<10112x32xf32, #tpu.memory_space<vmem_shared>> -> memref<10112x32xf32, #tpu.memory_space<vmem_shared>>
        tpu.wait_indirect_dma semaphore(%run_scoped3A_159 : memref<!tpu.dma_semaphore, #tpu.memory_space<semaphore_mem>>) src(%dma_wait3A_173 : memref<128x32xf32, #tpu.memory_space<vmem>>) dst(%dma_wait3A_179 : memref<10112x32xf32, #tpu.memory_space<vmem_shared>>)
        tpu.yield
      }) : () -> ()
      %add3A_113 = arith.constant 0 : i32
      %add3A_114 = arith.addi %mul3A_96, %add3A_113 : i32
      %add3A_115 = arith.constant 2 : i32
      %add3A_116 = arith.addi %add3A_114, %add3A_115 : i32
      %dma_start3A_117 = arith.constant 0 : i32
      %dma_start3A_118 = arith.constant 0 : i32
      %dma_start3A_119 = arith.constant 0 : i32
      %dma_start3A_120 = tpu.memref_slice %arg9[%dma_start3A_117, %dma_start3A_118, %dma_start3A_119] : memref<2x128x32xf32, #tpu.memory_space<vmem>> -> memref<1x128x32xf32, #tpu.memory_space<vmem>>
      %dma_start3A_121 = tpu.memref_squeeze %dma_start3A_120 : memref<1x128x32xf32, #tpu.memory_space<vmem>> -> memref<128x32xf32, #tpu.memory_space<vmem>>
      %dma_start3A_122 = arith.constant 0 : i32
      %dma_start3A_123 = tpu.memref_slice %arg7[%add3A_116, %dma_start3A_122] : memref<80x128xi32, #tpu.memory_space<vmem>> -> memref<1x128xi32, #tpu.memory_space<vmem>>
      %dma_start3A_124 = tpu.memref_squeeze %dma_start3A_123 : memref<1x128xi32, #tpu.memory_space<vmem>> -> memref<128xi32, #tpu.memory_space<vmem>>
      %dma_start3A_125 = arith.constant 0 : i32
      %dma_start3A_126 = arith.constant 0 : i32
      %dma_start3A_127 = tpu.memref_slice %arg11[%dma_start3A_125, %dma_start3A_126] : memref<10112x32xf32, #tpu.memory_space<vmem_shared>> -> memref<10112x32xf32, #tpu.memory_space<vmem_shared>>
      tpu.enqueue_indirect_dma source(%dma_start3A_127 : memref<10112x32xf32, #tpu.memory_space<vmem_shared>>) target(%dma_start3A_121 : memref<128x32xf32, #tpu.memory_space<vmem>>) offsets(%dma_start3A_124 : memref<128xi32, #tpu.memory_space<vmem>>) semaphore(%arg12 : memref<!tpu.dma_semaphore, #tpu.memory_space<semaphore_mem>>)
      %add3A_128 = arith.constant 1 : i32
      %add3A_129 = arith.addi %mul3A_96, %add3A_128 : i32
      %dma_wait3A_130 = arith.constant 1 : i32
      %dma_wait3A_131 = arith.constant 0 : i32
      %dma_wait3A_132 = arith.constant 0 : i32
      %dma_wait3A_133 = tpu.memref_slice %arg9[%dma_wait3A_130, %dma_wait3A_131, %dma_wait3A_132] : memref<2x128x32xf32, #tpu.memory_space<vmem>> -> memref<1x128x32xf32, #tpu.memory_space<vmem>>
      %dma_wait3A_134 = tpu.memref_squeeze %dma_wait3A_133 : memref<1x128x32xf32, #tpu.memory_space<vmem>> -> memref<128x32xf32, #tpu.memory_space<vmem>>
      %dma_wait3A_135 = arith.constant 0 : i32
      %dma_wait3A_136 = tpu.memref_slice %arg7[%add3A_129, %dma_wait3A_135] : memref<80x128xi32, #tpu.memory_space<vmem>> -> memref<1x128xi32, #tpu.memory_space<vmem>>
      %dma_wait3A_137 = tpu.memref_squeeze %dma_wait3A_136 : memref<1x128xi32, #tpu.memory_space<vmem>> -> memref<128xi32, #tpu.memory_space<vmem>>
      %dma_wait3A_138 = arith.constant 0 : i32
      %dma_wait3A_139 = arith.constant 0 : i32
      %dma_wait3A_140 = tpu.memref_slice %arg11[%dma_wait3A_138, %dma_wait3A_139] : memref<10112x32xf32, #tpu.memory_space<vmem_shared>> -> memref<10112x32xf32, #tpu.memory_space<vmem_shared>>
      tpu.wait_indirect_dma semaphore(%arg13 : memref<!tpu.dma_semaphore, #tpu.memory_space<semaphore_mem>>) src(%dma_wait3A_140 : memref<10112x32xf32, #tpu.memory_space<vmem_shared>>) dst(%dma_wait3A_134 : memref<128x32xf32, #tpu.memory_space<vmem>>)
      %add3A_141 = arith.constant 1 : i32
      %add3A_142 = arith.addi %mul3A_96, %add3A_141 : i32
      %run_scoped3A_143 = arith.constant 1 : i32
      "tpu.region"() ({
        %run_scoped3A_159 = tpu.sem_alloc : memref<!tpu.dma_semaphore, #tpu.memory_space<semaphore_mem>>
        %dma_start3A_160 = arith.constant 0 : i32
        %dma_start3A_161 = arith.constant 0 : i32
        %dma_start3A_162 = tpu.memref_slice %arg9[%run_scoped3A_143, %dma_start3A_160, %dma_start3A_161] : memref<2x128x32xf32, #tpu.memory_space<vmem>> -> memref<1x128x32xf32, #tpu.memory_space<vmem>>
        %dma_start3A_163 = tpu.memref_squeeze %dma_start3A_162 : memref<1x128x32xf32, #tpu.memory_space<vmem>> -> memref<128x32xf32, #tpu.memory_space<vmem>>
        %dma_start3A_164 = arith.constant 0 : i32
        %dma_start3A_165 = tpu.memref_slice %arg8[%add3A_142, %dma_start3A_164] : memref<80x128xi32, #tpu.memory_space<vmem>> -> memref<1x128xi32, #tpu.memory_space<vmem>>
        %dma_start3A_166 = tpu.memref_squeeze %dma_start3A_165 : memref<1x128xi32, #tpu.memory_space<vmem>> -> memref<128xi32, #tpu.memory_space<vmem>>
        %dma_start3A_167 = arith.constant 0 : i32
        %dma_start3A_168 = arith.constant 0 : i32
        %dma_start3A_169 = tpu.memref_slice %arg10[%dma_start3A_167, %dma_start3A_168] : memref<10112x32xf32, #tpu.memory_space<vmem_shared>> -> memref<10112x32xf32, #tpu.memory_space<vmem_shared>>
        tpu.enqueue_indirect_dma source(%dma_start3A_163 : memref<128x32xf32, #tpu.memory_space<vmem>>) target(%dma_start3A_169 : memref<10112x32xf32, #tpu.memory_space<vmem_shared>>) offsets(%dma_start3A_166 : memref<128xi32, #tpu.memory_space<vmem>>) semaphore(%run_scoped3A_159 : memref<!tpu.dma_semaphore, #tpu.memory_space<semaphore_mem>>) {add = true}
        %dma_wait3A_170 = arith.constant 0 : i32
        %dma_wait3A_171 = arith.constant 0 : i32
        %dma_wait3A_172 = tpu.memref_slice %arg9[%run_scoped3A_143, %dma_wait3A_170, %dma_wait3A_171] : memref<2x128x32xf32, #tpu.memory_space<vmem>> -> memref<1x128x32xf32, #tpu.memory_space<vmem>>
        %dma_wait3A_173 = tpu.memref_squeeze %dma_wait3A_172 : memref<1x128x32xf32, #tpu.memory_space<vmem>> -> memref<128x32xf32, #tpu.memory_space<vmem>>
        %dma_wait3A_174 = arith.constant 0 : i32
        %dma_wait3A_175 = tpu.memref_slice %arg8[%add3A_142, %dma_wait3A_174] : memref<80x128xi32, #tpu.memory_space<vmem>> -> memref<1x128xi32, #tpu.memory_space<vmem>>
        %dma_wait3A_176 = tpu.memref_squeeze %dma_wait3A_175 : memref<1x128xi32, #tpu.memory_space<vmem>> -> memref<128xi32, #tpu.memory_space<vmem>>
        %dma_wait3A_177 = arith.constant 0 : i32
        %dma_wait3A_178 = arith.constant 0 : i32
        %dma_wait3A_179 = tpu.memref_slice %arg10[%dma_wait3A_177, %dma_wait3A_178] : memref<10112x32xf32, #tpu.memory_space<vmem_shared>> -> memref<10112x32xf32, #tpu.memory_space<vmem_shared>>
        tpu.wait_indirect_dma semaphore(%run_scoped3A_159 : memref<!tpu.dma_semaphore, #tpu.memory_space<semaphore_mem>>) src(%dma_wait3A_173 : memref<128x32xf32, #tpu.memory_space<vmem>>) dst(%dma_wait3A_179 : memref<10112x32xf32, #tpu.memory_space<vmem_shared>>)
        tpu.yield
      }) : () -> ()
      %add3A_144 = arith.constant 1 : i32
      %add3A_145 = arith.addi %mul3A_96, %add3A_144 : i32
      %add3A_146 = arith.constant 2 : i32
      %add3A_147 = arith.addi %add3A_145, %add3A_146 : i32
      %dma_start3A_148 = arith.constant 1 : i32
      %dma_start3A_149 = arith.constant 0 : i32
      %dma_start3A_150 = arith.constant 0 : i32
      %dma_start3A_151 = tpu.memref_slice %arg9[%dma_start3A_148, %dma_start3A_149, %dma_start3A_150] : memref<2x128x32xf32, #tpu.memory_space<vmem>> -> memref<1x128x32xf32, #tpu.memory_space<vmem>>
      %dma_start3A_152 = tpu.memref_squeeze %dma_start3A_151 : memref<1x128x32xf32, #tpu.memory_space<vmem>> -> memref<128x32xf32, #tpu.memory_space<vmem>>
      %dma_start3A_153 = arith.constant 0 : i32
      %dma_start3A_154 = tpu.memref_slice %arg7[%add3A_147, %dma_start3A_153] : memref<80x128xi32, #tpu.memory_space<vmem>> -> memref<1x128xi32, #tpu.memory_space<vmem>>
      %dma_start3A_155 = tpu.memref_squeeze %dma_start3A_154 : memref<1x128xi32, #tpu.memory_space<vmem>> -> memref<128xi32, #tpu.memory_space<vmem>>
      %dma_start3A_156 = arith.constant 0 : i32
      %dma_start3A_157 = arith.constant 0 : i32
      %dma_start3A_158 = tpu.memref_slice %arg11[%dma_start3A_156, %dma_start3A_157] : memref<10112x32xf32, #tpu.memory_space<vmem_shared>> -> memref<10112x32xf32, #tpu.memory_space<vmem_shared>>
      tpu.enqueue_indirect_dma source(%dma_start3A_158 : memref<10112x32xf32, #tpu.memory_space<vmem_shared>>) target(%dma_start3A_152 : memref<128x32xf32, #tpu.memory_space<vmem>>) offsets(%dma_start3A_155 : memref<128xi32, #tpu.memory_space<vmem>>) semaphore(%arg13 : memref<!tpu.dma_semaphore, #tpu.memory_space<semaphore_mem>>)
    }
    %sub3A_63 = arith.constant 2 : i32
    %sub3A_64 = arith.subi %select_n3A, %sub3A_63 : i32
    %add3A_65 = arith.constant 0 : i32
    %add3A_66 = arith.addi %sub3A_64, %add3A_65 : i32
    %dma_wait3A = arith.constant 0 : i32
    %dma_wait3A_67 = arith.constant 0 : i32
    %dma_wait3A_68 = arith.constant 0 : i32
    %dma_wait3A_69 = tpu.memref_slice %arg9[%dma_wait3A, %dma_wait3A_67, %dma_wait3A_68] : memref<2x128x32xf32, #tpu.memory_space<vmem>> -> memref<1x128x32xf32, #tpu.memory_space<vmem>>
    %dma_wait3A_70 = tpu.memref_squeeze %dma_wait3A_69 : memref<1x128x32xf32, #tpu.memory_space<vmem>> -> memref<128x32xf32, #tpu.memory_space<vmem>>
    %dma_wait3A_71 = arith.constant 0 : i32
    %dma_wait3A_72 = tpu.memref_slice %arg7[%add3A_66, %dma_wait3A_71] : memref<80x128xi32, #tpu.memory_space<vmem>> -> memref<1x128xi32, #tpu.memory_space<vmem>>
    %dma_wait3A_73 = tpu.memref_squeeze %dma_wait3A_72 : memref<1x128xi32, #tpu.memory_space<vmem>> -> memref<128xi32, #tpu.memory_space<vmem>>
    %dma_wait3A_74 = arith.constant 0 : i32
    %dma_wait3A_75 = arith.constant 0 : i32
    %dma_wait3A_76 = tpu.memref_slice %arg11[%dma_wait3A_74, %dma_wait3A_75] : memref<10112x32xf32, #tpu.memory_space<vmem_shared>> -> memref<10112x32xf32, #tpu.memory_space<vmem_shared>>
    tpu.wait_indirect_dma semaphore(%arg12 : memref<!tpu.dma_semaphore, #tpu.memory_space<semaphore_mem>>) src(%dma_wait3A_76 : memref<10112x32xf32, #tpu.memory_space<vmem_shared>>) dst(%dma_wait3A_70 : memref<128x32xf32, #tpu.memory_space<vmem>>)
    %run_scoped3A = arith.constant 0 : i32
    "tpu.region"() ({
      %run_scoped3A_94 = tpu.sem_alloc : memref<!tpu.dma_semaphore, #tpu.memory_space<semaphore_mem>>
      %dma_start3A_95 = arith.constant 0 : i32
      %dma_start3A_96 = arith.constant 0 : i32
      %dma_start3A_97 = tpu.memref_slice %arg9[%run_scoped3A, %dma_start3A_95, %dma_start3A_96] : memref<2x128x32xf32, #tpu.memory_space<vmem>> -> memref<1x128x32xf32, #tpu.memory_space<vmem>>
      %dma_start3A_98 = tpu.memref_squeeze %dma_start3A_97 : memref<1x128x32xf32, #tpu.memory_space<vmem>> -> memref<128x32xf32, #tpu.memory_space<vmem>>
      %dma_start3A_99 = arith.constant 0 : i32
      %dma_start3A_100 = tpu.memref_slice %arg8[%add3A_66, %dma_start3A_99] : memref<80x128xi32, #tpu.memory_space<vmem>> -> memref<1x128xi32, #tpu.memory_space<vmem>>
      %dma_start3A_101 = tpu.memref_squeeze %dma_start3A_100 : memref<1x128xi32, #tpu.memory_space<vmem>> -> memref<128xi32, #tpu.memory_space<vmem>>
      %dma_start3A_102 = arith.constant 0 : i32
      %dma_start3A_103 = arith.constant 0 : i32
      %dma_start3A_104 = tpu.memref_slice %arg10[%dma_start3A_102, %dma_start3A_103] : memref<10112x32xf32, #tpu.memory_space<vmem_shared>> -> memref<10112x32xf32, #tpu.memory_space<vmem_shared>>
      tpu.enqueue_indirect_dma source(%dma_start3A_98 : memref<128x32xf32, #tpu.memory_space<vmem>>) target(%dma_start3A_104 : memref<10112x32xf32, #tpu.memory_space<vmem_shared>>) offsets(%dma_start3A_101 : memref<128xi32, #tpu.memory_space<vmem>>) semaphore(%run_scoped3A_94 : memref<!tpu.dma_semaphore, #tpu.memory_space<semaphore_mem>>) {add = true}
      %dma_wait3A_105 = arith.constant 0 : i32
      %dma_wait3A_106 = arith.constant 0 : i32
      %dma_wait3A_107 = tpu.memref_slice %arg9[%run_scoped3A, %dma_wait3A_105, %dma_wait3A_106] : memref<2x128x32xf32, #tpu.memory_space<vmem>> -> memref<1x128x32xf32, #tpu.memory_space<vmem>>
      %dma_wait3A_108 = tpu.memref_squeeze %dma_wait3A_107 : memref<1x128x32xf32, #tpu.memory_space<vmem>> -> memref<128x32xf32, #tpu.memory_space<vmem>>
      %dma_wait3A_109 = arith.constant 0 : i32
      %dma_wait3A_110 = tpu.memref_slice %arg8[%add3A_66, %dma_wait3A_109] : memref<80x128xi32, #tpu.memory_space<vmem>> -> memref<1x128xi32, #tpu.memory_space<vmem>>
      %dma_wait3A_111 = tpu.memref_squeeze %dma_wait3A_110 : memref<1x128xi32, #tpu.memory_space<vmem>> -> memref<128xi32, #tpu.memory_space<vmem>>
      %dma_wait3A_112 = arith.constant 0 : i32
      %dma_wait3A_113 = arith.constant 0 : i32
      %dma_wait3A_114 = tpu.memref_slice %arg10[%dma_wait3A_112, %dma_wait3A_113] : memref<10112x32xf32, #tpu.memory_space<vmem_shared>> -> memref<10112x32xf32, #tpu.memory_space<vmem_shared>>
      tpu.wait_indirect_dma semaphore(%run_scoped3A_94 : memref<!tpu.dma_semaphore, #tpu.memory_space<semaphore_mem>>) src(%dma_wait3A_108 : memref<128x32xf32, #tpu.memory_space<vmem>>) dst(%dma_wait3A_114 : memref<10112x32xf32, #tpu.memory_space<vmem_shared>>)
      tpu.yield
    }) : () -> ()
    %sub3A_77 = arith.constant 2 : i32
    %sub3A_78 = arith.subi %select_n3A, %sub3A_77 : i32
    %add3A_79 = arith.constant 1 : i32
    %add3A_80 = arith.addi %sub3A_78, %add3A_79 : i32
    %dma_wait3A_81 = arith.constant 1 : i32
    %dma_wait3A_82 = arith.constant 0 : i32
    %dma_wait3A_83 = arith.constant 0 : i32
    %dma_wait3A_84 = tpu.memref_slice %arg9[%dma_wait3A_81, %dma_wait3A_82, %dma_wait3A_83] : memref<2x128x32xf32, #tpu.memory_space<vmem>> -> memref<1x128x32xf32, #tpu.memory_space<vmem>>
    %dma_wait3A_85 = tpu.memref_squeeze %dma_wait3A_84 : memref<1x128x32xf32, #tpu.memory_space<vmem>> -> memref<128x32xf32, #tpu.memory_space<vmem>>
    %dma_wait3A_86 = arith.constant 0 : i32
    %dma_wait3A_87 = tpu.memref_slice %arg7[%add3A_80, %dma_wait3A_86] : memref<80x128xi32, #tpu.memory_space<vmem>> -> memref<1x128xi32, #tpu.memory_space<vmem>>
    %dma_wait3A_88 = tpu.memref_squeeze %dma_wait3A_87 : memref<1x128xi32, #tpu.memory_space<vmem>> -> memref<128xi32, #tpu.memory_space<vmem>>
    %dma_wait3A_89 = arith.constant 0 : i32
    %dma_wait3A_90 = arith.constant 0 : i32
    %dma_wait3A_91 = tpu.memref_slice %arg11[%dma_wait3A_89, %dma_wait3A_90] : memref<10112x32xf32, #tpu.memory_space<vmem_shared>> -> memref<10112x32xf32, #tpu.memory_space<vmem_shared>>
    tpu.wait_indirect_dma semaphore(%arg13 : memref<!tpu.dma_semaphore, #tpu.memory_space<semaphore_mem>>) src(%dma_wait3A_91 : memref<10112x32xf32, #tpu.memory_space<vmem_shared>>) dst(%dma_wait3A_85 : memref<128x32xf32, #tpu.memory_space<vmem>>)
    %run_scoped3A_92 = arith.constant 1 : i32
    "tpu.region"() ({
      %run_scoped3A_94 = tpu.sem_alloc : memref<!tpu.dma_semaphore, #tpu.memory_space<semaphore_mem>>
      %dma_start3A_95 = arith.constant 0 : i32
      %dma_start3A_96 = arith.constant 0 : i32
      %dma_start3A_97 = tpu.memref_slice %arg9[%run_scoped3A_92, %dma_start3A_95, %dma_start3A_96] : memref<2x128x32xf32, #tpu.memory_space<vmem>> -> memref<1x128x32xf32, #tpu.memory_space<vmem>>
      %dma_start3A_98 = tpu.memref_squeeze %dma_start3A_97 : memref<1x128x32xf32, #tpu.memory_space<vmem>> -> memref<128x32xf32, #tpu.memory_space<vmem>>
      %dma_start3A_99 = arith.constant 0 : i32
      %dma_start3A_100 = tpu.memref_slice %arg8[%add3A_80, %dma_start3A_99] : memref<80x128xi32, #tpu.memory_space<vmem>> -> memref<1x128xi32, #tpu.memory_space<vmem>>
      %dma_start3A_101 = tpu.memref_squeeze %dma_start3A_100 : memref<1x128xi32, #tpu.memory_space<vmem>> -> memref<128xi32, #tpu.memory_space<vmem>>
      %dma_start3A_102 = arith.constant 0 : i32
      %dma_start3A_103 = arith.constant 0 : i32
      %dma_start3A_104 = tpu.memref_slice %arg10[%dma_start3A_102, %dma_start3A_103] : memref<10112x32xf32, #tpu.memory_space<vmem_shared>> -> memref<10112x32xf32, #tpu.memory_space<vmem_shared>>
      tpu.enqueue_indirect_dma source(%dma_start3A_98 : memref<128x32xf32, #tpu.memory_space<vmem>>) target(%dma_start3A_104 : memref<10112x32xf32, #tpu.memory_space<vmem_shared>>) offsets(%dma_start3A_101 : memref<128xi32, #tpu.memory_space<vmem>>) semaphore(%run_scoped3A_94 : memref<!tpu.dma_semaphore, #tpu.memory_space<semaphore_mem>>) {add = true}
      %dma_wait3A_105 = arith.constant 0 : i32
      %dma_wait3A_106 = arith.constant 0 : i32
      %dma_wait3A_107 = tpu.memref_slice %arg9[%run_scoped3A_92, %dma_wait3A_105, %dma_wait3A_106] : memref<2x128x32xf32, #tpu.memory_space<vmem>> -> memref<1x128x32xf32, #tpu.memory_space<vmem>>
      %dma_wait3A_108 = tpu.memref_squeeze %dma_wait3A_107 : memref<1x128x32xf32, #tpu.memory_space<vmem>> -> memref<128x32xf32, #tpu.memory_space<vmem>>
      %dma_wait3A_109 = arith.constant 0 : i32
      %dma_wait3A_110 = tpu.memref_slice %arg8[%add3A_80, %dma_wait3A_109] : memref<80x128xi32, #tpu.memory_space<vmem>> -> memref<1x128xi32, #tpu.memory_space<vmem>>
      %dma_wait3A_111 = tpu.memref_squeeze %dma_wait3A_110 : memref<1x128xi32, #tpu.memory_space<vmem>> -> memref<128xi32, #tpu.memory_space<vmem>>
      %dma_wait3A_112 = arith.constant 0 : i32
      %dma_wait3A_113 = arith.constant 0 : i32
      %dma_wait3A_114 = tpu.memref_slice %arg10[%dma_wait3A_112, %dma_wait3A_113] : memref<10112x32xf32, #tpu.memory_space<vmem_shared>> -> memref<10112x32xf32, #tpu.memory_space<vmem_shared>>
      tpu.wait_indirect_dma semaphore(%run_scoped3A_94 : memref<!tpu.dma_semaphore, #tpu.memory_space<semaphore_mem>>) src(%dma_wait3A_108 : memref<128x32xf32, #tpu.memory_space<vmem>>) dst(%dma_wait3A_114 : memref<10112x32xf32, #tpu.memory_space<vmem_shared>>)
      tpu.yield
    }) : () -> ()
    %barrier3A_93 = arith.constant 0 : index
    tpu.barrier barrier_id(%barrier3A_93)
    "tpu.region"() ({
      %run_scoped3A_94 = tpu.sem_alloc : memref<!tpu.dma_semaphore, #tpu.memory_space<semaphore_mem>>
      %dma_start3A_95 = arith.constant 0 : i32
      %dma_start3A_96 = tpu.memref_slice %arg6[%arg0, %mul3A_10, %dma_start3A_95] : memref<2x10112x32xf32, #tpu.memory_space<hbm>> -> memref<1x632x32xf32, #tpu.memory_space<hbm>>
      %dma_start3A_97 = tpu.memref_squeeze %dma_start3A_96 : memref<1x632x32xf32, #tpu.memory_space<hbm>> -> memref<632x32xf32, #tpu.memory_space<hbm>>
      %dma_start3A_98 = arith.constant 0 : i32
      %dma_start3A_99 = tpu.memref_slice %arg10[%mul3A_10, %dma_start3A_98] : memref<10112x32xf32, #tpu.memory_space<vmem_shared>> -> memref<632x32xf32, #tpu.memory_space<vmem_shared>>
      tpu.enqueue_dma source(%dma_start3A_99 : memref<632x32xf32, #tpu.memory_space<vmem_shared>>) target(%dma_start3A_97 : memref<632x32xf32, #tpu.memory_space<hbm>>) target_semaphore(%run_scoped3A_94 : memref<!tpu.dma_semaphore, #tpu.memory_space<semaphore_mem>>)
      %dma_wait3A_100 = arith.constant 0 : i32
      %dma_wait3A_101 = tpu.memref_slice %arg6[%arg0, %mul3A_10, %dma_wait3A_100] : memref<2x10112x32xf32, #tpu.memory_space<hbm>> -> memref<1x632x32xf32, #tpu.memory_space<hbm>>
      %dma_wait3A_102 = tpu.memref_squeeze %dma_wait3A_101 : memref<1x632x32xf32, #tpu.memory_space<hbm>> -> memref<632x32xf32, #tpu.memory_space<hbm>>
      %dma_wait3A_103 = arith.constant 0 : i32
      %dma_wait3A_104 = tpu.memref_slice %arg10[%mul3A_10, %dma_wait3A_103] : memref<10112x32xf32, #tpu.memory_space<vmem_shared>> -> memref<632x32xf32, #tpu.memory_space<vmem_shared>>
      tpu.wait_dma2 semaphore(%run_scoped3A_94 : memref<!tpu.dma_semaphore, #tpu.memory_space<semaphore_mem>>) src(%dma_wait3A_104 : memref<632x32xf32, #tpu.memory_space<vmem_shared>>) dst(%dma_wait3A_102 : memref<632x32xf32, #tpu.memory_space<hbm>>)
      tpu.yield
    }) : () -> ()
    return
  }
}

#map = affine_map<(d0, d1) -> (0, 0)>
#map1 = affine_map<(d0, d1) -> (0, 0, 0)>
module attributes {stable_mosaic.version = 14 : i64} {
  func.func @scatter_kernel(%arg0: i32, %arg1: i32, %arg2: memref<10112x64xf32, #tpu.memory_space<hbm>>, %arg3: memref<2502x128xi32, #tpu.memory_space<hbm>>, %arg4: memref<2502x128xi32, #tpu.memory_space<hbm>>, %arg5: memref<10112x64xf32, #tpu.memory_space<hbm>>, %arg6: memref<2x10112x64xf32, #tpu.memory_space<hbm>>, %arg7: memref<80x128xi32, #tpu.memory_space<vmem>>, %arg8: memref<80x128xi32, #tpu.memory_space<vmem>>, %arg9: memref<2x128x64xf32, #tpu.memory_space<vmem>>, %arg10: memref<10112x64xf32, #tpu.memory_space<vmem_shared>>, %arg11: memref<10112x64xf32, #tpu.memory_space<vmem_shared>>, %arg12: memref<!tpu.dma_semaphore, #tpu.memory_space<semaphore_mem>>, %arg13: memref<!tpu.dma_semaphore, #tpu.memory_space<semaphore_mem>>) attributes {dimension_semantics = [#tpu.dimension_semantics<core_parallel>, #tpu.dimension_semantics<subcore_parallel>], iteration_bounds = array<i64: 2, 16>, scalar_prefetch = 0 : i64, scratch_operands = 7 : i64, tpu.core_type = #tpu.core_type<sc_vector_subcore>, window_params = [{transform_indices = #map}, {transform_indices = #map}, {transform_indices = #map}, {transform_indices = #map}, {transform_indices = #map1}]} {
    %mul3A = arith.constant 16 : i32
    %mul3A_0 = arith.muli %arg0, %mul3A : i32
    %add3A = arith.addi %mul3A_0, %arg1 : i32
    %lt3A = arith.constant 2 : i32
    %lt3A_1 = arith.cmpi slt, %add3A, %lt3A : i32
    %jit3A = arith.constant 80 : i32
    %jit3A_2 = arith.constant 78 : i32
    %select_n3A = arith.select %lt3A_1, %jit3A, %jit3A_2 : i32
    %mul3A_3 = arith.constant 78 : i32
    %mul3A_4 = arith.muli %mul3A_3, %add3A : i32
    %min3A = arith.constant 2 : i32
    %min3A_5 = arith.minsi %add3A, %min3A : i32
    %mul3A_6 = arith.constant 2 : i32
    %mul3A_7 = arith.muli %mul3A_6, %min3A_5 : i32
    %add3A_8 = arith.addi %mul3A_4, %mul3A_7 : i32
    "tpu.region"() ({
      %run_scoped3A_94 = tpu.sem_alloc : memref<!tpu.dma_semaphore, #tpu.memory_space<semaphore_mem>>
      %dma_start3A_95 = arith.constant 0 : i32
      %dma_start3A_96 = tpu.memref_slice %arg3[%add3A_8, %dma_start3A_95] : memref<2502x128xi32, #tpu.memory_space<hbm>> -> memref<80x128xi32, #tpu.memory_space<hbm>>
      %dma_start3A_97 = arith.constant 0 : i32
      %dma_start3A_98 = tpu.memref_slice %arg3[%add3A_8, %dma_start3A_97] : memref<2502x128xi32, #tpu.memory_space<hbm>> -> memref<80x128xi32, #tpu.memory_space<hbm>>
      tpu.enqueue_dma source(%dma_start3A_98 : memref<80x128xi32, #tpu.memory_space<hbm>>) target(%arg7 : memref<80x128xi32, #tpu.memory_space<vmem>>) target_semaphore(%run_scoped3A_94 : memref<!tpu.dma_semaphore, #tpu.memory_space<semaphore_mem>>)
      %dma_wait3A_99 = arith.constant 0 : i32
      %dma_wait3A_100 = tpu.memref_slice %arg3[%add3A_8, %dma_wait3A_99] : memref<2502x128xi32, #tpu.memory_space<hbm>> -> memref<80x128xi32, #tpu.memory_space<hbm>>
      %dma_wait3A_101 = arith.constant 0 : i32
      %dma_wait3A_102 = tpu.memref_slice %arg3[%add3A_8, %dma_wait3A_101] : memref<2502x128xi32, #tpu.memory_space<hbm>> -> memref<80x128xi32, #tpu.memory_space<hbm>>
      tpu.wait_dma2 semaphore(%run_scoped3A_94 : memref<!tpu.dma_semaphore, #tpu.memory_space<semaphore_mem>>) src(%dma_wait3A_102 : memref<80x128xi32, #tpu.memory_space<hbm>>) dst(%arg7 : memref<80x128xi32, #tpu.memory_space<vmem>>)
      tpu.yield
    }) : () -> ()
    "tpu.region"() ({
      %run_scoped3A_94 = tpu.sem_alloc : memref<!tpu.dma_semaphore, #tpu.memory_space<semaphore_mem>>
      %dma_start3A_95 = arith.constant 0 : i32
      %dma_start3A_96 = tpu.memref_slice %arg4[%add3A_8, %dma_start3A_95] : memref<2502x128xi32, #tpu.memory_space<hbm>> -> memref<80x128xi32, #tpu.memory_space<hbm>>
      %dma_start3A_97 = arith.constant 0 : i32
      %dma_start3A_98 = tpu.memref_slice %arg4[%add3A_8, %dma_start3A_97] : memref<2502x128xi32, #tpu.memory_space<hbm>> -> memref<80x128xi32, #tpu.memory_space<hbm>>
      tpu.enqueue_dma source(%dma_start3A_98 : memref<80x128xi32, #tpu.memory_space<hbm>>) target(%arg8 : memref<80x128xi32, #tpu.memory_space<vmem>>) target_semaphore(%run_scoped3A_94 : memref<!tpu.dma_semaphore, #tpu.memory_space<semaphore_mem>>)
      %dma_wait3A_99 = arith.constant 0 : i32
      %dma_wait3A_100 = tpu.memref_slice %arg4[%add3A_8, %dma_wait3A_99] : memref<2502x128xi32, #tpu.memory_space<hbm>> -> memref<80x128xi32, #tpu.memory_space<hbm>>
      %dma_wait3A_101 = arith.constant 0 : i32
      %dma_wait3A_102 = tpu.memref_slice %arg4[%add3A_8, %dma_wait3A_101] : memref<2502x128xi32, #tpu.memory_space<hbm>> -> memref<80x128xi32, #tpu.memory_space<hbm>>
      tpu.wait_dma2 semaphore(%run_scoped3A_94 : memref<!tpu.dma_semaphore, #tpu.memory_space<semaphore_mem>>) src(%dma_wait3A_102 : memref<80x128xi32, #tpu.memory_space<hbm>>) dst(%arg8 : memref<80x128xi32, #tpu.memory_space<vmem>>)
      tpu.yield
    }) : () -> ()
    %mul3A_9 = arith.constant 632 : i32
    %mul3A_10 = arith.muli %arg1, %mul3A_9 : i32
    "tpu.region"() ({
      %run_scoped3A_94 = tpu.sem_alloc : memref<!tpu.dma_semaphore, #tpu.memory_space<semaphore_mem>>
      %dma_start3A_95 = arith.constant 0 : i32
      %dma_start3A_96 = tpu.memref_slice %arg10[%mul3A_10, %dma_start3A_95] : memref<10112x64xf32, #tpu.memory_space<vmem_shared>> -> memref<632x64xf32, #tpu.memory_space<vmem_shared>>
      %dma_start3A_97 = arith.constant 0 : i32
      %dma_start3A_98 = tpu.memref_slice %arg5[%mul3A_10, %dma_start3A_97] : memref<10112x64xf32, #tpu.memory_space<hbm>> -> memref<632x64xf32, #tpu.memory_space<hbm>>
      tpu.enqueue_dma source(%dma_start3A_98 : memref<632x64xf32, #tpu.memory_space<hbm>>) target(%dma_start3A_96 : memref<632x64xf32, #tpu.memory_space<vmem_shared>>) target_semaphore(%run_scoped3A_94 : memref<!tpu.dma_semaphore, #tpu.memory_space<semaphore_mem>>)
      %dma_wait3A_99 = arith.constant 0 : i32
      %dma_wait3A_100 = tpu.memref_slice %arg10[%mul3A_10, %dma_wait3A_99] : memref<10112x64xf32, #tpu.memory_space<vmem_shared>> -> memref<632x64xf32, #tpu.memory_space<vmem_shared>>
      %dma_wait3A_101 = arith.constant 0 : i32
      %dma_wait3A_102 = tpu.memref_slice %arg5[%mul3A_10, %dma_wait3A_101] : memref<10112x64xf32, #tpu.memory_space<hbm>> -> memref<632x64xf32, #tpu.memory_space<hbm>>
      tpu.wait_dma2 semaphore(%run_scoped3A_94 : memref<!tpu.dma_semaphore, #tpu.memory_space<semaphore_mem>>) src(%dma_wait3A_102 : memref<632x64xf32, #tpu.memory_space<hbm>>) dst(%dma_wait3A_100 : memref<632x64xf32, #tpu.memory_space<vmem_shared>>)
      tpu.yield
    }) : () -> ()
    "tpu.region"() ({
      %run_scoped3A_94 = tpu.sem_alloc : memref<!tpu.dma_semaphore, #tpu.memory_space<semaphore_mem>>
      %dma_start3A_95 = arith.constant 0 : i32
      %dma_start3A_96 = tpu.memref_slice %arg11[%mul3A_10, %dma_start3A_95] : memref<10112x64xf32, #tpu.memory_space<vmem_shared>> -> memref<632x64xf32, #tpu.memory_space<vmem_shared>>
      %dma_start3A_97 = arith.constant 0 : i32
      %dma_start3A_98 = tpu.memref_slice %arg2[%mul3A_10, %dma_start3A_97] : memref<10112x64xf32, #tpu.memory_space<hbm>> -> memref<632x64xf32, #tpu.memory_space<hbm>>
      tpu.enqueue_dma source(%dma_start3A_98 : memref<632x64xf32, #tpu.memory_space<hbm>>) target(%dma_start3A_96 : memref<632x64xf32, #tpu.memory_space<vmem_shared>>) target_semaphore(%run_scoped3A_94 : memref<!tpu.dma_semaphore, #tpu.memory_space<semaphore_mem>>)
      %dma_wait3A_99 = arith.constant 0 : i32
      %dma_wait3A_100 = tpu.memref_slice %arg11[%mul3A_10, %dma_wait3A_99] : memref<10112x64xf32, #tpu.memory_space<vmem_shared>> -> memref<632x64xf32, #tpu.memory_space<vmem_shared>>
      %dma_wait3A_101 = arith.constant 0 : i32
      %dma_wait3A_102 = tpu.memref_slice %arg2[%mul3A_10, %dma_wait3A_101] : memref<10112x64xf32, #tpu.memory_space<hbm>> -> memref<632x64xf32, #tpu.memory_space<hbm>>
      tpu.wait_dma2 semaphore(%run_scoped3A_94 : memref<!tpu.dma_semaphore, #tpu.memory_space<semaphore_mem>>) src(%dma_wait3A_102 : memref<632x64xf32, #tpu.memory_space<hbm>>) dst(%dma_wait3A_100 : memref<632x64xf32, #tpu.memory_space<vmem_shared>>)
      tpu.yield
    }) : () -> ()
    %barrier3A = arith.constant 0 : index
    tpu.barrier barrier_id(%barrier3A)
    %dma_start3A = arith.constant 0 : i32
    %dma_start3A_11 = arith.constant 0 : i32
    %dma_start3A_12 = arith.constant 0 : i32
    %dma_start3A_13 = arith.constant 0 : i32
    %dma_start3A_14 = tpu.memref_slice %arg9[%dma_start3A_11, %dma_start3A_12, %dma_start3A_13] : memref<2x128x64xf32, #tpu.memory_space<vmem>> -> memref<1x128x64xf32, #tpu.memory_space<vmem>>
    %dma_start3A_15 = tpu.memref_squeeze %dma_start3A_14 : memref<1x128x64xf32, #tpu.memory_space<vmem>> -> memref<128x64xf32, #tpu.memory_space<vmem>>
    %dma_start3A_16 = arith.constant 0 : i32
    %dma_start3A_17 = tpu.memref_slice %arg7[%dma_start3A, %dma_start3A_16] : memref<80x128xi32, #tpu.memory_space<vmem>> -> memref<1x128xi32, #tpu.memory_space<vmem>>
    %dma_start3A_18 = tpu.memref_squeeze %dma_start3A_17 : memref<1x128xi32, #tpu.memory_space<vmem>> -> memref<128xi32, #tpu.memory_space<vmem>>
    %dma_start3A_19 = arith.constant 0 : i32
    %dma_start3A_20 = arith.constant 0 : i32
    %dma_start3A_21 = tpu.memref_slice %arg11[%dma_start3A_19, %dma_start3A_20] : memref<10112x64xf32, #tpu.memory_space<vmem_shared>> -> memref<10112x64xf32, #tpu.memory_space<vmem_shared>>
    tpu.enqueue_indirect_dma source(%dma_start3A_21 : memref<10112x64xf32, #tpu.memory_space<vmem_shared>>) target(%dma_start3A_15 : memref<128x64xf32, #tpu.memory_space<vmem>>) offsets(%dma_start3A_18 : memref<128xi32, #tpu.memory_space<vmem>>) semaphore(%arg12 : memref<!tpu.dma_semaphore, #tpu.memory_space<semaphore_mem>>)
    %dma_start3A_22 = arith.constant 1 : i32
    %dma_start3A_23 = arith.constant 1 : i32
    %dma_start3A_24 = arith.constant 0 : i32
    %dma_start3A_25 = arith.constant 0 : i32
    %dma_start3A_26 = tpu.memref_slice %arg9[%dma_start3A_23, %dma_start3A_24, %dma_start3A_25] : memref<2x128x64xf32, #tpu.memory_space<vmem>> -> memref<1x128x64xf32, #tpu.memory_space<vmem>>
    %dma_start3A_27 = tpu.memref_squeeze %dma_start3A_26 : memref<1x128x64xf32, #tpu.memory_space<vmem>> -> memref<128x64xf32, #tpu.memory_space<vmem>>
    %dma_start3A_28 = arith.constant 0 : i32
    %dma_start3A_29 = tpu.memref_slice %arg7[%dma_start3A_22, %dma_start3A_28] : memref<80x128xi32, #tpu.memory_space<vmem>> -> memref<1x128xi32, #tpu.memory_space<vmem>>
    %dma_start3A_30 = tpu.memref_squeeze %dma_start3A_29 : memref<1x128xi32, #tpu.memory_space<vmem>> -> memref<128xi32, #tpu.memory_space<vmem>>
    %dma_start3A_31 = arith.constant 0 : i32
    %dma_start3A_32 = arith.constant 0 : i32
    %dma_start3A_33 = tpu.memref_slice %arg11[%dma_start3A_31, %dma_start3A_32] : memref<10112x64xf32, #tpu.memory_space<vmem_shared>> -> memref<10112x64xf32, #tpu.memory_space<vmem_shared>>
    tpu.enqueue_indirect_dma source(%dma_start3A_33 : memref<10112x64xf32, #tpu.memory_space<vmem_shared>>) target(%dma_start3A_27 : memref<128x64xf32, #tpu.memory_space<vmem>>) offsets(%dma_start3A_30 : memref<128xi32, #tpu.memory_space<vmem>>) semaphore(%arg13 : memref<!tpu.dma_semaphore, #tpu.memory_space<semaphore_mem>>)
    %sub3A = arith.constant 2 : i32
    %sub3A_34 = arith.subi %select_n3A, %sub3A : i32
    %jit3A_35 = arith.constant 2 : i32
    %div3A = arith.divsi %sub3A_34, %jit3A_35 : i32
    %sign3A = arith.constant 0 : i32
    %sign3A_36 = arith.cmpi sgt, %sub3A_34, %sign3A : i32
    %sign3A_37 = arith.extui %sign3A_36 : i1 to i32
    %sign3A_38 = arith.constant 0 : i32
    %sign3A_39 = arith.cmpi slt, %sub3A_34, %sign3A_38 : i32
    %sign3A_40 = arith.extui %sign3A_39 : i1 to i32
    %sign3A_41 = arith.subi %sign3A_37, %sign3A_40 : i32
    %sign3A_42 = arith.constant 0 : i32
    %sign3A_43 = arith.cmpi sgt, %jit3A_35, %sign3A_42 : i32
    %sign3A_44 = arith.extui %sign3A_43 : i1 to i32
    %sign3A_45 = arith.constant 0 : i32
    %sign3A_46 = arith.cmpi slt, %jit3A_35, %sign3A_45 : i32
    %sign3A_47 = arith.extui %sign3A_46 : i1 to i32
    %sign3A_48 = arith.subi %sign3A_44, %sign3A_47 : i32
    %ne3A = arith.cmpi ne, %sign3A_41, %sign3A_48 : i32
    %rem3A = arith.remsi %sub3A_34, %jit3A_35 : i32
    %ne3A_49 = arith.constant 0 : i32
    %ne3A_50 = arith.cmpi ne, %rem3A, %ne3A_49 : i32
    %and3A = arith.andi %ne3A, %ne3A_50 : i1
    %sub3A_51 = arith.constant 1 : i32
    %sub3A_52 = arith.subi %div3A, %sub3A_51 : i32
    %select_n3A_53 = arith.select %and3A, %sub3A_52, %div3A : i32
    %while3A = arith.constant 0 : i32
    %while3A_54 = arith.constant 0 : i32
    %while3A_55 = arith.subi %select_n3A_53, %while3A_54 : i32
    %while3A_56 = arith.addi %while3A_54, %while3A_55 : i32
    %while3A_57 = arith.constant 1 : i32
    %while3A_58 = arith.divsi %while3A_55, %while3A_57 : i32
    %while3A_59 = arith.muli %while3A_58, %while3A_57 : i32
    %while3A_60 = arith.addi %while3A_54, %while3A_59 : i32
    %while3A_61 = arith.constant 1 : i32
    scf.for %while3A_94 = %while3A_54 to %while3A_60 step %while3A_61  : i32 {
      %mul3A_95 = arith.constant 2 : i32
      %mul3A_96 = arith.muli %while3A_94, %mul3A_95 : i32
      %add3A_97 = arith.constant 0 : i32
      %add3A_98 = arith.addi %mul3A_96, %add3A_97 : i32
      %dma_wait3A_99 = arith.constant 0 : i32
      %dma_wait3A_100 = arith.constant 0 : i32
      %dma_wait3A_101 = arith.constant 0 : i32
      %dma_wait3A_102 = tpu.memref_slice %arg9[%dma_wait3A_99, %dma_wait3A_100, %dma_wait3A_101] : memref<2x128x64xf32, #tpu.memory_space<vmem>> -> memref<1x128x64xf32, #tpu.memory_space<vmem>>
      %dma_wait3A_103 = tpu.memref_squeeze %dma_wait3A_102 : memref<1x128x64xf32, #tpu.memory_space<vmem>> -> memref<128x64xf32, #tpu.memory_space<vmem>>
      %dma_wait3A_104 = arith.constant 0 : i32
      %dma_wait3A_105 = tpu.memref_slice %arg7[%add3A_98, %dma_wait3A_104] : memref<80x128xi32, #tpu.memory_space<vmem>> -> memref<1x128xi32, #tpu.memory_space<vmem>>
      %dma_wait3A_106 = tpu.memref_squeeze %dma_wait3A_105 : memref<1x128xi32, #tpu.memory_space<vmem>> -> memref<128xi32, #tpu.memory_space<vmem>>
      %dma_wait3A_107 = arith.constant 0 : i32
      %dma_wait3A_108 = arith.constant 0 : i32
      %dma_wait3A_109 = tpu.memref_slice %arg11[%dma_wait3A_107, %dma_wait3A_108] : memref<10112x64xf32, #tpu.memory_space<vmem_shared>> -> memref<10112x64xf32, #tpu.memory_space<vmem_shared>>
      tpu.wait_indirect_dma semaphore(%arg12 : memref<!tpu.dma_semaphore, #tpu.memory_space<semaphore_mem>>) src(%dma_wait3A_109 : memref<10112x64xf32, #tpu.memory_space<vmem_shared>>) dst(%dma_wait3A_103 : memref<128x64xf32, #tpu.memory_space<vmem>>)
      %add3A_110 = arith.constant 0 : i32
      %add3A_111 = arith.addi %mul3A_96, %add3A_110 : i32
      %run_scoped3A_112 = arith.constant 0 : i32
      "tpu.region"() ({
        %run_scoped3A_159 = tpu.sem_alloc : memref<!tpu.dma_semaphore, #tpu.memory_space<semaphore_mem>>
        %dma_start3A_160 = arith.constant 0 : i32
        %dma_start3A_161 = arith.constant 0 : i32
        %dma_start3A_162 = tpu.memref_slice %arg9[%run_scoped3A_112, %dma_start3A_160, %dma_start3A_161] : memref<2x128x64xf32, #tpu.memory_space<vmem>> -> memref<1x128x64xf32, #tpu.memory_space<vmem>>
        %dma_start3A_163 = tpu.memref_squeeze %dma_start3A_162 : memref<1x128x64xf32, #tpu.memory_space<vmem>> -> memref<128x64xf32, #tpu.memory_space<vmem>>
        %dma_start3A_164 = arith.constant 0 : i32
        %dma_start3A_165 = tpu.memref_slice %arg8[%add3A_111, %dma_start3A_164] : memref<80x128xi32, #tpu.memory_space<vmem>> -> memref<1x128xi32, #tpu.memory_space<vmem>>
        %dma_start3A_166 = tpu.memref_squeeze %dma_start3A_165 : memref<1x128xi32, #tpu.memory_space<vmem>> -> memref<128xi32, #tpu.memory_space<vmem>>
        %dma_start3A_167 = arith.constant 0 : i32
        %dma_start3A_168 = arith.constant 0 : i32
        %dma_start3A_169 = tpu.memref_slice %arg10[%dma_start3A_167, %dma_start3A_168] : memref<10112x64xf32, #tpu.memory_space<vmem_shared>> -> memref<10112x64xf32, #tpu.memory_space<vmem_shared>>
        tpu.enqueue_indirect_dma source(%dma_start3A_163 : memref<128x64xf32, #tpu.memory_space<vmem>>) target(%dma_start3A_169 : memref<10112x64xf32, #tpu.memory_space<vmem_shared>>) offsets(%dma_start3A_166 : memref<128xi32, #tpu.memory_space<vmem>>) semaphore(%run_scoped3A_159 : memref<!tpu.dma_semaphore, #tpu.memory_space<semaphore_mem>>) {add = true}
        %dma_wait3A_170 = arith.constant 0 : i32
        %dma_wait3A_171 = arith.constant 0 : i32
        %dma_wait3A_172 = tpu.memref_slice %arg9[%run_scoped3A_112, %dma_wait3A_170, %dma_wait3A_171] : memref<2x128x64xf32, #tpu.memory_space<vmem>> -> memref<1x128x64xf32, #tpu.memory_space<vmem>>
        %dma_wait3A_173 = tpu.memref_squeeze %dma_wait3A_172 : memref<1x128x64xf32, #tpu.memory_space<vmem>> -> memref<128x64xf32, #tpu.memory_space<vmem>>
        %dma_wait3A_174 = arith.constant 0 : i32
        %dma_wait3A_175 = tpu.memref_slice %arg8[%add3A_111, %dma_wait3A_174] : memref<80x128xi32, #tpu.memory_space<vmem>> -> memref<1x128xi32, #tpu.memory_space<vmem>>
        %dma_wait3A_176 = tpu.memref_squeeze %dma_wait3A_175 : memref<1x128xi32, #tpu.memory_space<vmem>> -> memref<128xi32, #tpu.memory_space<vmem>>
        %dma_wait3A_177 = arith.constant 0 : i32
        %dma_wait3A_178 = arith.constant 0 : i32
        %dma_wait3A_179 = tpu.memref_slice %arg10[%dma_wait3A_177, %dma_wait3A_178] : memref<10112x64xf32, #tpu.memory_space<vmem_shared>> -> memref<10112x64xf32, #tpu.memory_space<vmem_shared>>
        tpu.wait_indirect_dma semaphore(%run_scoped3A_159 : memref<!tpu.dma_semaphore, #tpu.memory_space<semaphore_mem>>) src(%dma_wait3A_173 : memref<128x64xf32, #tpu.memory_space<vmem>>) dst(%dma_wait3A_179 : memref<10112x64xf32, #tpu.memory_space<vmem_shared>>)
        tpu.yield
      }) : () -> ()
      %add3A_113 = arith.constant 0 : i32
      %add3A_114 = arith.addi %mul3A_96, %add3A_113 : i32
      %add3A_115 = arith.constant 2 : i32
      %add3A_116 = arith.addi %add3A_114, %add3A_115 : i32
      %dma_start3A_117 = arith.constant 0 : i32
      %dma_start3A_118 = arith.constant 0 : i32
      %dma_start3A_119 = arith.constant 0 : i32
      %dma_start3A_120 = tpu.memref_slice %arg9[%dma_start3A_117, %dma_start3A_118, %dma_start3A_119] : memref<2x128x64xf32, #tpu.memory_space<vmem>> -> memref<1x128x64xf32, #tpu.memory_space<vmem>>
      %dma_start3A_121 = tpu.memref_squeeze %dma_start3A_120 : memref<1x128x64xf32, #tpu.memory_space<vmem>> -> memref<128x64xf32, #tpu.memory_space<vmem>>
      %dma_start3A_122 = arith.constant 0 : i32
      %dma_start3A_123 = tpu.memref_slice %arg7[%add3A_116, %dma_start3A_122] : memref<80x128xi32, #tpu.memory_space<vmem>> -> memref<1x128xi32, #tpu.memory_space<vmem>>
      %dma_start3A_124 = tpu.memref_squeeze %dma_start3A_123 : memref<1x128xi32, #tpu.memory_space<vmem>> -> memref<128xi32, #tpu.memory_space<vmem>>
      %dma_start3A_125 = arith.constant 0 : i32
      %dma_start3A_126 = arith.constant 0 : i32
      %dma_start3A_127 = tpu.memref_slice %arg11[%dma_start3A_125, %dma_start3A_126] : memref<10112x64xf32, #tpu.memory_space<vmem_shared>> -> memref<10112x64xf32, #tpu.memory_space<vmem_shared>>
      tpu.enqueue_indirect_dma source(%dma_start3A_127 : memref<10112x64xf32, #tpu.memory_space<vmem_shared>>) target(%dma_start3A_121 : memref<128x64xf32, #tpu.memory_space<vmem>>) offsets(%dma_start3A_124 : memref<128xi32, #tpu.memory_space<vmem>>) semaphore(%arg12 : memref<!tpu.dma_semaphore, #tpu.memory_space<semaphore_mem>>)
      %add3A_128 = arith.constant 1 : i32
      %add3A_129 = arith.addi %mul3A_96, %add3A_128 : i32
      %dma_wait3A_130 = arith.constant 1 : i32
      %dma_wait3A_131 = arith.constant 0 : i32
      %dma_wait3A_132 = arith.constant 0 : i32
      %dma_wait3A_133 = tpu.memref_slice %arg9[%dma_wait3A_130, %dma_wait3A_131, %dma_wait3A_132] : memref<2x128x64xf32, #tpu.memory_space<vmem>> -> memref<1x128x64xf32, #tpu.memory_space<vmem>>
      %dma_wait3A_134 = tpu.memref_squeeze %dma_wait3A_133 : memref<1x128x64xf32, #tpu.memory_space<vmem>> -> memref<128x64xf32, #tpu.memory_space<vmem>>
      %dma_wait3A_135 = arith.constant 0 : i32
      %dma_wait3A_136 = tpu.memref_slice %arg7[%add3A_129, %dma_wait3A_135] : memref<80x128xi32, #tpu.memory_space<vmem>> -> memref<1x128xi32, #tpu.memory_space<vmem>>
      %dma_wait3A_137 = tpu.memref_squeeze %dma_wait3A_136 : memref<1x128xi32, #tpu.memory_space<vmem>> -> memref<128xi32, #tpu.memory_space<vmem>>
      %dma_wait3A_138 = arith.constant 0 : i32
      %dma_wait3A_139 = arith.constant 0 : i32
      %dma_wait3A_140 = tpu.memref_slice %arg11[%dma_wait3A_138, %dma_wait3A_139] : memref<10112x64xf32, #tpu.memory_space<vmem_shared>> -> memref<10112x64xf32, #tpu.memory_space<vmem_shared>>
      tpu.wait_indirect_dma semaphore(%arg13 : memref<!tpu.dma_semaphore, #tpu.memory_space<semaphore_mem>>) src(%dma_wait3A_140 : memref<10112x64xf32, #tpu.memory_space<vmem_shared>>) dst(%dma_wait3A_134 : memref<128x64xf32, #tpu.memory_space<vmem>>)
      %add3A_141 = arith.constant 1 : i32
      %add3A_142 = arith.addi %mul3A_96, %add3A_141 : i32
      %run_scoped3A_143 = arith.constant 1 : i32
      "tpu.region"() ({
        %run_scoped3A_159 = tpu.sem_alloc : memref<!tpu.dma_semaphore, #tpu.memory_space<semaphore_mem>>
        %dma_start3A_160 = arith.constant 0 : i32
        %dma_start3A_161 = arith.constant 0 : i32
        %dma_start3A_162 = tpu.memref_slice %arg9[%run_scoped3A_143, %dma_start3A_160, %dma_start3A_161] : memref<2x128x64xf32, #tpu.memory_space<vmem>> -> memref<1x128x64xf32, #tpu.memory_space<vmem>>
        %dma_start3A_163 = tpu.memref_squeeze %dma_start3A_162 : memref<1x128x64xf32, #tpu.memory_space<vmem>> -> memref<128x64xf32, #tpu.memory_space<vmem>>
        %dma_start3A_164 = arith.constant 0 : i32
        %dma_start3A_165 = tpu.memref_slice %arg8[%add3A_142, %dma_start3A_164] : memref<80x128xi32, #tpu.memory_space<vmem>> -> memref<1x128xi32, #tpu.memory_space<vmem>>
        %dma_start3A_166 = tpu.memref_squeeze %dma_start3A_165 : memref<1x128xi32, #tpu.memory_space<vmem>> -> memref<128xi32, #tpu.memory_space<vmem>>
        %dma_start3A_167 = arith.constant 0 : i32
        %dma_start3A_168 = arith.constant 0 : i32
        %dma_start3A_169 = tpu.memref_slice %arg10[%dma_start3A_167, %dma_start3A_168] : memref<10112x64xf32, #tpu.memory_space<vmem_shared>> -> memref<10112x64xf32, #tpu.memory_space<vmem_shared>>
        tpu.enqueue_indirect_dma source(%dma_start3A_163 : memref<128x64xf32, #tpu.memory_space<vmem>>) target(%dma_start3A_169 : memref<10112x64xf32, #tpu.memory_space<vmem_shared>>) offsets(%dma_start3A_166 : memref<128xi32, #tpu.memory_space<vmem>>) semaphore(%run_scoped3A_159 : memref<!tpu.dma_semaphore, #tpu.memory_space<semaphore_mem>>) {add = true}
        %dma_wait3A_170 = arith.constant 0 : i32
        %dma_wait3A_171 = arith.constant 0 : i32
        %dma_wait3A_172 = tpu.memref_slice %arg9[%run_scoped3A_143, %dma_wait3A_170, %dma_wait3A_171] : memref<2x128x64xf32, #tpu.memory_space<vmem>> -> memref<1x128x64xf32, #tpu.memory_space<vmem>>
        %dma_wait3A_173 = tpu.memref_squeeze %dma_wait3A_172 : memref<1x128x64xf32, #tpu.memory_space<vmem>> -> memref<128x64xf32, #tpu.memory_space<vmem>>
        %dma_wait3A_174 = arith.constant 0 : i32
        %dma_wait3A_175 = tpu.memref_slice %arg8[%add3A_142, %dma_wait3A_174] : memref<80x128xi32, #tpu.memory_space<vmem>> -> memref<1x128xi32, #tpu.memory_space<vmem>>
        %dma_wait3A_176 = tpu.memref_squeeze %dma_wait3A_175 : memref<1x128xi32, #tpu.memory_space<vmem>> -> memref<128xi32, #tpu.memory_space<vmem>>
        %dma_wait3A_177 = arith.constant 0 : i32
        %dma_wait3A_178 = arith.constant 0 : i32
        %dma_wait3A_179 = tpu.memref_slice %arg10[%dma_wait3A_177, %dma_wait3A_178] : memref<10112x64xf32, #tpu.memory_space<vmem_shared>> -> memref<10112x64xf32, #tpu.memory_space<vmem_shared>>
        tpu.wait_indirect_dma semaphore(%run_scoped3A_159 : memref<!tpu.dma_semaphore, #tpu.memory_space<semaphore_mem>>) src(%dma_wait3A_173 : memref<128x64xf32, #tpu.memory_space<vmem>>) dst(%dma_wait3A_179 : memref<10112x64xf32, #tpu.memory_space<vmem_shared>>)
        tpu.yield
      }) : () -> ()
      %add3A_144 = arith.constant 1 : i32
      %add3A_145 = arith.addi %mul3A_96, %add3A_144 : i32
      %add3A_146 = arith.constant 2 : i32
      %add3A_147 = arith.addi %add3A_145, %add3A_146 : i32
      %dma_start3A_148 = arith.constant 1 : i32
      %dma_start3A_149 = arith.constant 0 : i32
      %dma_start3A_150 = arith.constant 0 : i32
      %dma_start3A_151 = tpu.memref_slice %arg9[%dma_start3A_148, %dma_start3A_149, %dma_start3A_150] : memref<2x128x64xf32, #tpu.memory_space<vmem>> -> memref<1x128x64xf32, #tpu.memory_space<vmem>>
      %dma_start3A_152 = tpu.memref_squeeze %dma_start3A_151 : memref<1x128x64xf32, #tpu.memory_space<vmem>> -> memref<128x64xf32, #tpu.memory_space<vmem>>
      %dma_start3A_153 = arith.constant 0 : i32
      %dma_start3A_154 = tpu.memref_slice %arg7[%add3A_147, %dma_start3A_153] : memref<80x128xi32, #tpu.memory_space<vmem>> -> memref<1x128xi32, #tpu.memory_space<vmem>>
      %dma_start3A_155 = tpu.memref_squeeze %dma_start3A_154 : memref<1x128xi32, #tpu.memory_space<vmem>> -> memref<128xi32, #tpu.memory_space<vmem>>
      %dma_start3A_156 = arith.constant 0 : i32
      %dma_start3A_157 = arith.constant 0 : i32
      %dma_start3A_158 = tpu.memref_slice %arg11[%dma_start3A_156, %dma_start3A_157] : memref<10112x64xf32, #tpu.memory_space<vmem_shared>> -> memref<10112x64xf32, #tpu.memory_space<vmem_shared>>
      tpu.enqueue_indirect_dma source(%dma_start3A_158 : memref<10112x64xf32, #tpu.memory_space<vmem_shared>>) target(%dma_start3A_152 : memref<128x64xf32, #tpu.memory_space<vmem>>) offsets(%dma_start3A_155 : memref<128xi32, #tpu.memory_space<vmem>>) semaphore(%arg13 : memref<!tpu.dma_semaphore, #tpu.memory_space<semaphore_mem>>)
    }
    %while3A_62 = arith.constant 1 : i32
    scf.for %while3A_94 = %while3A_60 to %while3A_56 step %while3A_62  : i32 {
      %mul3A_95 = arith.constant 2 : i32
      %mul3A_96 = arith.muli %while3A_94, %mul3A_95 : i32
      %add3A_97 = arith.constant 0 : i32
      %add3A_98 = arith.addi %mul3A_96, %add3A_97 : i32
      %dma_wait3A_99 = arith.constant 0 : i32
      %dma_wait3A_100 = arith.constant 0 : i32
      %dma_wait3A_101 = arith.constant 0 : i32
      %dma_wait3A_102 = tpu.memref_slice %arg9[%dma_wait3A_99, %dma_wait3A_100, %dma_wait3A_101] : memref<2x128x64xf32, #tpu.memory_space<vmem>> -> memref<1x128x64xf32, #tpu.memory_space<vmem>>
      %dma_wait3A_103 = tpu.memref_squeeze %dma_wait3A_102 : memref<1x128x64xf32, #tpu.memory_space<vmem>> -> memref<128x64xf32, #tpu.memory_space<vmem>>
      %dma_wait3A_104 = arith.constant 0 : i32
      %dma_wait3A_105 = tpu.memref_slice %arg7[%add3A_98, %dma_wait3A_104] : memref<80x128xi32, #tpu.memory_space<vmem>> -> memref<1x128xi32, #tpu.memory_space<vmem>>
      %dma_wait3A_106 = tpu.memref_squeeze %dma_wait3A_105 : memref<1x128xi32, #tpu.memory_space<vmem>> -> memref<128xi32, #tpu.memory_space<vmem>>
      %dma_wait3A_107 = arith.constant 0 : i32
      %dma_wait3A_108 = arith.constant 0 : i32
      %dma_wait3A_109 = tpu.memref_slice %arg11[%dma_wait3A_107, %dma_wait3A_108] : memref<10112x64xf32, #tpu.memory_space<vmem_shared>> -> memref<10112x64xf32, #tpu.memory_space<vmem_shared>>
      tpu.wait_indirect_dma semaphore(%arg12 : memref<!tpu.dma_semaphore, #tpu.memory_space<semaphore_mem>>) src(%dma_wait3A_109 : memref<10112x64xf32, #tpu.memory_space<vmem_shared>>) dst(%dma_wait3A_103 : memref<128x64xf32, #tpu.memory_space<vmem>>)
      %add3A_110 = arith.constant 0 : i32
      %add3A_111 = arith.addi %mul3A_96, %add3A_110 : i32
      %run_scoped3A_112 = arith.constant 0 : i32
      "tpu.region"() ({
        %run_scoped3A_159 = tpu.sem_alloc : memref<!tpu.dma_semaphore, #tpu.memory_space<semaphore_mem>>
        %dma_start3A_160 = arith.constant 0 : i32
        %dma_start3A_161 = arith.constant 0 : i32
        %dma_start3A_162 = tpu.memref_slice %arg9[%run_scoped3A_112, %dma_start3A_160, %dma_start3A_161] : memref<2x128x64xf32, #tpu.memory_space<vmem>> -> memref<1x128x64xf32, #tpu.memory_space<vmem>>
        %dma_start3A_163 = tpu.memref_squeeze %dma_start3A_162 : memref<1x128x64xf32, #tpu.memory_space<vmem>> -> memref<128x64xf32, #tpu.memory_space<vmem>>
        %dma_start3A_164 = arith.constant 0 : i32
        %dma_start3A_165 = tpu.memref_slice %arg8[%add3A_111, %dma_start3A_164] : memref<80x128xi32, #tpu.memory_space<vmem>> -> memref<1x128xi32, #tpu.memory_space<vmem>>
        %dma_start3A_166 = tpu.memref_squeeze %dma_start3A_165 : memref<1x128xi32, #tpu.memory_space<vmem>> -> memref<128xi32, #tpu.memory_space<vmem>>
        %dma_start3A_167 = arith.constant 0 : i32
        %dma_start3A_168 = arith.constant 0 : i32
        %dma_start3A_169 = tpu.memref_slice %arg10[%dma_start3A_167, %dma_start3A_168] : memref<10112x64xf32, #tpu.memory_space<vmem_shared>> -> memref<10112x64xf32, #tpu.memory_space<vmem_shared>>
        tpu.enqueue_indirect_dma source(%dma_start3A_163 : memref<128x64xf32, #tpu.memory_space<vmem>>) target(%dma_start3A_169 : memref<10112x64xf32, #tpu.memory_space<vmem_shared>>) offsets(%dma_start3A_166 : memref<128xi32, #tpu.memory_space<vmem>>) semaphore(%run_scoped3A_159 : memref<!tpu.dma_semaphore, #tpu.memory_space<semaphore_mem>>) {add = true}
        %dma_wait3A_170 = arith.constant 0 : i32
        %dma_wait3A_171 = arith.constant 0 : i32
        %dma_wait3A_172 = tpu.memref_slice %arg9[%run_scoped3A_112, %dma_wait3A_170, %dma_wait3A_171] : memref<2x128x64xf32, #tpu.memory_space<vmem>> -> memref<1x128x64xf32, #tpu.memory_space<vmem>>
        %dma_wait3A_173 = tpu.memref_squeeze %dma_wait3A_172 : memref<1x128x64xf32, #tpu.memory_space<vmem>> -> memref<128x64xf32, #tpu.memory_space<vmem>>
        %dma_wait3A_174 = arith.constant 0 : i32
        %dma_wait3A_175 = tpu.memref_slice %arg8[%add3A_111, %dma_wait3A_174] : memref<80x128xi32, #tpu.memory_space<vmem>> -> memref<1x128xi32, #tpu.memory_space<vmem>>
        %dma_wait3A_176 = tpu.memref_squeeze %dma_wait3A_175 : memref<1x128xi32, #tpu.memory_space<vmem>> -> memref<128xi32, #tpu.memory_space<vmem>>
        %dma_wait3A_177 = arith.constant 0 : i32
        %dma_wait3A_178 = arith.constant 0 : i32
        %dma_wait3A_179 = tpu.memref_slice %arg10[%dma_wait3A_177, %dma_wait3A_178] : memref<10112x64xf32, #tpu.memory_space<vmem_shared>> -> memref<10112x64xf32, #tpu.memory_space<vmem_shared>>
        tpu.wait_indirect_dma semaphore(%run_scoped3A_159 : memref<!tpu.dma_semaphore, #tpu.memory_space<semaphore_mem>>) src(%dma_wait3A_173 : memref<128x64xf32, #tpu.memory_space<vmem>>) dst(%dma_wait3A_179 : memref<10112x64xf32, #tpu.memory_space<vmem_shared>>)
        tpu.yield
      }) : () -> ()
      %add3A_113 = arith.constant 0 : i32
      %add3A_114 = arith.addi %mul3A_96, %add3A_113 : i32
      %add3A_115 = arith.constant 2 : i32
      %add3A_116 = arith.addi %add3A_114, %add3A_115 : i32
      %dma_start3A_117 = arith.constant 0 : i32
      %dma_start3A_118 = arith.constant 0 : i32
      %dma_start3A_119 = arith.constant 0 : i32
      %dma_start3A_120 = tpu.memref_slice %arg9[%dma_start3A_117, %dma_start3A_118, %dma_start3A_119] : memref<2x128x64xf32, #tpu.memory_space<vmem>> -> memref<1x128x64xf32, #tpu.memory_space<vmem>>
      %dma_start3A_121 = tpu.memref_squeeze %dma_start3A_120 : memref<1x128x64xf32, #tpu.memory_space<vmem>> -> memref<128x64xf32, #tpu.memory_space<vmem>>
      %dma_start3A_122 = arith.constant 0 : i32
      %dma_start3A_123 = tpu.memref_slice %arg7[%add3A_116, %dma_start3A_122] : memref<80x128xi32, #tpu.memory_space<vmem>> -> memref<1x128xi32, #tpu.memory_space<vmem>>
      %dma_start3A_124 = tpu.memref_squeeze %dma_start3A_123 : memref<1x128xi32, #tpu.memory_space<vmem>> -> memref<128xi32, #tpu.memory_space<vmem>>
      %dma_start3A_125 = arith.constant 0 : i32
      %dma_start3A_126 = arith.constant 0 : i32
      %dma_start3A_127 = tpu.memref_slice %arg11[%dma_start3A_125, %dma_start3A_126] : memref<10112x64xf32, #tpu.memory_space<vmem_shared>> -> memref<10112x64xf32, #tpu.memory_space<vmem_shared>>
      tpu.enqueue_indirect_dma source(%dma_start3A_127 : memref<10112x64xf32, #tpu.memory_space<vmem_shared>>) target(%dma_start3A_121 : memref<128x64xf32, #tpu.memory_space<vmem>>) offsets(%dma_start3A_124 : memref<128xi32, #tpu.memory_space<vmem>>) semaphore(%arg12 : memref<!tpu.dma_semaphore, #tpu.memory_space<semaphore_mem>>)
      %add3A_128 = arith.constant 1 : i32
      %add3A_129 = arith.addi %mul3A_96, %add3A_128 : i32
      %dma_wait3A_130 = arith.constant 1 : i32
      %dma_wait3A_131 = arith.constant 0 : i32
      %dma_wait3A_132 = arith.constant 0 : i32
      %dma_wait3A_133 = tpu.memref_slice %arg9[%dma_wait3A_130, %dma_wait3A_131, %dma_wait3A_132] : memref<2x128x64xf32, #tpu.memory_space<vmem>> -> memref<1x128x64xf32, #tpu.memory_space<vmem>>
      %dma_wait3A_134 = tpu.memref_squeeze %dma_wait3A_133 : memref<1x128x64xf32, #tpu.memory_space<vmem>> -> memref<128x64xf32, #tpu.memory_space<vmem>>
      %dma_wait3A_135 = arith.constant 0 : i32
      %dma_wait3A_136 = tpu.memref_slice %arg7[%add3A_129, %dma_wait3A_135] : memref<80x128xi32, #tpu.memory_space<vmem>> -> memref<1x128xi32, #tpu.memory_space<vmem>>
      %dma_wait3A_137 = tpu.memref_squeeze %dma_wait3A_136 : memref<1x128xi32, #tpu.memory_space<vmem>> -> memref<128xi32, #tpu.memory_space<vmem>>
      %dma_wait3A_138 = arith.constant 0 : i32
      %dma_wait3A_139 = arith.constant 0 : i32
      %dma_wait3A_140 = tpu.memref_slice %arg11[%dma_wait3A_138, %dma_wait3A_139] : memref<10112x64xf32, #tpu.memory_space<vmem_shared>> -> memref<10112x64xf32, #tpu.memory_space<vmem_shared>>
      tpu.wait_indirect_dma semaphore(%arg13 : memref<!tpu.dma_semaphore, #tpu.memory_space<semaphore_mem>>) src(%dma_wait3A_140 : memref<10112x64xf32, #tpu.memory_space<vmem_shared>>) dst(%dma_wait3A_134 : memref<128x64xf32, #tpu.memory_space<vmem>>)
      %add3A_141 = arith.constant 1 : i32
      %add3A_142 = arith.addi %mul3A_96, %add3A_141 : i32
      %run_scoped3A_143 = arith.constant 1 : i32
      "tpu.region"() ({
        %run_scoped3A_159 = tpu.sem_alloc : memref<!tpu.dma_semaphore, #tpu.memory_space<semaphore_mem>>
        %dma_start3A_160 = arith.constant 0 : i32
        %dma_start3A_161 = arith.constant 0 : i32
        %dma_start3A_162 = tpu.memref_slice %arg9[%run_scoped3A_143, %dma_start3A_160, %dma_start3A_161] : memref<2x128x64xf32, #tpu.memory_space<vmem>> -> memref<1x128x64xf32, #tpu.memory_space<vmem>>
        %dma_start3A_163 = tpu.memref_squeeze %dma_start3A_162 : memref<1x128x64xf32, #tpu.memory_space<vmem>> -> memref<128x64xf32, #tpu.memory_space<vmem>>
        %dma_start3A_164 = arith.constant 0 : i32
        %dma_start3A_165 = tpu.memref_slice %arg8[%add3A_142, %dma_start3A_164] : memref<80x128xi32, #tpu.memory_space<vmem>> -> memref<1x128xi32, #tpu.memory_space<vmem>>
        %dma_start3A_166 = tpu.memref_squeeze %dma_start3A_165 : memref<1x128xi32, #tpu.memory_space<vmem>> -> memref<128xi32, #tpu.memory_space<vmem>>
        %dma_start3A_167 = arith.constant 0 : i32
        %dma_start3A_168 = arith.constant 0 : i32
        %dma_start3A_169 = tpu.memref_slice %arg10[%dma_start3A_167, %dma_start3A_168] : memref<10112x64xf32, #tpu.memory_space<vmem_shared>> -> memref<10112x64xf32, #tpu.memory_space<vmem_shared>>
        tpu.enqueue_indirect_dma source(%dma_start3A_163 : memref<128x64xf32, #tpu.memory_space<vmem>>) target(%dma_start3A_169 : memref<10112x64xf32, #tpu.memory_space<vmem_shared>>) offsets(%dma_start3A_166 : memref<128xi32, #tpu.memory_space<vmem>>) semaphore(%run_scoped3A_159 : memref<!tpu.dma_semaphore, #tpu.memory_space<semaphore_mem>>) {add = true}
        %dma_wait3A_170 = arith.constant 0 : i32
        %dma_wait3A_171 = arith.constant 0 : i32
        %dma_wait3A_172 = tpu.memref_slice %arg9[%run_scoped3A_143, %dma_wait3A_170, %dma_wait3A_171] : memref<2x128x64xf32, #tpu.memory_space<vmem>> -> memref<1x128x64xf32, #tpu.memory_space<vmem>>
        %dma_wait3A_173 = tpu.memref_squeeze %dma_wait3A_172 : memref<1x128x64xf32, #tpu.memory_space<vmem>> -> memref<128x64xf32, #tpu.memory_space<vmem>>
        %dma_wait3A_174 = arith.constant 0 : i32
        %dma_wait3A_175 = tpu.memref_slice %arg8[%add3A_142, %dma_wait3A_174] : memref<80x128xi32, #tpu.memory_space<vmem>> -> memref<1x128xi32, #tpu.memory_space<vmem>>
        %dma_wait3A_176 = tpu.memref_squeeze %dma_wait3A_175 : memref<1x128xi32, #tpu.memory_space<vmem>> -> memref<128xi32, #tpu.memory_space<vmem>>
        %dma_wait3A_177 = arith.constant 0 : i32
        %dma_wait3A_178 = arith.constant 0 : i32
        %dma_wait3A_179 = tpu.memref_slice %arg10[%dma_wait3A_177, %dma_wait3A_178] : memref<10112x64xf32, #tpu.memory_space<vmem_shared>> -> memref<10112x64xf32, #tpu.memory_space<vmem_shared>>
        tpu.wait_indirect_dma semaphore(%run_scoped3A_159 : memref<!tpu.dma_semaphore, #tpu.memory_space<semaphore_mem>>) src(%dma_wait3A_173 : memref<128x64xf32, #tpu.memory_space<vmem>>) dst(%dma_wait3A_179 : memref<10112x64xf32, #tpu.memory_space<vmem_shared>>)
        tpu.yield
      }) : () -> ()
      %add3A_144 = arith.constant 1 : i32
      %add3A_145 = arith.addi %mul3A_96, %add3A_144 : i32
      %add3A_146 = arith.constant 2 : i32
      %add3A_147 = arith.addi %add3A_145, %add3A_146 : i32
      %dma_start3A_148 = arith.constant 1 : i32
      %dma_start3A_149 = arith.constant 0 : i32
      %dma_start3A_150 = arith.constant 0 : i32
      %dma_start3A_151 = tpu.memref_slice %arg9[%dma_start3A_148, %dma_start3A_149, %dma_start3A_150] : memref<2x128x64xf32, #tpu.memory_space<vmem>> -> memref<1x128x64xf32, #tpu.memory_space<vmem>>
      %dma_start3A_152 = tpu.memref_squeeze %dma_start3A_151 : memref<1x128x64xf32, #tpu.memory_space<vmem>> -> memref<128x64xf32, #tpu.memory_space<vmem>>
      %dma_start3A_153 = arith.constant 0 : i32
      %dma_start3A_154 = tpu.memref_slice %arg7[%add3A_147, %dma_start3A_153] : memref<80x128xi32, #tpu.memory_space<vmem>> -> memref<1x128xi32, #tpu.memory_space<vmem>>
      %dma_start3A_155 = tpu.memref_squeeze %dma_start3A_154 : memref<1x128xi32, #tpu.memory_space<vmem>> -> memref<128xi32, #tpu.memory_space<vmem>>
      %dma_start3A_156 = arith.constant 0 : i32
      %dma_start3A_157 = arith.constant 0 : i32
      %dma_start3A_158 = tpu.memref_slice %arg11[%dma_start3A_156, %dma_start3A_157] : memref<10112x64xf32, #tpu.memory_space<vmem_shared>> -> memref<10112x64xf32, #tpu.memory_space<vmem_shared>>
      tpu.enqueue_indirect_dma source(%dma_start3A_158 : memref<10112x64xf32, #tpu.memory_space<vmem_shared>>) target(%dma_start3A_152 : memref<128x64xf32, #tpu.memory_space<vmem>>) offsets(%dma_start3A_155 : memref<128xi32, #tpu.memory_space<vmem>>) semaphore(%arg13 : memref<!tpu.dma_semaphore, #tpu.memory_space<semaphore_mem>>)
    }
    %sub3A_63 = arith.constant 2 : i32
    %sub3A_64 = arith.subi %select_n3A, %sub3A_63 : i32
    %add3A_65 = arith.constant 0 : i32
    %add3A_66 = arith.addi %sub3A_64, %add3A_65 : i32
    %dma_wait3A = arith.constant 0 : i32
    %dma_wait3A_67 = arith.constant 0 : i32
    %dma_wait3A_68 = arith.constant 0 : i32
    %dma_wait3A_69 = tpu.memref_slice %arg9[%dma_wait3A, %dma_wait3A_67, %dma_wait3A_68] : memref<2x128x64xf32, #tpu.memory_space<vmem>> -> memref<1x128x64xf32, #tpu.memory_space<vmem>>
    %dma_wait3A_70 = tpu.memref_squeeze %dma_wait3A_69 : memref<1x128x64xf32, #tpu.memory_space<vmem>> -> memref<128x64xf32, #tpu.memory_space<vmem>>
    %dma_wait3A_71 = arith.constant 0 : i32
    %dma_wait3A_72 = tpu.memref_slice %arg7[%add3A_66, %dma_wait3A_71] : memref<80x128xi32, #tpu.memory_space<vmem>> -> memref<1x128xi32, #tpu.memory_space<vmem>>
    %dma_wait3A_73 = tpu.memref_squeeze %dma_wait3A_72 : memref<1x128xi32, #tpu.memory_space<vmem>> -> memref<128xi32, #tpu.memory_space<vmem>>
    %dma_wait3A_74 = arith.constant 0 : i32
    %dma_wait3A_75 = arith.constant 0 : i32
    %dma_wait3A_76 = tpu.memref_slice %arg11[%dma_wait3A_74, %dma_wait3A_75] : memref<10112x64xf32, #tpu.memory_space<vmem_shared>> -> memref<10112x64xf32, #tpu.memory_space<vmem_shared>>
    tpu.wait_indirect_dma semaphore(%arg12 : memref<!tpu.dma_semaphore, #tpu.memory_space<semaphore_mem>>) src(%dma_wait3A_76 : memref<10112x64xf32, #tpu.memory_space<vmem_shared>>) dst(%dma_wait3A_70 : memref<128x64xf32, #tpu.memory_space<vmem>>)
    %run_scoped3A = arith.constant 0 : i32
    "tpu.region"() ({
      %run_scoped3A_94 = tpu.sem_alloc : memref<!tpu.dma_semaphore, #tpu.memory_space<semaphore_mem>>
      %dma_start3A_95 = arith.constant 0 : i32
      %dma_start3A_96 = arith.constant 0 : i32
      %dma_start3A_97 = tpu.memref_slice %arg9[%run_scoped3A, %dma_start3A_95, %dma_start3A_96] : memref<2x128x64xf32, #tpu.memory_space<vmem>> -> memref<1x128x64xf32, #tpu.memory_space<vmem>>
      %dma_start3A_98 = tpu.memref_squeeze %dma_start3A_97 : memref<1x128x64xf32, #tpu.memory_space<vmem>> -> memref<128x64xf32, #tpu.memory_space<vmem>>
      %dma_start3A_99 = arith.constant 0 : i32
      %dma_start3A_100 = tpu.memref_slice %arg8[%add3A_66, %dma_start3A_99] : memref<80x128xi32, #tpu.memory_space<vmem>> -> memref<1x128xi32, #tpu.memory_space<vmem>>
      %dma_start3A_101 = tpu.memref_squeeze %dma_start3A_100 : memref<1x128xi32, #tpu.memory_space<vmem>> -> memref<128xi32, #tpu.memory_space<vmem>>
      %dma_start3A_102 = arith.constant 0 : i32
      %dma_start3A_103 = arith.constant 0 : i32
      %dma_start3A_104 = tpu.memref_slice %arg10[%dma_start3A_102, %dma_start3A_103] : memref<10112x64xf32, #tpu.memory_space<vmem_shared>> -> memref<10112x64xf32, #tpu.memory_space<vmem_shared>>
      tpu.enqueue_indirect_dma source(%dma_start3A_98 : memref<128x64xf32, #tpu.memory_space<vmem>>) target(%dma_start3A_104 : memref<10112x64xf32, #tpu.memory_space<vmem_shared>>) offsets(%dma_start3A_101 : memref<128xi32, #tpu.memory_space<vmem>>) semaphore(%run_scoped3A_94 : memref<!tpu.dma_semaphore, #tpu.memory_space<semaphore_mem>>) {add = true}
      %dma_wait3A_105 = arith.constant 0 : i32
      %dma_wait3A_106 = arith.constant 0 : i32
      %dma_wait3A_107 = tpu.memref_slice %arg9[%run_scoped3A, %dma_wait3A_105, %dma_wait3A_106] : memref<2x128x64xf32, #tpu.memory_space<vmem>> -> memref<1x128x64xf32, #tpu.memory_space<vmem>>
      %dma_wait3A_108 = tpu.memref_squeeze %dma_wait3A_107 : memref<1x128x64xf32, #tpu.memory_space<vmem>> -> memref<128x64xf32, #tpu.memory_space<vmem>>
      %dma_wait3A_109 = arith.constant 0 : i32
      %dma_wait3A_110 = tpu.memref_slice %arg8[%add3A_66, %dma_wait3A_109] : memref<80x128xi32, #tpu.memory_space<vmem>> -> memref<1x128xi32, #tpu.memory_space<vmem>>
      %dma_wait3A_111 = tpu.memref_squeeze %dma_wait3A_110 : memref<1x128xi32, #tpu.memory_space<vmem>> -> memref<128xi32, #tpu.memory_space<vmem>>
      %dma_wait3A_112 = arith.constant 0 : i32
      %dma_wait3A_113 = arith.constant 0 : i32
      %dma_wait3A_114 = tpu.memref_slice %arg10[%dma_wait3A_112, %dma_wait3A_113] : memref<10112x64xf32, #tpu.memory_space<vmem_shared>> -> memref<10112x64xf32, #tpu.memory_space<vmem_shared>>
      tpu.wait_indirect_dma semaphore(%run_scoped3A_94 : memref<!tpu.dma_semaphore, #tpu.memory_space<semaphore_mem>>) src(%dma_wait3A_108 : memref<128x64xf32, #tpu.memory_space<vmem>>) dst(%dma_wait3A_114 : memref<10112x64xf32, #tpu.memory_space<vmem_shared>>)
      tpu.yield
    }) : () -> ()
    %sub3A_77 = arith.constant 2 : i32
    %sub3A_78 = arith.subi %select_n3A, %sub3A_77 : i32
    %add3A_79 = arith.constant 1 : i32
    %add3A_80 = arith.addi %sub3A_78, %add3A_79 : i32
    %dma_wait3A_81 = arith.constant 1 : i32
    %dma_wait3A_82 = arith.constant 0 : i32
    %dma_wait3A_83 = arith.constant 0 : i32
    %dma_wait3A_84 = tpu.memref_slice %arg9[%dma_wait3A_81, %dma_wait3A_82, %dma_wait3A_83] : memref<2x128x64xf32, #tpu.memory_space<vmem>> -> memref<1x128x64xf32, #tpu.memory_space<vmem>>
    %dma_wait3A_85 = tpu.memref_squeeze %dma_wait3A_84 : memref<1x128x64xf32, #tpu.memory_space<vmem>> -> memref<128x64xf32, #tpu.memory_space<vmem>>
    %dma_wait3A_86 = arith.constant 0 : i32
    %dma_wait3A_87 = tpu.memref_slice %arg7[%add3A_80, %dma_wait3A_86] : memref<80x128xi32, #tpu.memory_space<vmem>> -> memref<1x128xi32, #tpu.memory_space<vmem>>
    %dma_wait3A_88 = tpu.memref_squeeze %dma_wait3A_87 : memref<1x128xi32, #tpu.memory_space<vmem>> -> memref<128xi32, #tpu.memory_space<vmem>>
    %dma_wait3A_89 = arith.constant 0 : i32
    %dma_wait3A_90 = arith.constant 0 : i32
    %dma_wait3A_91 = tpu.memref_slice %arg11[%dma_wait3A_89, %dma_wait3A_90] : memref<10112x64xf32, #tpu.memory_space<vmem_shared>> -> memref<10112x64xf32, #tpu.memory_space<vmem_shared>>
    tpu.wait_indirect_dma semaphore(%arg13 : memref<!tpu.dma_semaphore, #tpu.memory_space<semaphore_mem>>) src(%dma_wait3A_91 : memref<10112x64xf32, #tpu.memory_space<vmem_shared>>) dst(%dma_wait3A_85 : memref<128x64xf32, #tpu.memory_space<vmem>>)
    %run_scoped3A_92 = arith.constant 1 : i32
    "tpu.region"() ({
      %run_scoped3A_94 = tpu.sem_alloc : memref<!tpu.dma_semaphore, #tpu.memory_space<semaphore_mem>>
      %dma_start3A_95 = arith.constant 0 : i32
      %dma_start3A_96 = arith.constant 0 : i32
      %dma_start3A_97 = tpu.memref_slice %arg9[%run_scoped3A_92, %dma_start3A_95, %dma_start3A_96] : memref<2x128x64xf32, #tpu.memory_space<vmem>> -> memref<1x128x64xf32, #tpu.memory_space<vmem>>
      %dma_start3A_98 = tpu.memref_squeeze %dma_start3A_97 : memref<1x128x64xf32, #tpu.memory_space<vmem>> -> memref<128x64xf32, #tpu.memory_space<vmem>>
      %dma_start3A_99 = arith.constant 0 : i32
      %dma_start3A_100 = tpu.memref_slice %arg8[%add3A_80, %dma_start3A_99] : memref<80x128xi32, #tpu.memory_space<vmem>> -> memref<1x128xi32, #tpu.memory_space<vmem>>
      %dma_start3A_101 = tpu.memref_squeeze %dma_start3A_100 : memref<1x128xi32, #tpu.memory_space<vmem>> -> memref<128xi32, #tpu.memory_space<vmem>>
      %dma_start3A_102 = arith.constant 0 : i32
      %dma_start3A_103 = arith.constant 0 : i32
      %dma_start3A_104 = tpu.memref_slice %arg10[%dma_start3A_102, %dma_start3A_103] : memref<10112x64xf32, #tpu.memory_space<vmem_shared>> -> memref<10112x64xf32, #tpu.memory_space<vmem_shared>>
      tpu.enqueue_indirect_dma source(%dma_start3A_98 : memref<128x64xf32, #tpu.memory_space<vmem>>) target(%dma_start3A_104 : memref<10112x64xf32, #tpu.memory_space<vmem_shared>>) offsets(%dma_start3A_101 : memref<128xi32, #tpu.memory_space<vmem>>) semaphore(%run_scoped3A_94 : memref<!tpu.dma_semaphore, #tpu.memory_space<semaphore_mem>>) {add = true}
      %dma_wait3A_105 = arith.constant 0 : i32
      %dma_wait3A_106 = arith.constant 0 : i32
      %dma_wait3A_107 = tpu.memref_slice %arg9[%run_scoped3A_92, %dma_wait3A_105, %dma_wait3A_106] : memref<2x128x64xf32, #tpu.memory_space<vmem>> -> memref<1x128x64xf32, #tpu.memory_space<vmem>>
      %dma_wait3A_108 = tpu.memref_squeeze %dma_wait3A_107 : memref<1x128x64xf32, #tpu.memory_space<vmem>> -> memref<128x64xf32, #tpu.memory_space<vmem>>
      %dma_wait3A_109 = arith.constant 0 : i32
      %dma_wait3A_110 = tpu.memref_slice %arg8[%add3A_80, %dma_wait3A_109] : memref<80x128xi32, #tpu.memory_space<vmem>> -> memref<1x128xi32, #tpu.memory_space<vmem>>
      %dma_wait3A_111 = tpu.memref_squeeze %dma_wait3A_110 : memref<1x128xi32, #tpu.memory_space<vmem>> -> memref<128xi32, #tpu.memory_space<vmem>>
      %dma_wait3A_112 = arith.constant 0 : i32
      %dma_wait3A_113 = arith.constant 0 : i32
      %dma_wait3A_114 = tpu.memref_slice %arg10[%dma_wait3A_112, %dma_wait3A_113] : memref<10112x64xf32, #tpu.memory_space<vmem_shared>> -> memref<10112x64xf32, #tpu.memory_space<vmem_shared>>
      tpu.wait_indirect_dma semaphore(%run_scoped3A_94 : memref<!tpu.dma_semaphore, #tpu.memory_space<semaphore_mem>>) src(%dma_wait3A_108 : memref<128x64xf32, #tpu.memory_space<vmem>>) dst(%dma_wait3A_114 : memref<10112x64xf32, #tpu.memory_space<vmem_shared>>)
      tpu.yield
    }) : () -> ()
    %barrier3A_93 = arith.constant 0 : index
    tpu.barrier barrier_id(%barrier3A_93)
    "tpu.region"() ({
      %run_scoped3A_94 = tpu.sem_alloc : memref<!tpu.dma_semaphore, #tpu.memory_space<semaphore_mem>>
      %dma_start3A_95 = arith.constant 0 : i32
      %dma_start3A_96 = tpu.memref_slice %arg6[%arg0, %mul3A_10, %dma_start3A_95] : memref<2x10112x64xf32, #tpu.memory_space<hbm>> -> memref<1x632x64xf32, #tpu.memory_space<hbm>>
      %dma_start3A_97 = tpu.memref_squeeze %dma_start3A_96 : memref<1x632x64xf32, #tpu.memory_space<hbm>> -> memref<632x64xf32, #tpu.memory_space<hbm>>
      %dma_start3A_98 = arith.constant 0 : i32
      %dma_start3A_99 = tpu.memref_slice %arg10[%mul3A_10, %dma_start3A_98] : memref<10112x64xf32, #tpu.memory_space<vmem_shared>> -> memref<632x64xf32, #tpu.memory_space<vmem_shared>>
      tpu.enqueue_dma source(%dma_start3A_99 : memref<632x64xf32, #tpu.memory_space<vmem_shared>>) target(%dma_start3A_97 : memref<632x64xf32, #tpu.memory_space<hbm>>) target_semaphore(%run_scoped3A_94 : memref<!tpu.dma_semaphore, #tpu.memory_space<semaphore_mem>>)
      %dma_wait3A_100 = arith.constant 0 : i32
      %dma_wait3A_101 = tpu.memref_slice %arg6[%arg0, %mul3A_10, %dma_wait3A_100] : memref<2x10112x64xf32, #tpu.memory_space<hbm>> -> memref<1x632x64xf32, #tpu.memory_space<hbm>>
      %dma_wait3A_102 = tpu.memref_squeeze %dma_wait3A_101 : memref<1x632x64xf32, #tpu.memory_space<hbm>> -> memref<632x64xf32, #tpu.memory_space<hbm>>
      %dma_wait3A_103 = arith.constant 0 : i32
      %dma_wait3A_104 = tpu.memref_slice %arg10[%mul3A_10, %dma_wait3A_103] : memref<10112x64xf32, #tpu.memory_space<vmem_shared>> -> memref<632x64xf32, #tpu.memory_space<vmem_shared>>
      tpu.wait_dma2 semaphore(%run_scoped3A_94 : memref<!tpu.dma_semaphore, #tpu.memory_space<semaphore_mem>>) src(%dma_wait3A_104 : memref<632x64xf32, #tpu.memory_space<vmem_shared>>) dst(%dma_wait3A_102 : memref<632x64xf32, #tpu.memory_space<hbm>>)
      tpu.yield
    }) : () -> ()
    return
  }
}

#map = affine_map<(d0, d1) -> (0, 0)>
#map1 = affine_map<(d0, d1) -> (0, 0, 0)>
module attributes {stable_mosaic.version = 14 : i64} {
  func.func @scatter_kernel(%arg0: i32, %arg1: i32, %arg2: memref<10112x16xf32, #tpu.memory_space<hbm>>, %arg3: memref<2502x128xi32, #tpu.memory_space<hbm>>, %arg4: memref<2502x128xi32, #tpu.memory_space<hbm>>, %arg5: memref<10112x16xf32, #tpu.memory_space<hbm>>, %arg6: memref<2x10112x16xf32, #tpu.memory_space<hbm>>, %arg7: memref<80x128xi32, #tpu.memory_space<vmem>>, %arg8: memref<80x128xi32, #tpu.memory_space<vmem>>, %arg9: memref<2x128x16xf32, #tpu.memory_space<vmem>>, %arg10: memref<10112x16xf32, #tpu.memory_space<vmem_shared>>, %arg11: memref<10112x16xf32, #tpu.memory_space<vmem_shared>>, %arg12: memref<!tpu.dma_semaphore, #tpu.memory_space<semaphore_mem>>, %arg13: memref<!tpu.dma_semaphore, #tpu.memory_space<semaphore_mem>>) attributes {dimension_semantics = [#tpu.dimension_semantics<core_parallel>, #tpu.dimension_semantics<subcore_parallel>], iteration_bounds = array<i64: 2, 16>, scalar_prefetch = 0 : i64, scratch_operands = 7 : i64, tpu.core_type = #tpu.core_type<sc_vector_subcore>, window_params = [{transform_indices = #map}, {transform_indices = #map}, {transform_indices = #map}, {transform_indices = #map}, {transform_indices = #map1}]} {
    %mul3A = arith.constant 16 : i32
    %mul3A_0 = arith.muli %arg0, %mul3A : i32
    %add3A = arith.addi %mul3A_0, %arg1 : i32
    %lt3A = arith.constant 2 : i32
    %lt3A_1 = arith.cmpi slt, %add3A, %lt3A : i32
    %jit3A = arith.constant 80 : i32
    %jit3A_2 = arith.constant 78 : i32
    %select_n3A = arith.select %lt3A_1, %jit3A, %jit3A_2 : i32
    %mul3A_3 = arith.constant 78 : i32
    %mul3A_4 = arith.muli %mul3A_3, %add3A : i32
    %min3A = arith.constant 2 : i32
    %min3A_5 = arith.minsi %add3A, %min3A : i32
    %mul3A_6 = arith.constant 2 : i32
    %mul3A_7 = arith.muli %mul3A_6, %min3A_5 : i32
    %add3A_8 = arith.addi %mul3A_4, %mul3A_7 : i32
    "tpu.region"() ({
      %run_scoped3A_94 = tpu.sem_alloc : memref<!tpu.dma_semaphore, #tpu.memory_space<semaphore_mem>>
      %dma_start3A_95 = arith.constant 0 : i32
      %dma_start3A_96 = tpu.memref_slice %arg3[%add3A_8, %dma_start3A_95] : memref<2502x128xi32, #tpu.memory_space<hbm>> -> memref<80x128xi32, #tpu.memory_space<hbm>>
      %dma_start3A_97 = arith.constant 0 : i32
      %dma_start3A_98 = tpu.memref_slice %arg3[%add3A_8, %dma_start3A_97] : memref<2502x128xi32, #tpu.memory_space<hbm>> -> memref<80x128xi32, #tpu.memory_space<hbm>>
      tpu.enqueue_dma source(%dma_start3A_98 : memref<80x128xi32, #tpu.memory_space<hbm>>) target(%arg7 : memref<80x128xi32, #tpu.memory_space<vmem>>) target_semaphore(%run_scoped3A_94 : memref<!tpu.dma_semaphore, #tpu.memory_space<semaphore_mem>>)
      %dma_wait3A_99 = arith.constant 0 : i32
      %dma_wait3A_100 = tpu.memref_slice %arg3[%add3A_8, %dma_wait3A_99] : memref<2502x128xi32, #tpu.memory_space<hbm>> -> memref<80x128xi32, #tpu.memory_space<hbm>>
      %dma_wait3A_101 = arith.constant 0 : i32
      %dma_wait3A_102 = tpu.memref_slice %arg3[%add3A_8, %dma_wait3A_101] : memref<2502x128xi32, #tpu.memory_space<hbm>> -> memref<80x128xi32, #tpu.memory_space<hbm>>
      tpu.wait_dma2 semaphore(%run_scoped3A_94 : memref<!tpu.dma_semaphore, #tpu.memory_space<semaphore_mem>>) src(%dma_wait3A_102 : memref<80x128xi32, #tpu.memory_space<hbm>>) dst(%arg7 : memref<80x128xi32, #tpu.memory_space<vmem>>)
      tpu.yield
    }) : () -> ()
    "tpu.region"() ({
      %run_scoped3A_94 = tpu.sem_alloc : memref<!tpu.dma_semaphore, #tpu.memory_space<semaphore_mem>>
      %dma_start3A_95 = arith.constant 0 : i32
      %dma_start3A_96 = tpu.memref_slice %arg4[%add3A_8, %dma_start3A_95] : memref<2502x128xi32, #tpu.memory_space<hbm>> -> memref<80x128xi32, #tpu.memory_space<hbm>>
      %dma_start3A_97 = arith.constant 0 : i32
      %dma_start3A_98 = tpu.memref_slice %arg4[%add3A_8, %dma_start3A_97] : memref<2502x128xi32, #tpu.memory_space<hbm>> -> memref<80x128xi32, #tpu.memory_space<hbm>>
      tpu.enqueue_dma source(%dma_start3A_98 : memref<80x128xi32, #tpu.memory_space<hbm>>) target(%arg8 : memref<80x128xi32, #tpu.memory_space<vmem>>) target_semaphore(%run_scoped3A_94 : memref<!tpu.dma_semaphore, #tpu.memory_space<semaphore_mem>>)
      %dma_wait3A_99 = arith.constant 0 : i32
      %dma_wait3A_100 = tpu.memref_slice %arg4[%add3A_8, %dma_wait3A_99] : memref<2502x128xi32, #tpu.memory_space<hbm>> -> memref<80x128xi32, #tpu.memory_space<hbm>>
      %dma_wait3A_101 = arith.constant 0 : i32
      %dma_wait3A_102 = tpu.memref_slice %arg4[%add3A_8, %dma_wait3A_101] : memref<2502x128xi32, #tpu.memory_space<hbm>> -> memref<80x128xi32, #tpu.memory_space<hbm>>
      tpu.wait_dma2 semaphore(%run_scoped3A_94 : memref<!tpu.dma_semaphore, #tpu.memory_space<semaphore_mem>>) src(%dma_wait3A_102 : memref<80x128xi32, #tpu.memory_space<hbm>>) dst(%arg8 : memref<80x128xi32, #tpu.memory_space<vmem>>)
      tpu.yield
    }) : () -> ()
    %mul3A_9 = arith.constant 632 : i32
    %mul3A_10 = arith.muli %arg1, %mul3A_9 : i32
    "tpu.region"() ({
      %run_scoped3A_94 = tpu.sem_alloc : memref<!tpu.dma_semaphore, #tpu.memory_space<semaphore_mem>>
      %dma_start3A_95 = arith.constant 0 : i32
      %dma_start3A_96 = tpu.memref_slice %arg10[%mul3A_10, %dma_start3A_95] : memref<10112x16xf32, #tpu.memory_space<vmem_shared>> -> memref<632x16xf32, #tpu.memory_space<vmem_shared>>
      %dma_start3A_97 = arith.constant 0 : i32
      %dma_start3A_98 = tpu.memref_slice %arg5[%mul3A_10, %dma_start3A_97] : memref<10112x16xf32, #tpu.memory_space<hbm>> -> memref<632x16xf32, #tpu.memory_space<hbm>>
      tpu.enqueue_dma source(%dma_start3A_98 : memref<632x16xf32, #tpu.memory_space<hbm>>) target(%dma_start3A_96 : memref<632x16xf32, #tpu.memory_space<vmem_shared>>) target_semaphore(%run_scoped3A_94 : memref<!tpu.dma_semaphore, #tpu.memory_space<semaphore_mem>>)
      %dma_wait3A_99 = arith.constant 0 : i32
      %dma_wait3A_100 = tpu.memref_slice %arg10[%mul3A_10, %dma_wait3A_99] : memref<10112x16xf32, #tpu.memory_space<vmem_shared>> -> memref<632x16xf32, #tpu.memory_space<vmem_shared>>
      %dma_wait3A_101 = arith.constant 0 : i32
      %dma_wait3A_102 = tpu.memref_slice %arg5[%mul3A_10, %dma_wait3A_101] : memref<10112x16xf32, #tpu.memory_space<hbm>> -> memref<632x16xf32, #tpu.memory_space<hbm>>
      tpu.wait_dma2 semaphore(%run_scoped3A_94 : memref<!tpu.dma_semaphore, #tpu.memory_space<semaphore_mem>>) src(%dma_wait3A_102 : memref<632x16xf32, #tpu.memory_space<hbm>>) dst(%dma_wait3A_100 : memref<632x16xf32, #tpu.memory_space<vmem_shared>>)
      tpu.yield
    }) : () -> ()
    "tpu.region"() ({
      %run_scoped3A_94 = tpu.sem_alloc : memref<!tpu.dma_semaphore, #tpu.memory_space<semaphore_mem>>
      %dma_start3A_95 = arith.constant 0 : i32
      %dma_start3A_96 = tpu.memref_slice %arg11[%mul3A_10, %dma_start3A_95] : memref<10112x16xf32, #tpu.memory_space<vmem_shared>> -> memref<632x16xf32, #tpu.memory_space<vmem_shared>>
      %dma_start3A_97 = arith.constant 0 : i32
      %dma_start3A_98 = tpu.memref_slice %arg2[%mul3A_10, %dma_start3A_97] : memref<10112x16xf32, #tpu.memory_space<hbm>> -> memref<632x16xf32, #tpu.memory_space<hbm>>
      tpu.enqueue_dma source(%dma_start3A_98 : memref<632x16xf32, #tpu.memory_space<hbm>>) target(%dma_start3A_96 : memref<632x16xf32, #tpu.memory_space<vmem_shared>>) target_semaphore(%run_scoped3A_94 : memref<!tpu.dma_semaphore, #tpu.memory_space<semaphore_mem>>)
      %dma_wait3A_99 = arith.constant 0 : i32
      %dma_wait3A_100 = tpu.memref_slice %arg11[%mul3A_10, %dma_wait3A_99] : memref<10112x16xf32, #tpu.memory_space<vmem_shared>> -> memref<632x16xf32, #tpu.memory_space<vmem_shared>>
      %dma_wait3A_101 = arith.constant 0 : i32
      %dma_wait3A_102 = tpu.memref_slice %arg2[%mul3A_10, %dma_wait3A_101] : memref<10112x16xf32, #tpu.memory_space<hbm>> -> memref<632x16xf32, #tpu.memory_space<hbm>>
      tpu.wait_dma2 semaphore(%run_scoped3A_94 : memref<!tpu.dma_semaphore, #tpu.memory_space<semaphore_mem>>) src(%dma_wait3A_102 : memref<632x16xf32, #tpu.memory_space<hbm>>) dst(%dma_wait3A_100 : memref<632x16xf32, #tpu.memory_space<vmem_shared>>)
      tpu.yield
    }) : () -> ()
    %barrier3A = arith.constant 0 : index
    tpu.barrier barrier_id(%barrier3A)
    %dma_start3A = arith.constant 0 : i32
    %dma_start3A_11 = arith.constant 0 : i32
    %dma_start3A_12 = arith.constant 0 : i32
    %dma_start3A_13 = arith.constant 0 : i32
    %dma_start3A_14 = tpu.memref_slice %arg9[%dma_start3A_11, %dma_start3A_12, %dma_start3A_13] : memref<2x128x16xf32, #tpu.memory_space<vmem>> -> memref<1x128x16xf32, #tpu.memory_space<vmem>>
    %dma_start3A_15 = tpu.memref_squeeze %dma_start3A_14 : memref<1x128x16xf32, #tpu.memory_space<vmem>> -> memref<128x16xf32, #tpu.memory_space<vmem>>
    %dma_start3A_16 = arith.constant 0 : i32
    %dma_start3A_17 = tpu.memref_slice %arg7[%dma_start3A, %dma_start3A_16] : memref<80x128xi32, #tpu.memory_space<vmem>> -> memref<1x128xi32, #tpu.memory_space<vmem>>
    %dma_start3A_18 = tpu.memref_squeeze %dma_start3A_17 : memref<1x128xi32, #tpu.memory_space<vmem>> -> memref<128xi32, #tpu.memory_space<vmem>>
    %dma_start3A_19 = arith.constant 0 : i32
    %dma_start3A_20 = arith.constant 0 : i32
    %dma_start3A_21 = tpu.memref_slice %arg11[%dma_start3A_19, %dma_start3A_20] : memref<10112x16xf32, #tpu.memory_space<vmem_shared>> -> memref<10112x16xf32, #tpu.memory_space<vmem_shared>>
    tpu.enqueue_indirect_dma source(%dma_start3A_21 : memref<10112x16xf32, #tpu.memory_space<vmem_shared>>) target(%dma_start3A_15 : memref<128x16xf32, #tpu.memory_space<vmem>>) offsets(%dma_start3A_18 : memref<128xi32, #tpu.memory_space<vmem>>) semaphore(%arg12 : memref<!tpu.dma_semaphore, #tpu.memory_space<semaphore_mem>>)
    %dma_start3A_22 = arith.constant 1 : i32
    %dma_start3A_23 = arith.constant 1 : i32
    %dma_start3A_24 = arith.constant 0 : i32
    %dma_start3A_25 = arith.constant 0 : i32
    %dma_start3A_26 = tpu.memref_slice %arg9[%dma_start3A_23, %dma_start3A_24, %dma_start3A_25] : memref<2x128x16xf32, #tpu.memory_space<vmem>> -> memref<1x128x16xf32, #tpu.memory_space<vmem>>
    %dma_start3A_27 = tpu.memref_squeeze %dma_start3A_26 : memref<1x128x16xf32, #tpu.memory_space<vmem>> -> memref<128x16xf32, #tpu.memory_space<vmem>>
    %dma_start3A_28 = arith.constant 0 : i32
    %dma_start3A_29 = tpu.memref_slice %arg7[%dma_start3A_22, %dma_start3A_28] : memref<80x128xi32, #tpu.memory_space<vmem>> -> memref<1x128xi32, #tpu.memory_space<vmem>>
    %dma_start3A_30 = tpu.memref_squeeze %dma_start3A_29 : memref<1x128xi32, #tpu.memory_space<vmem>> -> memref<128xi32, #tpu.memory_space<vmem>>
    %dma_start3A_31 = arith.constant 0 : i32
    %dma_start3A_32 = arith.constant 0 : i32
    %dma_start3A_33 = tpu.memref_slice %arg11[%dma_start3A_31, %dma_start3A_32] : memref<10112x16xf32, #tpu.memory_space<vmem_shared>> -> memref<10112x16xf32, #tpu.memory_space<vmem_shared>>
    tpu.enqueue_indirect_dma source(%dma_start3A_33 : memref<10112x16xf32, #tpu.memory_space<vmem_shared>>) target(%dma_start3A_27 : memref<128x16xf32, #tpu.memory_space<vmem>>) offsets(%dma_start3A_30 : memref<128xi32, #tpu.memory_space<vmem>>) semaphore(%arg13 : memref<!tpu.dma_semaphore, #tpu.memory_space<semaphore_mem>>)
    %sub3A = arith.constant 2 : i32
    %sub3A_34 = arith.subi %select_n3A, %sub3A : i32
    %jit3A_35 = arith.constant 2 : i32
    %div3A = arith.divsi %sub3A_34, %jit3A_35 : i32
    %sign3A = arith.constant 0 : i32
    %sign3A_36 = arith.cmpi sgt, %sub3A_34, %sign3A : i32
    %sign3A_37 = arith.extui %sign3A_36 : i1 to i32
    %sign3A_38 = arith.constant 0 : i32
    %sign3A_39 = arith.cmpi slt, %sub3A_34, %sign3A_38 : i32
    %sign3A_40 = arith.extui %sign3A_39 : i1 to i32
    %sign3A_41 = arith.subi %sign3A_37, %sign3A_40 : i32
    %sign3A_42 = arith.constant 0 : i32
    %sign3A_43 = arith.cmpi sgt, %jit3A_35, %sign3A_42 : i32
    %sign3A_44 = arith.extui %sign3A_43 : i1 to i32
    %sign3A_45 = arith.constant 0 : i32
    %sign3A_46 = arith.cmpi slt, %jit3A_35, %sign3A_45 : i32
    %sign3A_47 = arith.extui %sign3A_46 : i1 to i32
    %sign3A_48 = arith.subi %sign3A_44, %sign3A_47 : i32
    %ne3A = arith.cmpi ne, %sign3A_41, %sign3A_48 : i32
    %rem3A = arith.remsi %sub3A_34, %jit3A_35 : i32
    %ne3A_49 = arith.constant 0 : i32
    %ne3A_50 = arith.cmpi ne, %rem3A, %ne3A_49 : i32
    %and3A = arith.andi %ne3A, %ne3A_50 : i1
    %sub3A_51 = arith.constant 1 : i32
    %sub3A_52 = arith.subi %div3A, %sub3A_51 : i32
    %select_n3A_53 = arith.select %and3A, %sub3A_52, %div3A : i32
    %while3A = arith.constant 0 : i32
    %while3A_54 = arith.constant 0 : i32
    %while3A_55 = arith.subi %select_n3A_53, %while3A_54 : i32
    %while3A_56 = arith.addi %while3A_54, %while3A_55 : i32
    %while3A_57 = arith.constant 1 : i32
    %while3A_58 = arith.divsi %while3A_55, %while3A_57 : i32
    %while3A_59 = arith.muli %while3A_58, %while3A_57 : i32
    %while3A_60 = arith.addi %while3A_54, %while3A_59 : i32
    %while3A_61 = arith.constant 1 : i32
    scf.for %while3A_94 = %while3A_54 to %while3A_60 step %while3A_61  : i32 {
      %mul3A_95 = arith.constant 2 : i32
      %mul3A_96 = arith.muli %while3A_94, %mul3A_95 : i32
      %add3A_97 = arith.constant 0 : i32
      %add3A_98 = arith.addi %mul3A_96, %add3A_97 : i32
      %dma_wait3A_99 = arith.constant 0 : i32
      %dma_wait3A_100 = arith.constant 0 : i32
      %dma_wait3A_101 = arith.constant 0 : i32
      %dma_wait3A_102 = tpu.memref_slice %arg9[%dma_wait3A_99, %dma_wait3A_100, %dma_wait3A_101] : memref<2x128x16xf32, #tpu.memory_space<vmem>> -> memref<1x128x16xf32, #tpu.memory_space<vmem>>
      %dma_wait3A_103 = tpu.memref_squeeze %dma_wait3A_102 : memref<1x128x16xf32, #tpu.memory_space<vmem>> -> memref<128x16xf32, #tpu.memory_space<vmem>>
      %dma_wait3A_104 = arith.constant 0 : i32
      %dma_wait3A_105 = tpu.memref_slice %arg7[%add3A_98, %dma_wait3A_104] : memref<80x128xi32, #tpu.memory_space<vmem>> -> memref<1x128xi32, #tpu.memory_space<vmem>>
      %dma_wait3A_106 = tpu.memref_squeeze %dma_wait3A_105 : memref<1x128xi32, #tpu.memory_space<vmem>> -> memref<128xi32, #tpu.memory_space<vmem>>
      %dma_wait3A_107 = arith.constant 0 : i32
      %dma_wait3A_108 = arith.constant 0 : i32
      %dma_wait3A_109 = tpu.memref_slice %arg11[%dma_wait3A_107, %dma_wait3A_108] : memref<10112x16xf32, #tpu.memory_space<vmem_shared>> -> memref<10112x16xf32, #tpu.memory_space<vmem_shared>>
      tpu.wait_indirect_dma semaphore(%arg12 : memref<!tpu.dma_semaphore, #tpu.memory_space<semaphore_mem>>) src(%dma_wait3A_109 : memref<10112x16xf32, #tpu.memory_space<vmem_shared>>) dst(%dma_wait3A_103 : memref<128x16xf32, #tpu.memory_space<vmem>>)
      %add3A_110 = arith.constant 0 : i32
      %add3A_111 = arith.addi %mul3A_96, %add3A_110 : i32
      %run_scoped3A_112 = arith.constant 0 : i32
      "tpu.region"() ({
        %run_scoped3A_159 = tpu.sem_alloc : memref<!tpu.dma_semaphore, #tpu.memory_space<semaphore_mem>>
        %dma_start3A_160 = arith.constant 0 : i32
        %dma_start3A_161 = arith.constant 0 : i32
        %dma_start3A_162 = tpu.memref_slice %arg9[%run_scoped3A_112, %dma_start3A_160, %dma_start3A_161] : memref<2x128x16xf32, #tpu.memory_space<vmem>> -> memref<1x128x16xf32, #tpu.memory_space<vmem>>
        %dma_start3A_163 = tpu.memref_squeeze %dma_start3A_162 : memref<1x128x16xf32, #tpu.memory_space<vmem>> -> memref<128x16xf32, #tpu.memory_space<vmem>>
        %dma_start3A_164 = arith.constant 0 : i32
        %dma_start3A_165 = tpu.memref_slice %arg8[%add3A_111, %dma_start3A_164] : memref<80x128xi32, #tpu.memory_space<vmem>> -> memref<1x128xi32, #tpu.memory_space<vmem>>
        %dma_start3A_166 = tpu.memref_squeeze %dma_start3A_165 : memref<1x128xi32, #tpu.memory_space<vmem>> -> memref<128xi32, #tpu.memory_space<vmem>>
        %dma_start3A_167 = arith.constant 0 : i32
        %dma_start3A_168 = arith.constant 0 : i32
        %dma_start3A_169 = tpu.memref_slice %arg10[%dma_start3A_167, %dma_start3A_168] : memref<10112x16xf32, #tpu.memory_space<vmem_shared>> -> memref<10112x16xf32, #tpu.memory_space<vmem_shared>>
        tpu.enqueue_indirect_dma source(%dma_start3A_163 : memref<128x16xf32, #tpu.memory_space<vmem>>) target(%dma_start3A_169 : memref<10112x16xf32, #tpu.memory_space<vmem_shared>>) offsets(%dma_start3A_166 : memref<128xi32, #tpu.memory_space<vmem>>) semaphore(%run_scoped3A_159 : memref<!tpu.dma_semaphore, #tpu.memory_space<semaphore_mem>>) {add = true}
        %dma_wait3A_170 = arith.constant 0 : i32
        %dma_wait3A_171 = arith.constant 0 : i32
        %dma_wait3A_172 = tpu.memref_slice %arg9[%run_scoped3A_112, %dma_wait3A_170, %dma_wait3A_171] : memref<2x128x16xf32, #tpu.memory_space<vmem>> -> memref<1x128x16xf32, #tpu.memory_space<vmem>>
        %dma_wait3A_173 = tpu.memref_squeeze %dma_wait3A_172 : memref<1x128x16xf32, #tpu.memory_space<vmem>> -> memref<128x16xf32, #tpu.memory_space<vmem>>
        %dma_wait3A_174 = arith.constant 0 : i32
        %dma_wait3A_175 = tpu.memref_slice %arg8[%add3A_111, %dma_wait3A_174] : memref<80x128xi32, #tpu.memory_space<vmem>> -> memref<1x128xi32, #tpu.memory_space<vmem>>
        %dma_wait3A_176 = tpu.memref_squeeze %dma_wait3A_175 : memref<1x128xi32, #tpu.memory_space<vmem>> -> memref<128xi32, #tpu.memory_space<vmem>>
        %dma_wait3A_177 = arith.constant 0 : i32
        %dma_wait3A_178 = arith.constant 0 : i32
        %dma_wait3A_179 = tpu.memref_slice %arg10[%dma_wait3A_177, %dma_wait3A_178] : memref<10112x16xf32, #tpu.memory_space<vmem_shared>> -> memref<10112x16xf32, #tpu.memory_space<vmem_shared>>
        tpu.wait_indirect_dma semaphore(%run_scoped3A_159 : memref<!tpu.dma_semaphore, #tpu.memory_space<semaphore_mem>>) src(%dma_wait3A_173 : memref<128x16xf32, #tpu.memory_space<vmem>>) dst(%dma_wait3A_179 : memref<10112x16xf32, #tpu.memory_space<vmem_shared>>)
        tpu.yield
      }) : () -> ()
      %add3A_113 = arith.constant 0 : i32
      %add3A_114 = arith.addi %mul3A_96, %add3A_113 : i32
      %add3A_115 = arith.constant 2 : i32
      %add3A_116 = arith.addi %add3A_114, %add3A_115 : i32
      %dma_start3A_117 = arith.constant 0 : i32
      %dma_start3A_118 = arith.constant 0 : i32
      %dma_start3A_119 = arith.constant 0 : i32
      %dma_start3A_120 = tpu.memref_slice %arg9[%dma_start3A_117, %dma_start3A_118, %dma_start3A_119] : memref<2x128x16xf32, #tpu.memory_space<vmem>> -> memref<1x128x16xf32, #tpu.memory_space<vmem>>
      %dma_start3A_121 = tpu.memref_squeeze %dma_start3A_120 : memref<1x128x16xf32, #tpu.memory_space<vmem>> -> memref<128x16xf32, #tpu.memory_space<vmem>>
      %dma_start3A_122 = arith.constant 0 : i32
      %dma_start3A_123 = tpu.memref_slice %arg7[%add3A_116, %dma_start3A_122] : memref<80x128xi32, #tpu.memory_space<vmem>> -> memref<1x128xi32, #tpu.memory_space<vmem>>
      %dma_start3A_124 = tpu.memref_squeeze %dma_start3A_123 : memref<1x128xi32, #tpu.memory_space<vmem>> -> memref<128xi32, #tpu.memory_space<vmem>>
      %dma_start3A_125 = arith.constant 0 : i32
      %dma_start3A_126 = arith.constant 0 : i32
      %dma_start3A_127 = tpu.memref_slice %arg11[%dma_start3A_125, %dma_start3A_126] : memref<10112x16xf32, #tpu.memory_space<vmem_shared>> -> memref<10112x16xf32, #tpu.memory_space<vmem_shared>>
      tpu.enqueue_indirect_dma source(%dma_start3A_127 : memref<10112x16xf32, #tpu.memory_space<vmem_shared>>) target(%dma_start3A_121 : memref<128x16xf32, #tpu.memory_space<vmem>>) offsets(%dma_start3A_124 : memref<128xi32, #tpu.memory_space<vmem>>) semaphore(%arg12 : memref<!tpu.dma_semaphore, #tpu.memory_space<semaphore_mem>>)
      %add3A_128 = arith.constant 1 : i32
      %add3A_129 = arith.addi %mul3A_96, %add3A_128 : i32
      %dma_wait3A_130 = arith.constant 1 : i32
      %dma_wait3A_131 = arith.constant 0 : i32
      %dma_wait3A_132 = arith.constant 0 : i32
      %dma_wait3A_133 = tpu.memref_slice %arg9[%dma_wait3A_130, %dma_wait3A_131, %dma_wait3A_132] : memref<2x128x16xf32, #tpu.memory_space<vmem>> -> memref<1x128x16xf32, #tpu.memory_space<vmem>>
      %dma_wait3A_134 = tpu.memref_squeeze %dma_wait3A_133 : memref<1x128x16xf32, #tpu.memory_space<vmem>> -> memref<128x16xf32, #tpu.memory_space<vmem>>
      %dma_wait3A_135 = arith.constant 0 : i32
      %dma_wait3A_136 = tpu.memref_slice %arg7[%add3A_129, %dma_wait3A_135] : memref<80x128xi32, #tpu.memory_space<vmem>> -> memref<1x128xi32, #tpu.memory_space<vmem>>
      %dma_wait3A_137 = tpu.memref_squeeze %dma_wait3A_136 : memref<1x128xi32, #tpu.memory_space<vmem>> -> memref<128xi32, #tpu.memory_space<vmem>>
      %dma_wait3A_138 = arith.constant 0 : i32
      %dma_wait3A_139 = arith.constant 0 : i32
      %dma_wait3A_140 = tpu.memref_slice %arg11[%dma_wait3A_138, %dma_wait3A_139] : memref<10112x16xf32, #tpu.memory_space<vmem_shared>> -> memref<10112x16xf32, #tpu.memory_space<vmem_shared>>
      tpu.wait_indirect_dma semaphore(%arg13 : memref<!tpu.dma_semaphore, #tpu.memory_space<semaphore_mem>>) src(%dma_wait3A_140 : memref<10112x16xf32, #tpu.memory_space<vmem_shared>>) dst(%dma_wait3A_134 : memref<128x16xf32, #tpu.memory_space<vmem>>)
      %add3A_141 = arith.constant 1 : i32
      %add3A_142 = arith.addi %mul3A_96, %add3A_141 : i32
      %run_scoped3A_143 = arith.constant 1 : i32
      "tpu.region"() ({
        %run_scoped3A_159 = tpu.sem_alloc : memref<!tpu.dma_semaphore, #tpu.memory_space<semaphore_mem>>
        %dma_start3A_160 = arith.constant 0 : i32
        %dma_start3A_161 = arith.constant 0 : i32
        %dma_start3A_162 = tpu.memref_slice %arg9[%run_scoped3A_143, %dma_start3A_160, %dma_start3A_161] : memref<2x128x16xf32, #tpu.memory_space<vmem>> -> memref<1x128x16xf32, #tpu.memory_space<vmem>>
        %dma_start3A_163 = tpu.memref_squeeze %dma_start3A_162 : memref<1x128x16xf32, #tpu.memory_space<vmem>> -> memref<128x16xf32, #tpu.memory_space<vmem>>
        %dma_start3A_164 = arith.constant 0 : i32
        %dma_start3A_165 = tpu.memref_slice %arg8[%add3A_142, %dma_start3A_164] : memref<80x128xi32, #tpu.memory_space<vmem>> -> memref<1x128xi32, #tpu.memory_space<vmem>>
        %dma_start3A_166 = tpu.memref_squeeze %dma_start3A_165 : memref<1x128xi32, #tpu.memory_space<vmem>> -> memref<128xi32, #tpu.memory_space<vmem>>
        %dma_start3A_167 = arith.constant 0 : i32
        %dma_start3A_168 = arith.constant 0 : i32
        %dma_start3A_169 = tpu.memref_slice %arg10[%dma_start3A_167, %dma_start3A_168] : memref<10112x16xf32, #tpu.memory_space<vmem_shared>> -> memref<10112x16xf32, #tpu.memory_space<vmem_shared>>
        tpu.enqueue_indirect_dma source(%dma_start3A_163 : memref<128x16xf32, #tpu.memory_space<vmem>>) target(%dma_start3A_169 : memref<10112x16xf32, #tpu.memory_space<vmem_shared>>) offsets(%dma_start3A_166 : memref<128xi32, #tpu.memory_space<vmem>>) semaphore(%run_scoped3A_159 : memref<!tpu.dma_semaphore, #tpu.memory_space<semaphore_mem>>) {add = true}
        %dma_wait3A_170 = arith.constant 0 : i32
        %dma_wait3A_171 = arith.constant 0 : i32
        %dma_wait3A_172 = tpu.memref_slice %arg9[%run_scoped3A_143, %dma_wait3A_170, %dma_wait3A_171] : memref<2x128x16xf32, #tpu.memory_space<vmem>> -> memref<1x128x16xf32, #tpu.memory_space<vmem>>
        %dma_wait3A_173 = tpu.memref_squeeze %dma_wait3A_172 : memref<1x128x16xf32, #tpu.memory_space<vmem>> -> memref<128x16xf32, #tpu.memory_space<vmem>>
        %dma_wait3A_174 = arith.constant 0 : i32
        %dma_wait3A_175 = tpu.memref_slice %arg8[%add3A_142, %dma_wait3A_174] : memref<80x128xi32, #tpu.memory_space<vmem>> -> memref<1x128xi32, #tpu.memory_space<vmem>>
        %dma_wait3A_176 = tpu.memref_squeeze %dma_wait3A_175 : memref<1x128xi32, #tpu.memory_space<vmem>> -> memref<128xi32, #tpu.memory_space<vmem>>
        %dma_wait3A_177 = arith.constant 0 : i32
        %dma_wait3A_178 = arith.constant 0 : i32
        %dma_wait3A_179 = tpu.memref_slice %arg10[%dma_wait3A_177, %dma_wait3A_178] : memref<10112x16xf32, #tpu.memory_space<vmem_shared>> -> memref<10112x16xf32, #tpu.memory_space<vmem_shared>>
        tpu.wait_indirect_dma semaphore(%run_scoped3A_159 : memref<!tpu.dma_semaphore, #tpu.memory_space<semaphore_mem>>) src(%dma_wait3A_173 : memref<128x16xf32, #tpu.memory_space<vmem>>) dst(%dma_wait3A_179 : memref<10112x16xf32, #tpu.memory_space<vmem_shared>>)
        tpu.yield
      }) : () -> ()
      %add3A_144 = arith.constant 1 : i32
      %add3A_145 = arith.addi %mul3A_96, %add3A_144 : i32
      %add3A_146 = arith.constant 2 : i32
      %add3A_147 = arith.addi %add3A_145, %add3A_146 : i32
      %dma_start3A_148 = arith.constant 1 : i32
      %dma_start3A_149 = arith.constant 0 : i32
      %dma_start3A_150 = arith.constant 0 : i32
      %dma_start3A_151 = tpu.memref_slice %arg9[%dma_start3A_148, %dma_start3A_149, %dma_start3A_150] : memref<2x128x16xf32, #tpu.memory_space<vmem>> -> memref<1x128x16xf32, #tpu.memory_space<vmem>>
      %dma_start3A_152 = tpu.memref_squeeze %dma_start3A_151 : memref<1x128x16xf32, #tpu.memory_space<vmem>> -> memref<128x16xf32, #tpu.memory_space<vmem>>
      %dma_start3A_153 = arith.constant 0 : i32
      %dma_start3A_154 = tpu.memref_slice %arg7[%add3A_147, %dma_start3A_153] : memref<80x128xi32, #tpu.memory_space<vmem>> -> memref<1x128xi32, #tpu.memory_space<vmem>>
      %dma_start3A_155 = tpu.memref_squeeze %dma_start3A_154 : memref<1x128xi32, #tpu.memory_space<vmem>> -> memref<128xi32, #tpu.memory_space<vmem>>
      %dma_start3A_156 = arith.constant 0 : i32
      %dma_start3A_157 = arith.constant 0 : i32
      %dma_start3A_158 = tpu.memref_slice %arg11[%dma_start3A_156, %dma_start3A_157] : memref<10112x16xf32, #tpu.memory_space<vmem_shared>> -> memref<10112x16xf32, #tpu.memory_space<vmem_shared>>
      tpu.enqueue_indirect_dma source(%dma_start3A_158 : memref<10112x16xf32, #tpu.memory_space<vmem_shared>>) target(%dma_start3A_152 : memref<128x16xf32, #tpu.memory_space<vmem>>) offsets(%dma_start3A_155 : memref<128xi32, #tpu.memory_space<vmem>>) semaphore(%arg13 : memref<!tpu.dma_semaphore, #tpu.memory_space<semaphore_mem>>)
    }
    %while3A_62 = arith.constant 1 : i32
    scf.for %while3A_94 = %while3A_60 to %while3A_56 step %while3A_62  : i32 {
      %mul3A_95 = arith.constant 2 : i32
      %mul3A_96 = arith.muli %while3A_94, %mul3A_95 : i32
      %add3A_97 = arith.constant 0 : i32
      %add3A_98 = arith.addi %mul3A_96, %add3A_97 : i32
      %dma_wait3A_99 = arith.constant 0 : i32
      %dma_wait3A_100 = arith.constant 0 : i32
      %dma_wait3A_101 = arith.constant 0 : i32
      %dma_wait3A_102 = tpu.memref_slice %arg9[%dma_wait3A_99, %dma_wait3A_100, %dma_wait3A_101] : memref<2x128x16xf32, #tpu.memory_space<vmem>> -> memref<1x128x16xf32, #tpu.memory_space<vmem>>
      %dma_wait3A_103 = tpu.memref_squeeze %dma_wait3A_102 : memref<1x128x16xf32, #tpu.memory_space<vmem>> -> memref<128x16xf32, #tpu.memory_space<vmem>>
      %dma_wait3A_104 = arith.constant 0 : i32
      %dma_wait3A_105 = tpu.memref_slice %arg7[%add3A_98, %dma_wait3A_104] : memref<80x128xi32, #tpu.memory_space<vmem>> -> memref<1x128xi32, #tpu.memory_space<vmem>>
      %dma_wait3A_106 = tpu.memref_squeeze %dma_wait3A_105 : memref<1x128xi32, #tpu.memory_space<vmem>> -> memref<128xi32, #tpu.memory_space<vmem>>
      %dma_wait3A_107 = arith.constant 0 : i32
      %dma_wait3A_108 = arith.constant 0 : i32
      %dma_wait3A_109 = tpu.memref_slice %arg11[%dma_wait3A_107, %dma_wait3A_108] : memref<10112x16xf32, #tpu.memory_space<vmem_shared>> -> memref<10112x16xf32, #tpu.memory_space<vmem_shared>>
      tpu.wait_indirect_dma semaphore(%arg12 : memref<!tpu.dma_semaphore, #tpu.memory_space<semaphore_mem>>) src(%dma_wait3A_109 : memref<10112x16xf32, #tpu.memory_space<vmem_shared>>) dst(%dma_wait3A_103 : memref<128x16xf32, #tpu.memory_space<vmem>>)
      %add3A_110 = arith.constant 0 : i32
      %add3A_111 = arith.addi %mul3A_96, %add3A_110 : i32
      %run_scoped3A_112 = arith.constant 0 : i32
      "tpu.region"() ({
        %run_scoped3A_159 = tpu.sem_alloc : memref<!tpu.dma_semaphore, #tpu.memory_space<semaphore_mem>>
        %dma_start3A_160 = arith.constant 0 : i32
        %dma_start3A_161 = arith.constant 0 : i32
        %dma_start3A_162 = tpu.memref_slice %arg9[%run_scoped3A_112, %dma_start3A_160, %dma_start3A_161] : memref<2x128x16xf32, #tpu.memory_space<vmem>> -> memref<1x128x16xf32, #tpu.memory_space<vmem>>
        %dma_start3A_163 = tpu.memref_squeeze %dma_start3A_162 : memref<1x128x16xf32, #tpu.memory_space<vmem>> -> memref<128x16xf32, #tpu.memory_space<vmem>>
        %dma_start3A_164 = arith.constant 0 : i32
        %dma_start3A_165 = tpu.memref_slice %arg8[%add3A_111, %dma_start3A_164] : memref<80x128xi32, #tpu.memory_space<vmem>> -> memref<1x128xi32, #tpu.memory_space<vmem>>
        %dma_start3A_166 = tpu.memref_squeeze %dma_start3A_165 : memref<1x128xi32, #tpu.memory_space<vmem>> -> memref<128xi32, #tpu.memory_space<vmem>>
        %dma_start3A_167 = arith.constant 0 : i32
        %dma_start3A_168 = arith.constant 0 : i32
        %dma_start3A_169 = tpu.memref_slice %arg10[%dma_start3A_167, %dma_start3A_168] : memref<10112x16xf32, #tpu.memory_space<vmem_shared>> -> memref<10112x16xf32, #tpu.memory_space<vmem_shared>>
        tpu.enqueue_indirect_dma source(%dma_start3A_163 : memref<128x16xf32, #tpu.memory_space<vmem>>) target(%dma_start3A_169 : memref<10112x16xf32, #tpu.memory_space<vmem_shared>>) offsets(%dma_start3A_166 : memref<128xi32, #tpu.memory_space<vmem>>) semaphore(%run_scoped3A_159 : memref<!tpu.dma_semaphore, #tpu.memory_space<semaphore_mem>>) {add = true}
        %dma_wait3A_170 = arith.constant 0 : i32
        %dma_wait3A_171 = arith.constant 0 : i32
        %dma_wait3A_172 = tpu.memref_slice %arg9[%run_scoped3A_112, %dma_wait3A_170, %dma_wait3A_171] : memref<2x128x16xf32, #tpu.memory_space<vmem>> -> memref<1x128x16xf32, #tpu.memory_space<vmem>>
        %dma_wait3A_173 = tpu.memref_squeeze %dma_wait3A_172 : memref<1x128x16xf32, #tpu.memory_space<vmem>> -> memref<128x16xf32, #tpu.memory_space<vmem>>
        %dma_wait3A_174 = arith.constant 0 : i32
        %dma_wait3A_175 = tpu.memref_slice %arg8[%add3A_111, %dma_wait3A_174] : memref<80x128xi32, #tpu.memory_space<vmem>> -> memref<1x128xi32, #tpu.memory_space<vmem>>
        %dma_wait3A_176 = tpu.memref_squeeze %dma_wait3A_175 : memref<1x128xi32, #tpu.memory_space<vmem>> -> memref<128xi32, #tpu.memory_space<vmem>>
        %dma_wait3A_177 = arith.constant 0 : i32
        %dma_wait3A_178 = arith.constant 0 : i32
        %dma_wait3A_179 = tpu.memref_slice %arg10[%dma_wait3A_177, %dma_wait3A_178] : memref<10112x16xf32, #tpu.memory_space<vmem_shared>> -> memref<10112x16xf32, #tpu.memory_space<vmem_shared>>
        tpu.wait_indirect_dma semaphore(%run_scoped3A_159 : memref<!tpu.dma_semaphore, #tpu.memory_space<semaphore_mem>>) src(%dma_wait3A_173 : memref<128x16xf32, #tpu.memory_space<vmem>>) dst(%dma_wait3A_179 : memref<10112x16xf32, #tpu.memory_space<vmem_shared>>)
        tpu.yield
      }) : () -> ()
      %add3A_113 = arith.constant 0 : i32
      %add3A_114 = arith.addi %mul3A_96, %add3A_113 : i32
      %add3A_115 = arith.constant 2 : i32
      %add3A_116 = arith.addi %add3A_114, %add3A_115 : i32
      %dma_start3A_117 = arith.constant 0 : i32
      %dma_start3A_118 = arith.constant 0 : i32
      %dma_start3A_119 = arith.constant 0 : i32
      %dma_start3A_120 = tpu.memref_slice %arg9[%dma_start3A_117, %dma_start3A_118, %dma_start3A_119] : memref<2x128x16xf32, #tpu.memory_space<vmem>> -> memref<1x128x16xf32, #tpu.memory_space<vmem>>
      %dma_start3A_121 = tpu.memref_squeeze %dma_start3A_120 : memref<1x128x16xf32, #tpu.memory_space<vmem>> -> memref<128x16xf32, #tpu.memory_space<vmem>>
      %dma_start3A_122 = arith.constant 0 : i32
      %dma_start3A_123 = tpu.memref_slice %arg7[%add3A_116, %dma_start3A_122] : memref<80x128xi32, #tpu.memory_space<vmem>> -> memref<1x128xi32, #tpu.memory_space<vmem>>
      %dma_start3A_124 = tpu.memref_squeeze %dma_start3A_123 : memref<1x128xi32, #tpu.memory_space<vmem>> -> memref<128xi32, #tpu.memory_space<vmem>>
      %dma_start3A_125 = arith.constant 0 : i32
      %dma_start3A_126 = arith.constant 0 : i32
      %dma_start3A_127 = tpu.memref_slice %arg11[%dma_start3A_125, %dma_start3A_126] : memref<10112x16xf32, #tpu.memory_space<vmem_shared>> -> memref<10112x16xf32, #tpu.memory_space<vmem_shared>>
      tpu.enqueue_indirect_dma source(%dma_start3A_127 : memref<10112x16xf32, #tpu.memory_space<vmem_shared>>) target(%dma_start3A_121 : memref<128x16xf32, #tpu.memory_space<vmem>>) offsets(%dma_start3A_124 : memref<128xi32, #tpu.memory_space<vmem>>) semaphore(%arg12 : memref<!tpu.dma_semaphore, #tpu.memory_space<semaphore_mem>>)
      %add3A_128 = arith.constant 1 : i32
      %add3A_129 = arith.addi %mul3A_96, %add3A_128 : i32
      %dma_wait3A_130 = arith.constant 1 : i32
      %dma_wait3A_131 = arith.constant 0 : i32
      %dma_wait3A_132 = arith.constant 0 : i32
      %dma_wait3A_133 = tpu.memref_slice %arg9[%dma_wait3A_130, %dma_wait3A_131, %dma_wait3A_132] : memref<2x128x16xf32, #tpu.memory_space<vmem>> -> memref<1x128x16xf32, #tpu.memory_space<vmem>>
      %dma_wait3A_134 = tpu.memref_squeeze %dma_wait3A_133 : memref<1x128x16xf32, #tpu.memory_space<vmem>> -> memref<128x16xf32, #tpu.memory_space<vmem>>
      %dma_wait3A_135 = arith.constant 0 : i32
      %dma_wait3A_136 = tpu.memref_slice %arg7[%add3A_129, %dma_wait3A_135] : memref<80x128xi32, #tpu.memory_space<vmem>> -> memref<1x128xi32, #tpu.memory_space<vmem>>
      %dma_wait3A_137 = tpu.memref_squeeze %dma_wait3A_136 : memref<1x128xi32, #tpu.memory_space<vmem>> -> memref<128xi32, #tpu.memory_space<vmem>>
      %dma_wait3A_138 = arith.constant 0 : i32
      %dma_wait3A_139 = arith.constant 0 : i32
      %dma_wait3A_140 = tpu.memref_slice %arg11[%dma_wait3A_138, %dma_wait3A_139] : memref<10112x16xf32, #tpu.memory_space<vmem_shared>> -> memref<10112x16xf32, #tpu.memory_space<vmem_shared>>
      tpu.wait_indirect_dma semaphore(%arg13 : memref<!tpu.dma_semaphore, #tpu.memory_space<semaphore_mem>>) src(%dma_wait3A_140 : memref<10112x16xf32, #tpu.memory_space<vmem_shared>>) dst(%dma_wait3A_134 : memref<128x16xf32, #tpu.memory_space<vmem>>)
      %add3A_141 = arith.constant 1 : i32
      %add3A_142 = arith.addi %mul3A_96, %add3A_141 : i32
      %run_scoped3A_143 = arith.constant 1 : i32
      "tpu.region"() ({
        %run_scoped3A_159 = tpu.sem_alloc : memref<!tpu.dma_semaphore, #tpu.memory_space<semaphore_mem>>
        %dma_start3A_160 = arith.constant 0 : i32
        %dma_start3A_161 = arith.constant 0 : i32
        %dma_start3A_162 = tpu.memref_slice %arg9[%run_scoped3A_143, %dma_start3A_160, %dma_start3A_161] : memref<2x128x16xf32, #tpu.memory_space<vmem>> -> memref<1x128x16xf32, #tpu.memory_space<vmem>>
        %dma_start3A_163 = tpu.memref_squeeze %dma_start3A_162 : memref<1x128x16xf32, #tpu.memory_space<vmem>> -> memref<128x16xf32, #tpu.memory_space<vmem>>
        %dma_start3A_164 = arith.constant 0 : i32
        %dma_start3A_165 = tpu.memref_slice %arg8[%add3A_142, %dma_start3A_164] : memref<80x128xi32, #tpu.memory_space<vmem>> -> memref<1x128xi32, #tpu.memory_space<vmem>>
        %dma_start3A_166 = tpu.memref_squeeze %dma_start3A_165 : memref<1x128xi32, #tpu.memory_space<vmem>> -> memref<128xi32, #tpu.memory_space<vmem>>
        %dma_start3A_167 = arith.constant 0 : i32
        %dma_start3A_168 = arith.constant 0 : i32
        %dma_start3A_169 = tpu.memref_slice %arg10[%dma_start3A_167, %dma_start3A_168] : memref<10112x16xf32, #tpu.memory_space<vmem_shared>> -> memref<10112x16xf32, #tpu.memory_space<vmem_shared>>
        tpu.enqueue_indirect_dma source(%dma_start3A_163 : memref<128x16xf32, #tpu.memory_space<vmem>>) target(%dma_start3A_169 : memref<10112x16xf32, #tpu.memory_space<vmem_shared>>) offsets(%dma_start3A_166 : memref<128xi32, #tpu.memory_space<vmem>>) semaphore(%run_scoped3A_159 : memref<!tpu.dma_semaphore, #tpu.memory_space<semaphore_mem>>) {add = true}
        %dma_wait3A_170 = arith.constant 0 : i32
        %dma_wait3A_171 = arith.constant 0 : i32
        %dma_wait3A_172 = tpu.memref_slice %arg9[%run_scoped3A_143, %dma_wait3A_170, %dma_wait3A_171] : memref<2x128x16xf32, #tpu.memory_space<vmem>> -> memref<1x128x16xf32, #tpu.memory_space<vmem>>
        %dma_wait3A_173 = tpu.memref_squeeze %dma_wait3A_172 : memref<1x128x16xf32, #tpu.memory_space<vmem>> -> memref<128x16xf32, #tpu.memory_space<vmem>>
        %dma_wait3A_174 = arith.constant 0 : i32
        %dma_wait3A_175 = tpu.memref_slice %arg8[%add3A_142, %dma_wait3A_174] : memref<80x128xi32, #tpu.memory_space<vmem>> -> memref<1x128xi32, #tpu.memory_space<vmem>>
        %dma_wait3A_176 = tpu.memref_squeeze %dma_wait3A_175 : memref<1x128xi32, #tpu.memory_space<vmem>> -> memref<128xi32, #tpu.memory_space<vmem>>
        %dma_wait3A_177 = arith.constant 0 : i32
        %dma_wait3A_178 = arith.constant 0 : i32
        %dma_wait3A_179 = tpu.memref_slice %arg10[%dma_wait3A_177, %dma_wait3A_178] : memref<10112x16xf32, #tpu.memory_space<vmem_shared>> -> memref<10112x16xf32, #tpu.memory_space<vmem_shared>>
        tpu.wait_indirect_dma semaphore(%run_scoped3A_159 : memref<!tpu.dma_semaphore, #tpu.memory_space<semaphore_mem>>) src(%dma_wait3A_173 : memref<128x16xf32, #tpu.memory_space<vmem>>) dst(%dma_wait3A_179 : memref<10112x16xf32, #tpu.memory_space<vmem_shared>>)
        tpu.yield
      }) : () -> ()
      %add3A_144 = arith.constant 1 : i32
      %add3A_145 = arith.addi %mul3A_96, %add3A_144 : i32
      %add3A_146 = arith.constant 2 : i32
      %add3A_147 = arith.addi %add3A_145, %add3A_146 : i32
      %dma_start3A_148 = arith.constant 1 : i32
      %dma_start3A_149 = arith.constant 0 : i32
      %dma_start3A_150 = arith.constant 0 : i32
      %dma_start3A_151 = tpu.memref_slice %arg9[%dma_start3A_148, %dma_start3A_149, %dma_start3A_150] : memref<2x128x16xf32, #tpu.memory_space<vmem>> -> memref<1x128x16xf32, #tpu.memory_space<vmem>>
      %dma_start3A_152 = tpu.memref_squeeze %dma_start3A_151 : memref<1x128x16xf32, #tpu.memory_space<vmem>> -> memref<128x16xf32, #tpu.memory_space<vmem>>
      %dma_start3A_153 = arith.constant 0 : i32
      %dma_start3A_154 = tpu.memref_slice %arg7[%add3A_147, %dma_start3A_153] : memref<80x128xi32, #tpu.memory_space<vmem>> -> memref<1x128xi32, #tpu.memory_space<vmem>>
      %dma_start3A_155 = tpu.memref_squeeze %dma_start3A_154 : memref<1x128xi32, #tpu.memory_space<vmem>> -> memref<128xi32, #tpu.memory_space<vmem>>
      %dma_start3A_156 = arith.constant 0 : i32
      %dma_start3A_157 = arith.constant 0 : i32
      %dma_start3A_158 = tpu.memref_slice %arg11[%dma_start3A_156, %dma_start3A_157] : memref<10112x16xf32, #tpu.memory_space<vmem_shared>> -> memref<10112x16xf32, #tpu.memory_space<vmem_shared>>
      tpu.enqueue_indirect_dma source(%dma_start3A_158 : memref<10112x16xf32, #tpu.memory_space<vmem_shared>>) target(%dma_start3A_152 : memref<128x16xf32, #tpu.memory_space<vmem>>) offsets(%dma_start3A_155 : memref<128xi32, #tpu.memory_space<vmem>>) semaphore(%arg13 : memref<!tpu.dma_semaphore, #tpu.memory_space<semaphore_mem>>)
    }
    %sub3A_63 = arith.constant 2 : i32
    %sub3A_64 = arith.subi %select_n3A, %sub3A_63 : i32
    %add3A_65 = arith.constant 0 : i32
    %add3A_66 = arith.addi %sub3A_64, %add3A_65 : i32
    %dma_wait3A = arith.constant 0 : i32
    %dma_wait3A_67 = arith.constant 0 : i32
    %dma_wait3A_68 = arith.constant 0 : i32
    %dma_wait3A_69 = tpu.memref_slice %arg9[%dma_wait3A, %dma_wait3A_67, %dma_wait3A_68] : memref<2x128x16xf32, #tpu.memory_space<vmem>> -> memref<1x128x16xf32, #tpu.memory_space<vmem>>
    %dma_wait3A_70 = tpu.memref_squeeze %dma_wait3A_69 : memref<1x128x16xf32, #tpu.memory_space<vmem>> -> memref<128x16xf32, #tpu.memory_space<vmem>>
    %dma_wait3A_71 = arith.constant 0 : i32
    %dma_wait3A_72 = tpu.memref_slice %arg7[%add3A_66, %dma_wait3A_71] : memref<80x128xi32, #tpu.memory_space<vmem>> -> memref<1x128xi32, #tpu.memory_space<vmem>>
    %dma_wait3A_73 = tpu.memref_squeeze %dma_wait3A_72 : memref<1x128xi32, #tpu.memory_space<vmem>> -> memref<128xi32, #tpu.memory_space<vmem>>
    %dma_wait3A_74 = arith.constant 0 : i32
    %dma_wait3A_75 = arith.constant 0 : i32
    %dma_wait3A_76 = tpu.memref_slice %arg11[%dma_wait3A_74, %dma_wait3A_75] : memref<10112x16xf32, #tpu.memory_space<vmem_shared>> -> memref<10112x16xf32, #tpu.memory_space<vmem_shared>>
    tpu.wait_indirect_dma semaphore(%arg12 : memref<!tpu.dma_semaphore, #tpu.memory_space<semaphore_mem>>) src(%dma_wait3A_76 : memref<10112x16xf32, #tpu.memory_space<vmem_shared>>) dst(%dma_wait3A_70 : memref<128x16xf32, #tpu.memory_space<vmem>>)
    %run_scoped3A = arith.constant 0 : i32
    "tpu.region"() ({
      %run_scoped3A_94 = tpu.sem_alloc : memref<!tpu.dma_semaphore, #tpu.memory_space<semaphore_mem>>
      %dma_start3A_95 = arith.constant 0 : i32
      %dma_start3A_96 = arith.constant 0 : i32
      %dma_start3A_97 = tpu.memref_slice %arg9[%run_scoped3A, %dma_start3A_95, %dma_start3A_96] : memref<2x128x16xf32, #tpu.memory_space<vmem>> -> memref<1x128x16xf32, #tpu.memory_space<vmem>>
      %dma_start3A_98 = tpu.memref_squeeze %dma_start3A_97 : memref<1x128x16xf32, #tpu.memory_space<vmem>> -> memref<128x16xf32, #tpu.memory_space<vmem>>
      %dma_start3A_99 = arith.constant 0 : i32
      %dma_start3A_100 = tpu.memref_slice %arg8[%add3A_66, %dma_start3A_99] : memref<80x128xi32, #tpu.memory_space<vmem>> -> memref<1x128xi32, #tpu.memory_space<vmem>>
      %dma_start3A_101 = tpu.memref_squeeze %dma_start3A_100 : memref<1x128xi32, #tpu.memory_space<vmem>> -> memref<128xi32, #tpu.memory_space<vmem>>
      %dma_start3A_102 = arith.constant 0 : i32
      %dma_start3A_103 = arith.constant 0 : i32
      %dma_start3A_104 = tpu.memref_slice %arg10[%dma_start3A_102, %dma_start3A_103] : memref<10112x16xf32, #tpu.memory_space<vmem_shared>> -> memref<10112x16xf32, #tpu.memory_space<vmem_shared>>
      tpu.enqueue_indirect_dma source(%dma_start3A_98 : memref<128x16xf32, #tpu.memory_space<vmem>>) target(%dma_start3A_104 : memref<10112x16xf32, #tpu.memory_space<vmem_shared>>) offsets(%dma_start3A_101 : memref<128xi32, #tpu.memory_space<vmem>>) semaphore(%run_scoped3A_94 : memref<!tpu.dma_semaphore, #tpu.memory_space<semaphore_mem>>) {add = true}
      %dma_wait3A_105 = arith.constant 0 : i32
      %dma_wait3A_106 = arith.constant 0 : i32
      %dma_wait3A_107 = tpu.memref_slice %arg9[%run_scoped3A, %dma_wait3A_105, %dma_wait3A_106] : memref<2x128x16xf32, #tpu.memory_space<vmem>> -> memref<1x128x16xf32, #tpu.memory_space<vmem>>
      %dma_wait3A_108 = tpu.memref_squeeze %dma_wait3A_107 : memref<1x128x16xf32, #tpu.memory_space<vmem>> -> memref<128x16xf32, #tpu.memory_space<vmem>>
      %dma_wait3A_109 = arith.constant 0 : i32
      %dma_wait3A_110 = tpu.memref_slice %arg8[%add3A_66, %dma_wait3A_109] : memref<80x128xi32, #tpu.memory_space<vmem>> -> memref<1x128xi32, #tpu.memory_space<vmem>>
      %dma_wait3A_111 = tpu.memref_squeeze %dma_wait3A_110 : memref<1x128xi32, #tpu.memory_space<vmem>> -> memref<128xi32, #tpu.memory_space<vmem>>
      %dma_wait3A_112 = arith.constant 0 : i32
      %dma_wait3A_113 = arith.constant 0 : i32
      %dma_wait3A_114 = tpu.memref_slice %arg10[%dma_wait3A_112, %dma_wait3A_113] : memref<10112x16xf32, #tpu.memory_space<vmem_shared>> -> memref<10112x16xf32, #tpu.memory_space<vmem_shared>>
      tpu.wait_indirect_dma semaphore(%run_scoped3A_94 : memref<!tpu.dma_semaphore, #tpu.memory_space<semaphore_mem>>) src(%dma_wait3A_108 : memref<128x16xf32, #tpu.memory_space<vmem>>) dst(%dma_wait3A_114 : memref<10112x16xf32, #tpu.memory_space<vmem_shared>>)
      tpu.yield
    }) : () -> ()
    %sub3A_77 = arith.constant 2 : i32
    %sub3A_78 = arith.subi %select_n3A, %sub3A_77 : i32
    %add3A_79 = arith.constant 1 : i32
    %add3A_80 = arith.addi %sub3A_78, %add3A_79 : i32
    %dma_wait3A_81 = arith.constant 1 : i32
    %dma_wait3A_82 = arith.constant 0 : i32
    %dma_wait3A_83 = arith.constant 0 : i32
    %dma_wait3A_84 = tpu.memref_slice %arg9[%dma_wait3A_81, %dma_wait3A_82, %dma_wait3A_83] : memref<2x128x16xf32, #tpu.memory_space<vmem>> -> memref<1x128x16xf32, #tpu.memory_space<vmem>>
    %dma_wait3A_85 = tpu.memref_squeeze %dma_wait3A_84 : memref<1x128x16xf32, #tpu.memory_space<vmem>> -> memref<128x16xf32, #tpu.memory_space<vmem>>
    %dma_wait3A_86 = arith.constant 0 : i32
    %dma_wait3A_87 = tpu.memref_slice %arg7[%add3A_80, %dma_wait3A_86] : memref<80x128xi32, #tpu.memory_space<vmem>> -> memref<1x128xi32, #tpu.memory_space<vmem>>
    %dma_wait3A_88 = tpu.memref_squeeze %dma_wait3A_87 : memref<1x128xi32, #tpu.memory_space<vmem>> -> memref<128xi32, #tpu.memory_space<vmem>>
    %dma_wait3A_89 = arith.constant 0 : i32
    %dma_wait3A_90 = arith.constant 0 : i32
    %dma_wait3A_91 = tpu.memref_slice %arg11[%dma_wait3A_89, %dma_wait3A_90] : memref<10112x16xf32, #tpu.memory_space<vmem_shared>> -> memref<10112x16xf32, #tpu.memory_space<vmem_shared>>
    tpu.wait_indirect_dma semaphore(%arg13 : memref<!tpu.dma_semaphore, #tpu.memory_space<semaphore_mem>>) src(%dma_wait3A_91 : memref<10112x16xf32, #tpu.memory_space<vmem_shared>>) dst(%dma_wait3A_85 : memref<128x16xf32, #tpu.memory_space<vmem>>)
    %run_scoped3A_92 = arith.constant 1 : i32
    "tpu.region"() ({
      %run_scoped3A_94 = tpu.sem_alloc : memref<!tpu.dma_semaphore, #tpu.memory_space<semaphore_mem>>
      %dma_start3A_95 = arith.constant 0 : i32
      %dma_start3A_96 = arith.constant 0 : i32
      %dma_start3A_97 = tpu.memref_slice %arg9[%run_scoped3A_92, %dma_start3A_95, %dma_start3A_96] : memref<2x128x16xf32, #tpu.memory_space<vmem>> -> memref<1x128x16xf32, #tpu.memory_space<vmem>>
      %dma_start3A_98 = tpu.memref_squeeze %dma_start3A_97 : memref<1x128x16xf32, #tpu.memory_space<vmem>> -> memref<128x16xf32, #tpu.memory_space<vmem>>
      %dma_start3A_99 = arith.constant 0 : i32
      %dma_start3A_100 = tpu.memref_slice %arg8[%add3A_80, %dma_start3A_99] : memref<80x128xi32, #tpu.memory_space<vmem>> -> memref<1x128xi32, #tpu.memory_space<vmem>>
      %dma_start3A_101 = tpu.memref_squeeze %dma_start3A_100 : memref<1x128xi32, #tpu.memory_space<vmem>> -> memref<128xi32, #tpu.memory_space<vmem>>
      %dma_start3A_102 = arith.constant 0 : i32
      %dma_start3A_103 = arith.constant 0 : i32
      %dma_start3A_104 = tpu.memref_slice %arg10[%dma_start3A_102, %dma_start3A_103] : memref<10112x16xf32, #tpu.memory_space<vmem_shared>> -> memref<10112x16xf32, #tpu.memory_space<vmem_shared>>
      tpu.enqueue_indirect_dma source(%dma_start3A_98 : memref<128x16xf32, #tpu.memory_space<vmem>>) target(%dma_start3A_104 : memref<10112x16xf32, #tpu.memory_space<vmem_shared>>) offsets(%dma_start3A_101 : memref<128xi32, #tpu.memory_space<vmem>>) semaphore(%run_scoped3A_94 : memref<!tpu.dma_semaphore, #tpu.memory_space<semaphore_mem>>) {add = true}
      %dma_wait3A_105 = arith.constant 0 : i32
      %dma_wait3A_106 = arith.constant 0 : i32
      %dma_wait3A_107 = tpu.memref_slice %arg9[%run_scoped3A_92, %dma_wait3A_105, %dma_wait3A_106] : memref<2x128x16xf32, #tpu.memory_space<vmem>> -> memref<1x128x16xf32, #tpu.memory_space<vmem>>
      %dma_wait3A_108 = tpu.memref_squeeze %dma_wait3A_107 : memref<1x128x16xf32, #tpu.memory_space<vmem>> -> memref<128x16xf32, #tpu.memory_space<vmem>>
      %dma_wait3A_109 = arith.constant 0 : i32
      %dma_wait3A_110 = tpu.memref_slice %arg8[%add3A_80, %dma_wait3A_109] : memref<80x128xi32, #tpu.memory_space<vmem>> -> memref<1x128xi32, #tpu.memory_space<vmem>>
      %dma_wait3A_111 = tpu.memref_squeeze %dma_wait3A_110 : memref<1x128xi32, #tpu.memory_space<vmem>> -> memref<128xi32, #tpu.memory_space<vmem>>
      %dma_wait3A_112 = arith.constant 0 : i32
      %dma_wait3A_113 = arith.constant 0 : i32
      %dma_wait3A_114 = tpu.memref_slice %arg10[%dma_wait3A_112, %dma_wait3A_113] : memref<10112x16xf32, #tpu.memory_space<vmem_shared>> -> memref<10112x16xf32, #tpu.memory_space<vmem_shared>>
      tpu.wait_indirect_dma semaphore(%run_scoped3A_94 : memref<!tpu.dma_semaphore, #tpu.memory_space<semaphore_mem>>) src(%dma_wait3A_108 : memref<128x16xf32, #tpu.memory_space<vmem>>) dst(%dma_wait3A_114 : memref<10112x16xf32, #tpu.memory_space<vmem_shared>>)
      tpu.yield
    }) : () -> ()
    %barrier3A_93 = arith.constant 0 : index
    tpu.barrier barrier_id(%barrier3A_93)
    "tpu.region"() ({
      %run_scoped3A_94 = tpu.sem_alloc : memref<!tpu.dma_semaphore, #tpu.memory_space<semaphore_mem>>
      %dma_start3A_95 = arith.constant 0 : i32
      %dma_start3A_96 = tpu.memref_slice %arg6[%arg0, %mul3A_10, %dma_start3A_95] : memref<2x10112x16xf32, #tpu.memory_space<hbm>> -> memref<1x632x16xf32, #tpu.memory_space<hbm>>
      %dma_start3A_97 = tpu.memref_squeeze %dma_start3A_96 : memref<1x632x16xf32, #tpu.memory_space<hbm>> -> memref<632x16xf32, #tpu.memory_space<hbm>>
      %dma_start3A_98 = arith.constant 0 : i32
      %dma_start3A_99 = tpu.memref_slice %arg10[%mul3A_10, %dma_start3A_98] : memref<10112x16xf32, #tpu.memory_space<vmem_shared>> -> memref<632x16xf32, #tpu.memory_space<vmem_shared>>
      tpu.enqueue_dma source(%dma_start3A_99 : memref<632x16xf32, #tpu.memory_space<vmem_shared>>) target(%dma_start3A_97 : memref<632x16xf32, #tpu.memory_space<hbm>>) target_semaphore(%run_scoped3A_94 : memref<!tpu.dma_semaphore, #tpu.memory_space<semaphore_mem>>)
      %dma_wait3A_100 = arith.constant 0 : i32
      %dma_wait3A_101 = tpu.memref_slice %arg6[%arg0, %mul3A_10, %dma_wait3A_100] : memref<2x10112x16xf32, #tpu.memory_space<hbm>> -> memref<1x632x16xf32, #tpu.memory_space<hbm>>
      %dma_wait3A_102 = tpu.memref_squeeze %dma_wait3A_101 : memref<1x632x16xf32, #tpu.memory_space<hbm>> -> memref<632x16xf32, #tpu.memory_space<hbm>>
      %dma_wait3A_103 = arith.constant 0 : i32
      %dma_wait3A_104 = tpu.memref_slice %arg10[%mul3A_10, %dma_wait3A_103] : memref<10112x16xf32, #tpu.memory_space<vmem_shared>> -> memref<632x16xf32, #tpu.memory_space<vmem_shared>>
      tpu.wait_dma2 semaphore(%run_scoped3A_94 : memref<!tpu.dma_semaphore, #tpu.memory_space<semaphore_mem>>) src(%dma_wait3A_104 : memref<632x16xf32, #tpu.memory_space<vmem_shared>>) dst(%dma_wait3A_102 : memref<632x16xf32, #tpu.memory_space<hbm>>)
      tpu.yield
    }) : () -> ()
    return
  }
}

module attributes {stable_mosaic.version = 14 : i64} {
  func.func @_tc1a_body(%arg0: memref<10000x128xf32, #tpu.memory_space<vmem>>, %arg1: memref<128x64xf32, #tpu.memory_space<vmem>>, %arg2: memref<10112x64xf32, #tpu.memory_space<vmem>>) attributes {dimension_semantics = [], scalar_prefetch = 0 : i64, scratch_operands = 0 : i64, tpu.core_type = #tpu.core_type<tc>} {
    %get3A = arith.constant 0 : index
    %get3A_0 = arith.constant 0 : index
    %get3A_1 = vector.load %arg0[%get3A, %get3A_0] : memref<10000x128xf32, #tpu.memory_space<vmem>>, vector<10000x128xf32>
    %get3A_2 = arith.constant 0 : index
    %get3A_3 = arith.constant 0 : index
    %get3A_4 = vector.load %arg1[%get3A_2, %get3A_3] : memref<128x64xf32, #tpu.memory_space<vmem>>, vector<128x64xf32>
    %dot_general3A = arith.constant dense<0.000000e+00> : vector<10000x64xf32>
    %dot_general3A_5 = tpu.matmul %get3A_1, %get3A_4, %dot_general3A {dimension_numbers = #tpu.dot_dimension_numbers<[1], [0], [0], [1], [0, 0, 1, 1], [], []>, transpose_lhs_hint = false} : vector<10000x128xf32>, vector<128x64xf32>, vector<10000x64xf32> -> vector<10000x64xf32>
    %swap3A = arith.constant 0 : index
    %swap3A_6 = arith.constant 0 : index
    %swap3A_7 = vector.load %arg2[%swap3A, %swap3A_6] : memref<10112x64xf32, #tpu.memory_space<vmem>>, vector<10000x64xf32>
    tpu.vector_store %arg2[%swap3A, %swap3A_6], %dot_general3A_5 {strides = array<i32>} : memref<10112x64xf32, #tpu.memory_space<vmem>>, vector<10000x64xf32>,
    %broadcast_in_dim3A = arith.constant 0.000000e+00 : f32
    %broadcast_in_dim3A_8 = vector.broadcast %broadcast_in_dim3A : f32 to vector<112x64xf32>
    %swap3A_9 = arith.constant 10000 : index
    %swap3A_10 = arith.constant 0 : index
    %swap3A_11 = vector.load %arg2[%swap3A_9, %swap3A_10] : memref<10112x64xf32, #tpu.memory_space<vmem>>, vector<112x64xf32>
    tpu.vector_store %arg2[%swap3A_9, %swap3A_10], %broadcast_in_dim3A_8 {strides = array<i32>} : memref<10112x64xf32, #tpu.memory_space<vmem>>, vector<112x64xf32>,
    return
  }
}

module attributes {stable_mosaic.version = 14 : i64} {
  func.func @_tc1b_body(%arg0: memref<10112x64xf32, #tpu.memory_space<vmem>>, %arg1: memref<2x10112x16xf32, #tpu.memory_space<vmem>>, %arg2: memref<10112x64xf32, #tpu.memory_space<vmem>>, %arg3: memref<10112x1xf32, #tpu.memory_space<vmem>>) attributes {dimension_semantics = [], scalar_prefetch = 0 : i64, scratch_operands = 0 : i64, tpu.core_type = #tpu.core_type<tc>} {
    %get3A = arith.constant 0 : index
    %get3A_0 = arith.constant 0 : index
    %get3A_1 = arith.constant 0 : index
    %get3A_2 = vector.load %arg1[%get3A, %get3A_0, %get3A_1] : memref<2x10112x16xf32, #tpu.memory_space<vmem>>, vector<1x10112x1xf32>
    %get3A_3 = vector.shape_cast %get3A_2 : vector<1x10112x1xf32> to vector<10112x1xf32>
    %get3A_4 = arith.constant 1 : index
    %get3A_5 = arith.constant 0 : index
    %get3A_6 = arith.constant 0 : index
    %get3A_7 = vector.load %arg1[%get3A_4, %get3A_5, %get3A_6] : memref<2x10112x16xf32, #tpu.memory_space<vmem>>, vector<1x10112x1xf32>
    %get3A_8 = vector.shape_cast %get3A_7 : vector<1x10112x1xf32> to vector<10112x1xf32>
    %add3A = arith.addf %get3A_3, %get3A_8 : vector<10112x1xf32>
    %add3A_9 = arith.constant 1.000000e+00 : f32
    %add3A_10 = vector.broadcast %add3A_9 : f32 to vector<10112x1xf32>
    %add3A_11 = arith.addf %add3A, %add3A_10 : vector<10112x1xf32>
    %rsqrt3A = math.rsqrt %add3A_11 : vector<10112x1xf32>
    %swap3A = arith.constant 0 : index
    %swap3A_12 = arith.constant 0 : index
    %swap3A_13 = vector.load %arg3[%swap3A, %swap3A_12] : memref<10112x1xf32, #tpu.memory_space<vmem>>, vector<10112x1xf32>
    tpu.vector_store %arg3[%swap3A, %swap3A_12], %rsqrt3A {strides = array<i32>} : memref<10112x1xf32, #tpu.memory_space<vmem>>, vector<10112x1xf32>,
    %get3A_14 = arith.constant 0 : index
    %get3A_15 = arith.constant 0 : index
    %get3A_16 = vector.load %arg0[%get3A_14, %get3A_15] : memref<10112x64xf32, #tpu.memory_space<vmem>>, vector<10112x64xf32>
    %mul3A = vector.broadcast %rsqrt3A : vector<10112x1xf32> to vector<10112x64xf32>
    %mul3A_17 = arith.mulf %get3A_16, %mul3A : vector<10112x64xf32>
    %swap3A_18 = arith.constant 0 : index
    %swap3A_19 = arith.constant 0 : index
    %swap3A_20 = vector.load %arg2[%swap3A_18, %swap3A_19] : memref<10112x64xf32, #tpu.memory_space<vmem>>, vector<10112x64xf32>
    tpu.vector_store %arg2[%swap3A_18, %swap3A_19], %mul3A_17 {strides = array<i32>} : memref<10112x64xf32, #tpu.memory_space<vmem>>, vector<10112x64xf32>,
    return
  }
}

module attributes {stable_mosaic.version = 14 : i64} {
  func.func @_tc2_body(%arg0: memref<2x10112x64xf32, #tpu.memory_space<vmem>>, %arg1: memref<10112x64xf32, #tpu.memory_space<vmem>>, %arg2: memref<10112x1xf32, #tpu.memory_space<vmem>>, %arg3: memref<1x64xf32, #tpu.memory_space<vmem>>, %arg4: memref<64x32xf32, #tpu.memory_space<vmem>>, %arg5: memref<10112x32xf32, #tpu.memory_space<vmem>>, %arg6: memref<10112x64xf32, #tpu.memory_space<vmem>>) attributes {dimension_semantics = [], scalar_prefetch = 0 : i64, scratch_operands = 0 : i64, tpu.core_type = #tpu.core_type<tc>} {
    %get3A = arith.constant 0 : index
    %get3A_0 = arith.constant 0 : index
    %get3A_1 = vector.load %arg2[%get3A, %get3A_0] : memref<10112x1xf32, #tpu.memory_space<vmem>>, vector<10112x1xf32>
    %get3A_2 = arith.constant 0 : index
    %get3A_3 = arith.constant 0 : index
    %get3A_4 = arith.constant 0 : index
    %get3A_5 = vector.load %arg0[%get3A_2, %get3A_3, %get3A_4] : memref<2x10112x64xf32, #tpu.memory_space<vmem>>, vector<1x10112x64xf32>
    %get3A_6 = vector.shape_cast %get3A_5 : vector<1x10112x64xf32> to vector<10112x64xf32>
    %get3A_7 = arith.constant 1 : index
    %get3A_8 = arith.constant 0 : index
    %get3A_9 = arith.constant 0 : index
    %get3A_10 = vector.load %arg0[%get3A_7, %get3A_8, %get3A_9] : memref<2x10112x64xf32, #tpu.memory_space<vmem>>, vector<1x10112x64xf32>
    %get3A_11 = vector.shape_cast %get3A_10 : vector<1x10112x64xf32> to vector<10112x64xf32>
    %add3A = arith.addf %get3A_6, %get3A_11 : vector<10112x64xf32>
    %get3A_12 = arith.constant 0 : index
    %get3A_13 = arith.constant 0 : index
    %get3A_14 = vector.load %arg1[%get3A_12, %get3A_13] : memref<10112x64xf32, #tpu.memory_space<vmem>>, vector<10112x64xf32>
    %add3A_15 = arith.addf %add3A, %get3A_14 : vector<10112x64xf32>
    %mul3A = vector.broadcast %get3A_1 : vector<10112x1xf32> to vector<10112x64xf32>
    %mul3A_16 = arith.mulf %add3A_15, %mul3A : vector<10112x64xf32>
    %get3A_17 = arith.constant 0 : index
    %get3A_18 = arith.constant 0 : index
    %get3A_19 = vector.load %arg3[%get3A_17, %get3A_18] : memref<1x64xf32, #tpu.memory_space<vmem>>, vector<1x64xf32>
    %add3A_20 = vector.broadcast %get3A_19 : vector<1x64xf32> to vector<10112x64xf32>
    %add3A_21 = arith.addf %mul3A_16, %add3A_20 : vector<10112x64xf32>
    %max3A = arith.constant 0.000000e+00 : f32
    %max3A_22 = vector.broadcast %max3A : f32 to vector<10112x64xf32>
    %max3A_23 = arith.maximumf %add3A_21, %max3A_22 : vector<10112x64xf32>
    %swap3A = arith.constant 0 : index
    %swap3A_24 = arith.constant 0 : index
    %swap3A_25 = vector.load %arg6[%swap3A, %swap3A_24] : memref<10112x64xf32, #tpu.memory_space<vmem>>, vector<10112x64xf32>
    tpu.vector_store %arg6[%swap3A, %swap3A_24], %max3A_23 {strides = array<i32>} : memref<10112x64xf32, #tpu.memory_space<vmem>>, vector<10112x64xf32>,
    %get3A_26 = arith.constant 0 : index
    %get3A_27 = arith.constant 0 : index
    %get3A_28 = vector.load %arg4[%get3A_26, %get3A_27] : memref<64x32xf32, #tpu.memory_space<vmem>>, vector<64x32xf32>
    %dot_general3A = arith.constant dense<0.000000e+00> : vector<10112x32xf32>
    %dot_general3A_29 = tpu.matmul %max3A_23, %get3A_28, %dot_general3A {dimension_numbers = #tpu.dot_dimension_numbers<[1], [0], [0], [1], [0, 0, 1, 1], [], []>, transpose_lhs_hint = false} : vector<10112x64xf32>, vector<64x32xf32>, vector<10112x32xf32> -> vector<10112x32xf32>
    %mul3A_30 = vector.broadcast %get3A_1 : vector<10112x1xf32> to vector<10112x32xf32>
    %mul3A_31 = arith.mulf %dot_general3A_29, %mul3A_30 : vector<10112x32xf32>
    %swap3A_32 = arith.constant 0 : index
    %swap3A_33 = arith.constant 0 : index
    %swap3A_34 = vector.load %arg5[%swap3A_32, %swap3A_33] : memref<10112x32xf32, #tpu.memory_space<vmem>>, vector<10112x32xf32>
    tpu.vector_store %arg5[%swap3A_32, %swap3A_33], %mul3A_31 {strides = array<i32>} : memref<10112x32xf32, #tpu.memory_space<vmem>>, vector<10112x32xf32>,
    return
  }
}

module attributes {stable_mosaic.version = 14 : i64} {
  func.func @_tc1c_body(%arg0: memref<10000x128xf32, #tpu.memory_space<vmem>>, %arg1: memref<128x32xf32, #tpu.memory_space<vmem>>, %arg2: memref<128x16xf32, #tpu.memory_space<vmem>>, %arg3: memref<10112x32xf32, #tpu.memory_space<vmem>>, %arg4: memref<10112x16xf32, #tpu.memory_space<vmem>>) attributes {dimension_semantics = [], scalar_prefetch = 0 : i64, scratch_operands = 0 : i64, tpu.core_type = #tpu.core_type<tc>} {
    %get3A = arith.constant 0 : index
    %get3A_0 = arith.constant 0 : index
    %get3A_1 = vector.load %arg0[%get3A, %get3A_0] : memref<10000x128xf32, #tpu.memory_space<vmem>>, vector<10000x128xf32>
    %get3A_2 = arith.constant 0 : index
    %get3A_3 = arith.constant 0 : index
    %get3A_4 = vector.load %arg1[%get3A_2, %get3A_3] : memref<128x32xf32, #tpu.memory_space<vmem>>, vector<128x32xf32>
    %dot_general3A = arith.constant dense<0.000000e+00> : vector<10000x32xf32>
    %dot_general3A_5 = tpu.matmul %get3A_1, %get3A_4, %dot_general3A {dimension_numbers = #tpu.dot_dimension_numbers<[1], [0], [0], [1], [0, 0, 1, 1], [], []>, transpose_lhs_hint = false} : vector<10000x128xf32>, vector<128x32xf32>, vector<10000x32xf32> -> vector<10000x32xf32>
    %swap3A = arith.constant 0 : index
    %swap3A_6 = arith.constant 0 : index
    %swap3A_7 = vector.load %arg3[%swap3A, %swap3A_6] : memref<10112x32xf32, #tpu.memory_space<vmem>>, vector<10000x32xf32>
    tpu.vector_store %arg3[%swap3A, %swap3A_6], %dot_general3A_5 {strides = array<i32>} : memref<10112x32xf32, #tpu.memory_space<vmem>>, vector<10000x32xf32>,
    %broadcast_in_dim3A = arith.constant 0.000000e+00 : f32
    %broadcast_in_dim3A_8 = vector.broadcast %broadcast_in_dim3A : f32 to vector<112x32xf32>
    %swap3A_9 = arith.constant 10000 : index
    %swap3A_10 = arith.constant 0 : index
    %swap3A_11 = vector.load %arg3[%swap3A_9, %swap3A_10] : memref<10112x32xf32, #tpu.memory_space<vmem>>, vector<112x32xf32>
    tpu.vector_store %arg3[%swap3A_9, %swap3A_10], %broadcast_in_dim3A_8 {strides = array<i32>} : memref<10112x32xf32, #tpu.memory_space<vmem>>, vector<112x32xf32>,
    %get3A_12 = arith.constant 0 : index
    %get3A_13 = arith.constant 0 : index
    %get3A_14 = vector.load %arg2[%get3A_12, %get3A_13] : memref<128x16xf32, #tpu.memory_space<vmem>>, vector<128x16xf32>
    %dot_general3A_15 = arith.constant dense<0.000000e+00> : vector<10000x16xf32>
    %dot_general3A_16 = tpu.matmul %get3A_1, %get3A_14, %dot_general3A_15 {dimension_numbers = #tpu.dot_dimension_numbers<[1], [0], [0], [1], [0, 0, 1, 1], [], []>, transpose_lhs_hint = false} : vector<10000x128xf32>, vector<128x16xf32>, vector<10000x16xf32> -> vector<10000x16xf32>
    %swap3A_17 = arith.constant 0 : index
    %swap3A_18 = arith.constant 0 : index
    %swap3A_19 = vector.load %arg4[%swap3A_17, %swap3A_18] : memref<10112x16xf32, #tpu.memory_space<vmem>>, vector<10000x16xf32>
    tpu.vector_store %arg4[%swap3A_17, %swap3A_18], %dot_general3A_16 {strides = array<i32>} : memref<10112x16xf32, #tpu.memory_space<vmem>>, vector<10000x16xf32>,
    %broadcast_in_dim3A_20 = arith.constant 0.000000e+00 : f32
    %broadcast_in_dim3A_21 = vector.broadcast %broadcast_in_dim3A_20 : f32 to vector<112x16xf32>
    %swap3A_22 = arith.constant 10000 : index
    %swap3A_23 = arith.constant 0 : index
    %swap3A_24 = vector.load %arg4[%swap3A_22, %swap3A_23] : memref<10112x16xf32, #tpu.memory_space<vmem>>, vector<112x16xf32>
    tpu.vector_store %arg4[%swap3A_22, %swap3A_23], %broadcast_in_dim3A_21 {strides = array<i32>} : memref<10112x16xf32, #tpu.memory_space<vmem>>, vector<112x16xf32>,
    return
  }
}

module attributes {stable_mosaic.version = 14 : i64} {
  func.func @_tc3_body(%arg0: memref<2x10112x32xf32, #tpu.memory_space<vmem>>, %arg1: memref<10112x32xf32, #tpu.memory_space<vmem>>, %arg2: memref<10112x32xf32, #tpu.memory_space<vmem>>, %arg3: memref<10112x1xf32, #tpu.memory_space<vmem>>, %arg4: memref<1x32xf32, #tpu.memory_space<vmem>>, %arg5: memref<1x32xf32, #tpu.memory_space<vmem>>, %arg6: memref<32x16xf32, #tpu.memory_space<vmem>>, %arg7: memref<10112x16xf32, #tpu.memory_space<vmem>>) attributes {dimension_semantics = [], scalar_prefetch = 0 : i64, scratch_operands = 0 : i64, tpu.core_type = #tpu.core_type<tc>} {
    %get3A = arith.constant 0 : index
    %get3A_0 = arith.constant 0 : index
    %get3A_1 = vector.load %arg3[%get3A, %get3A_0] : memref<10112x1xf32, #tpu.memory_space<vmem>>, vector<10112x1xf32>
    %get3A_2 = arith.constant 0 : index
    %get3A_3 = arith.constant 0 : index
    %get3A_4 = arith.constant 0 : index
    %get3A_5 = vector.load %arg0[%get3A_2, %get3A_3, %get3A_4] : memref<2x10112x32xf32, #tpu.memory_space<vmem>>, vector<1x10112x32xf32>
    %get3A_6 = vector.shape_cast %get3A_5 : vector<1x10112x32xf32> to vector<10112x32xf32>
    %get3A_7 = arith.constant 1 : index
    %get3A_8 = arith.constant 0 : index
    %get3A_9 = arith.constant 0 : index
    %get3A_10 = vector.load %arg0[%get3A_7, %get3A_8, %get3A_9] : memref<2x10112x32xf32, #tpu.memory_space<vmem>>, vector<1x10112x32xf32>
    %get3A_11 = vector.shape_cast %get3A_10 : vector<1x10112x32xf32> to vector<10112x32xf32>
    %add3A = arith.addf %get3A_6, %get3A_11 : vector<10112x32xf32>
    %get3A_12 = arith.constant 0 : index
    %get3A_13 = arith.constant 0 : index
    %get3A_14 = vector.load %arg1[%get3A_12, %get3A_13] : memref<10112x32xf32, #tpu.memory_space<vmem>>, vector<10112x32xf32>
    %add3A_15 = arith.addf %add3A, %get3A_14 : vector<10112x32xf32>
    %mul3A = vector.broadcast %get3A_1 : vector<10112x1xf32> to vector<10112x32xf32>
    %mul3A_16 = arith.mulf %add3A_15, %mul3A : vector<10112x32xf32>
    %get3A_17 = arith.constant 0 : index
    %get3A_18 = arith.constant 0 : index
    %get3A_19 = vector.load %arg4[%get3A_17, %get3A_18] : memref<1x32xf32, #tpu.memory_space<vmem>>, vector<1x32xf32>
    %add3A_20 = vector.broadcast %get3A_19 : vector<1x32xf32> to vector<10112x32xf32>
    %add3A_21 = arith.addf %mul3A_16, %add3A_20 : vector<10112x32xf32>
    %get3A_22 = arith.constant 0 : index
    %get3A_23 = arith.constant 0 : index
    %get3A_24 = vector.load %arg2[%get3A_22, %get3A_23] : memref<10112x32xf32, #tpu.memory_space<vmem>>, vector<10112x32xf32>
    %add3A_25 = arith.addf %add3A_21, %get3A_24 : vector<10112x32xf32>
    %get3A_26 = arith.constant 0 : index
    %get3A_27 = arith.constant 0 : index
    %get3A_28 = vector.load %arg5[%get3A_26, %get3A_27] : memref<1x32xf32, #tpu.memory_space<vmem>>, vector<1x32xf32>
    %add3A_29 = vector.broadcast %get3A_28 : vector<1x32xf32> to vector<10112x32xf32>
    %add3A_30 = arith.addf %add3A_25, %add3A_29 : vector<10112x32xf32>
    %max3A = arith.constant 0.000000e+00 : f32
    %max3A_31 = vector.broadcast %max3A : f32 to vector<10112x32xf32>
    %max3A_32 = arith.maximumf %add3A_30, %max3A_31 : vector<10112x32xf32>
    %get3A_33 = arith.constant 0 : index
    %get3A_34 = arith.constant 0 : index
    %get3A_35 = vector.load %arg6[%get3A_33, %get3A_34] : memref<32x16xf32, #tpu.memory_space<vmem>>, vector<32x16xf32>
    %dot_general3A = arith.constant dense<0.000000e+00> : vector<10112x16xf32>
    %dot_general3A_36 = tpu.matmul %max3A_32, %get3A_35, %dot_general3A {dimension_numbers = #tpu.dot_dimension_numbers<[1], [0], [0], [1], [0, 0, 1, 1], [], []>, transpose_lhs_hint = false} : vector<10112x32xf32>, vector<32x16xf32>, vector<10112x16xf32> -> vector<10112x16xf32>
    %mul3A_37 = vector.broadcast %get3A_1 : vector<10112x1xf32> to vector<10112x16xf32>
    %mul3A_38 = arith.mulf %dot_general3A_36, %mul3A_37 : vector<10112x16xf32>
    %swap3A = arith.constant 0 : index
    %swap3A_39 = arith.constant 0 : index
    %swap3A_40 = vector.load %arg7[%swap3A, %swap3A_39] : memref<10112x16xf32, #tpu.memory_space<vmem>>, vector<10112x16xf32>
    tpu.vector_store %arg7[%swap3A, %swap3A_39], %mul3A_38 {strides = array<i32>} : memref<10112x16xf32, #tpu.memory_space<vmem>>, vector<10112x16xf32>,
    return
  }
}

module attributes {stable_mosaic.version = 14 : i64} {
  func.func @_tc2b_body(%arg0: memref<10112x64xf32, #tpu.memory_space<vmem>>, %arg1: memref<64x16xf32, #tpu.memory_space<vmem>>, %arg2: memref<10112x16xf32, #tpu.memory_space<vmem>>) attributes {dimension_semantics = [], scalar_prefetch = 0 : i64, scratch_operands = 0 : i64, tpu.core_type = #tpu.core_type<tc>} {
    %get3A = arith.constant 0 : index
    %get3A_0 = arith.constant 0 : index
    %get3A_1 = vector.load %arg0[%get3A, %get3A_0] : memref<10112x64xf32, #tpu.memory_space<vmem>>, vector<10112x64xf32>
    %get3A_2 = arith.constant 0 : index
    %get3A_3 = arith.constant 0 : index
    %get3A_4 = vector.load %arg1[%get3A_2, %get3A_3] : memref<64x16xf32, #tpu.memory_space<vmem>>, vector<64x16xf32>
    %dot_general3A = arith.constant dense<0.000000e+00> : vector<10112x16xf32>
    %dot_general3A_5 = tpu.matmul %get3A_1, %get3A_4, %dot_general3A {dimension_numbers = #tpu.dot_dimension_numbers<[1], [0], [0], [1], [0, 0, 1, 1], [], []>, transpose_lhs_hint = false} : vector<10112x64xf32>, vector<64x16xf32>, vector<10112x16xf32> -> vector<10112x16xf32>
    %swap3A = arith.constant 0 : index
    %swap3A_6 = arith.constant 0 : index
    %swap3A_7 = vector.load %arg2[%swap3A, %swap3A_6] : memref<10112x16xf32, #tpu.memory_space<vmem>>, vector<10112x16xf32>
    tpu.vector_store %arg2[%swap3A, %swap3A_6], %dot_general3A_5 {strides = array<i32>} : memref<10112x16xf32, #tpu.memory_space<vmem>>, vector<10112x16xf32>,
    return
  }
}

module attributes {stable_mosaic.version = 14 : i64} {
  func.func @_tc4_body(%arg0: memref<2x10112x16xf32, #tpu.memory_space<vmem>>, %arg1: memref<10112x16xf32, #tpu.memory_space<vmem>>, %arg2: memref<10112x16xf32, #tpu.memory_space<vmem>>, %arg3: memref<10112x16xf32, #tpu.memory_space<vmem>>, %arg4: memref<10112x1xf32, #tpu.memory_space<vmem>>, %arg5: memref<1x16xf32, #tpu.memory_space<vmem>>, %arg6: memref<1x16xf32, #tpu.memory_space<vmem>>, %arg7: memref<1x16xf32, #tpu.memory_space<vmem>>, %arg8: memref<16x1xf32, #tpu.memory_space<vmem>>, %arg9: memref<1x1xf32, #tpu.memory_space<vmem>>, %arg10: memref<10112x1xf32, #tpu.memory_space<vmem>>) attributes {dimension_semantics = [], scalar_prefetch = 0 : i64, scratch_operands = 0 : i64, tpu.core_type = #tpu.core_type<tc>} {
    %get3A = arith.constant 0 : index
    %get3A_0 = arith.constant 0 : index
    %get3A_1 = vector.load %arg4[%get3A, %get3A_0] : memref<10112x1xf32, #tpu.memory_space<vmem>>, vector<10112x1xf32>
    %get3A_2 = arith.constant 0 : index
    %get3A_3 = arith.constant 0 : index
    %get3A_4 = arith.constant 0 : index
    %get3A_5 = vector.load %arg0[%get3A_2, %get3A_3, %get3A_4] : memref<2x10112x16xf32, #tpu.memory_space<vmem>>, vector<1x10112x16xf32>
    %get3A_6 = vector.shape_cast %get3A_5 : vector<1x10112x16xf32> to vector<10112x16xf32>
    %get3A_7 = arith.constant 1 : index
    %get3A_8 = arith.constant 0 : index
    %get3A_9 = arith.constant 0 : index
    %get3A_10 = vector.load %arg0[%get3A_7, %get3A_8, %get3A_9] : memref<2x10112x16xf32, #tpu.memory_space<vmem>>, vector<1x10112x16xf32>
    %get3A_11 = vector.shape_cast %get3A_10 : vector<1x10112x16xf32> to vector<10112x16xf32>
    %add3A = arith.addf %get3A_6, %get3A_11 : vector<10112x16xf32>
    %get3A_12 = arith.constant 0 : index
    %get3A_13 = arith.constant 0 : index
    %get3A_14 = vector.load %arg1[%get3A_12, %get3A_13] : memref<10112x16xf32, #tpu.memory_space<vmem>>, vector<10112x16xf32>
    %add3A_15 = arith.addf %add3A, %get3A_14 : vector<10112x16xf32>
    %mul3A = vector.broadcast %get3A_1 : vector<10112x1xf32> to vector<10112x16xf32>
    %mul3A_16 = arith.mulf %add3A_15, %mul3A : vector<10112x16xf32>
    %get3A_17 = arith.constant 0 : index
    %get3A_18 = arith.constant 0 : index
    %get3A_19 = vector.load %arg5[%get3A_17, %get3A_18] : memref<1x16xf32, #tpu.memory_space<vmem>>, vector<1x16xf32>
    %add3A_20 = vector.broadcast %get3A_19 : vector<1x16xf32> to vector<10112x16xf32>
    %add3A_21 = arith.addf %mul3A_16, %add3A_20 : vector<10112x16xf32>
    %get3A_22 = arith.constant 0 : index
    %get3A_23 = arith.constant 0 : index
    %get3A_24 = vector.load %arg2[%get3A_22, %get3A_23] : memref<10112x16xf32, #tpu.memory_space<vmem>>, vector<10112x16xf32>
    %add3A_25 = arith.addf %add3A_21, %get3A_24 : vector<10112x16xf32>
    %get3A_26 = arith.constant 0 : index
    %get3A_27 = arith.constant 0 : index
    %get3A_28 = vector.load %arg6[%get3A_26, %get3A_27] : memref<1x16xf32, #tpu.memory_space<vmem>>, vector<1x16xf32>
    %add3A_29 = vector.broadcast %get3A_28 : vector<1x16xf32> to vector<10112x16xf32>
    %add3A_30 = arith.addf %add3A_25, %add3A_29 : vector<10112x16xf32>
    %get3A_31 = arith.constant 0 : index
    %get3A_32 = arith.constant 0 : index
    %get3A_33 = vector.load %arg3[%get3A_31, %get3A_32] : memref<10112x16xf32, #tpu.memory_space<vmem>>, vector<10112x16xf32>
    %add3A_34 = arith.addf %add3A_30, %get3A_33 : vector<10112x16xf32>
    %get3A_35 = arith.constant 0 : index
    %get3A_36 = arith.constant 0 : index
    %get3A_37 = vector.load %arg7[%get3A_35, %get3A_36] : memref<1x16xf32, #tpu.memory_space<vmem>>, vector<1x16xf32>
    %add3A_38 = vector.broadcast %get3A_37 : vector<1x16xf32> to vector<10112x16xf32>
    %add3A_39 = arith.addf %add3A_34, %add3A_38 : vector<10112x16xf32>
    %max3A = arith.constant 0.000000e+00 : f32
    %max3A_40 = vector.broadcast %max3A : f32 to vector<10112x16xf32>
    %max3A_41 = arith.maximumf %add3A_39, %max3A_40 : vector<10112x16xf32>
    %get3A_42 = arith.constant 0 : index
    %get3A_43 = arith.constant 0 : index
    %get3A_44 = vector.load %arg8[%get3A_42, %get3A_43] : memref<16x1xf32, #tpu.memory_space<vmem>>, vector<16x1xf32>
    %dot_general3A = arith.constant dense<0.000000e+00> : vector<10112x1xf32>
    %dot_general3A_45 = tpu.matmul %max3A_41, %get3A_44, %dot_general3A {dimension_numbers = #tpu.dot_dimension_numbers<[1], [0], [0], [1], [0, 0, 1, 1], [], []>, transpose_lhs_hint = false} : vector<10112x16xf32>, vector<16x1xf32>, vector<10112x1xf32> -> vector<10112x1xf32>
    %get3A_46 = arith.constant 0 : index
    %get3A_47 = arith.constant 0 : index
    %get3A_48 = vector.load %arg9[%get3A_46, %get3A_47] : memref<1x1xf32, #tpu.memory_space<vmem>>, vector<1x1xf32>
    %add3A_49 = vector.broadcast %get3A_48 : vector<1x1xf32> to vector<10112x1xf32>
    %add3A_50 = arith.addf %dot_general3A_45, %add3A_49 : vector<10112x1xf32>
    %logistic3A = arith.negf %add3A_50 : vector<10112x1xf32>
    %logistic3A_51 = math.exp %logistic3A : vector<10112x1xf32>
    %logistic3A_52 = arith.constant 1.000000e+00 : f32
    %logistic3A_53 = vector.broadcast %logistic3A_52 : f32 to vector<10112x1xf32>
    %logistic3A_54 = arith.addf %logistic3A_53, %logistic3A_51 : vector<10112x1xf32>
    %logistic3A_55 = arith.divf %logistic3A_53, %logistic3A_54 : vector<10112x1xf32>
    %swap3A = arith.constant 0 : index
    %swap3A_56 = arith.constant 0 : index
    %swap3A_57 = vector.load %arg10[%swap3A, %swap3A_56] : memref<10112x1xf32, #tpu.memory_space<vmem>>, vector<10112x1xf32>
    tpu.vector_store %arg10[%swap3A, %swap3A_56], %logistic3A_55 {strides = array<i32>} : memref<10112x1xf32, #tpu.memory_space<vmem>>, vector<10112x1xf32>,
    return
  }
}

</mosaic_0001>

<sc_bundles>
// kernel: kernel.13.cloned.1.call-start
scs
__scs_entry_jumppad:
0x0: {  	(pc) =	sbr.rel $0x88, $3  }
0x1: {  	(tag) =	ssettag $0x0;
	lr =	simm.s32 $0x1  }
0x2: {  	[smem:$0x3F91] =	sst lr;
	_ =	strace $0xD0000000  }
0x3: {  	_ = 	snop  }
0x4: {  	_ = 	snop  }
0x5: {  	_ = 	snop  }
0x6: {  	_ = 	snop  }
0x7: {  	_ = 	snop  }
__scs_overlays_trampoline_lowered:
0x8: {  	[smem:$0x3FA0] =	sst s0  }
0x9: {  	[smem:$0x3FA1] =	sst s1  }
0xa: {  	[smem:$0x3FA2] =	sst s2  }
0xb: {  	[smem:$0x3FA3] =	sst s3  }
0xc: {  	[smem:$0x3FA4] =	sst s4  }
0xd: {  	[smem:$0x3FA5] =	sst s5  }
0xe: {  	[smem:$0x3FA6] =	sst s6  }
0xf: {  	[smem:$0x3FA7] =	sst s7  }
0x10: {  	[smem:$0x3FA8] =	sst s8  }
0x11: {  	[smem:$0x3FA9] =	sst s9;
	s0 =	simm.s32 @!p0 $0x0  }
0x12: {  	s1 =	sld [smem:$0x3F8F];
	s0 =	simm.s32 @p0 $0x1  }
0x13: {  	[smem:$0x3FAA] =	sst s0;
	s0 =	simm.s32 @!p1 $0x0  }
0x14: {  	s2 =	sld [smem:$0x3F8E];
	s0 =	simm.s32 @p1 $0x1  }
0x15: {  	[smem:$0x3FAB] =	sst s0;
	s0 =	simm.s32 @!p2 $0x0  }
0x16: {  	s3 =	sld [smem:$0x3FDB];
	s0 =	simm.s32 @p2 $0x1  }
0x17: {  	s4 =	simm.s32 $0x1BF5;
	[smem:$0x3FAD] =	sst s0  }
0x18: {  	s0 =	sld [smem:$0x3F90];
	_ =	swait.ge [sflag:s4], $0x0  }
0x19: {  	s7 =	sld [smem:$0x3F91]  }
0x1a: {  	s8 =	sadd.s32 $0xFFFFE003, lr  }
0x1b: {  	s9 =	sadd.s32 $0xFFFFFEF7, lr;
	s5 =	simm.s32 $0xFFFFFFFF;
	p2 =	slt.u32 s8, $0xFFFFF086  }
0x1c: {  	p1 =	slt.u32 s9, $0xF7A;
	s5 =	simm.s32 @!p2 $0x0  }
0x1d: {  	s5 =	simm.s32 @p1 $0x1;
	p0 =	seq.s32 s7, s2  }
0x1e: {  	s7 =	smul.u32 @!p0 $0xF7A, s2;
	p2 =	seq.s32 @!p0 s5, $0x0  }
0x1f: {  	s9 =	smul.u32 $0xF7A, s1;
	s8 =	simm.s32 @!p0 $0x1BF5;
	p2 =	por !p2, p0  }
0x20: {  	[sflag:s8] =	ssyncset.s32 @!p0 $0xFFFFF086;
	s6 =	sadd.s32 @!p0 s3, s7;
	s7 =	simm.s32 @!p0 $0x108  }
0x21: {  	s3 =	sadd.s32 s3, s9;
	s6 =	sadd.s32 @!p0 $0x88, s6;
	s7 =	simm.s32 @p2 $0x1082  }
0x22: {  	[simem:s7], [sflag:s8] =	dma.local @!p0 [hbm:s6], $0xF7A  }
0x23: {  	s9 =	sor.u32 $0xD0000000, s2;
	s6 =	simm.s32 $0x108;
	_ =	swait.ge @!p0 [sflag:s8], $0x0  }
0x24: {  	s3 =	sadd.s32 $0x88, s3;
	s6 =	simm.s32 @!p1 $0x1082;
	[sflag:s4] =	ssyncset.s32 $0xFFFFF086  }
0x25: {  	[simem:s6], [sflag:s4] =	dma.local [hbm:s3], $0xF7A  }
0x26: {  	[smem:$0x3F91] =	sst s1;
	(tag) =	ssettag s2;
	_ =	strace s9  }
0x27: {  	s1 =	sld [smem:$0x3FA1]  }
0x28: {  	s2 =	sld [smem:$0x3FA2]  }
0x29: {  	s4 =	sld [smem:$0x3FA4]  }
0x2a: {  	p0 =	seq.s32 s5, $0x0;
	s5 =	sld [smem:$0x3FA5]  }
0x2b: {  	s6 =	sld [smem:$0x3FA6]  }
0x2c: {  	s7 =	sld [smem:$0x3FA7]  }
0x2d: {  	s3 =	simm.s32 $0x108;
	s8 =	sld [smem:$0x3FA8]  }
0x2e: {  	s3 =	simm.s32 @!p0 $0x1082;
	s9 =	sld [smem:$0x3FA9]  }
0x2f: {  	lr =	sadd.s32 s0, s3;
	s0 =	sld [smem:$0x3FA0]  }
0x30: {  	s3 =	sld [smem:$0x3FA3]  }
0x31: {  	[smem:$0x3FAC] =	sst s10  }
0x32: {  	s10 =	sld [smem:$0x3FAA];
	_ =	sdelay $0x3  }
0x33: {  	p0 =	seq.s32 s10, $0x1;
	s10 =	sld [smem:$0x3FAC];
	_ =	sdelay $0x3  }
0x34: {  	[smem:$0x3FAC] =	sst s10  }
0x35: {  	s10 =	sld [smem:$0x3FAB];
	_ =	sdelay $0x3  }
0x36: {  	p1 =	seq.s32 s10, $0x1;
	s10 =	sld [smem:$0x3FAC];
	_ =	sdelay $0x3  }
0x37: {  	[smem:$0x3FAC] =	sst s10  }
0x38: {  	s10 =	sld [smem:$0x3FAD]  }
0x39: {  	_ = 	snop;
	(pc) =	sbr.ind lr, $3  }
0x3a: {  	_ = 	snop  }
0x3b: {  	_ = 	snop  }
0x3c: {  	p2 =	seq.s32 s10, $0x1;
	s10 =	sld [smem:$0x3FAC]  }
0x3d: {  	_ =	shalt  }
0x3e: {  	_ =	shalt  }
0x3f: {  	_ =	shalt  }
0x40: {  	_ =	shalt  }
0x41: {  	_ =	shalt  }
0x42: {  	_ =	shalt  }
0x43: {  	_ =	shalt  }
0x44: {  	_ =	shalt  }
0x45: {  	_ =	shalt  }
0x46: {  	_ =	shalt  }
0x47: {  	_ =	shalt  }
0x48: {  	_ =	shalt  }
0x49: {  	_ =	shalt  }
0x4a: {  	_ =	shalt  }
0x4b: {  	_ =	shalt  }
0x4c: {  	_ =	shalt  }
0x4d: {  	_ =	shalt  }
0x4e: {  	_ =	shalt  }
0x4f: {  	_ =	shalt  }
0x50: {  	_ =	shalt  }
0x51: {  	_ =	shalt  }
0x52: {  	_ =	shalt  }
0x53: {  	_ =	shalt  }
0x54: {  	_ =	shalt  }
0x55: {  	_ =	shalt  }
0x56: {  	_ =	shalt  }
0x57: {  	_ =	shalt  }
0x58: {  	_ =	shalt  }
0x59: {  	_ =	shalt  }
0x5a: {  	_ =	shalt  }
0x5b: {  	_ =	shalt  }
0x5c: {  	_ =	shalt  }
0x5d: {  	_ =	shalt  }
0x5e: {  	_ =	shalt  }
0x5f: {  	_ =	shalt  }
0x60: {  	_ =	shalt  }
0x61: {  	_ =	shalt  }
0x62: {  	_ =	shalt  }
0x63: {  	_ =	shalt  }
0x64: {  	_ =	shalt  }
0x65: {  	_ =	shalt  }
0x66: {  	_ =	shalt  }
0x67: {  	_ =	shalt  }
0x68: {  	_ =	shalt  }
0x69: {  	_ =	shalt  }
0x6a: {  	_ =	shalt  }
0x6b: {  	_ =	shalt  }
0x6c: {  	_ =	shalt  }
0x6d: {  	_ =	shalt  }
0x6e: {  	_ =	shalt  }
0x6f: {  	_ =	shalt  }
0x70: {  	_ =	shalt  }
0x71: {  	_ =	shalt  }
0x72: {  	_ =	shalt  }
0x73: {  	_ =	shalt  }
0x74: {  	_ =	shalt  }
0x75: {  	_ =	shalt  }
0x76: {  	_ =	shalt  }
0x77: {  	_ =	shalt  }
0x78: {  	_ =	shalt  }
0x79: {  	_ =	shalt  }
0x7a: {  	_ =	shalt  }
0x7b: {  	_ =	shalt  }
0x7c: {  	_ =	shalt  }
0x7d: {  	_ =	shalt  }
0x7e: {  	_ =	shalt  }
0x7f: {  	_ =	shalt  }
0x80: {  	_ =	shalt  }
0x81: {  	_ =	shalt  }
0x82: {  	_ =	shalt  }
0x83: {  	_ =	shalt  }
0x84: {  	_ =	shalt  }
0x85: {  	_ =	shalt  }
0x86: {  	_ =	shalt  }
0x87: {  	_ =	shalt  }
.Lfunc_end0:
.L_simem_size_0:
called_computation_lowered:
.L_overlay_start_0:
0x88: {  	s2 =	sld [smem:$0x3FD9]  }
0x89: {  	s3 =	sld [smem:$0x3FFE];
	_ =	sdelay $0x1  }
0x8a: {  	s1 =	srdreg.scid  }
0x8b: {  	s0 =	sand.u32 $0x1, s1  }
0x8c: {  	s17 =	sshll.u32 s0, $0xA;
	s2 =	sadd.s32 s3, s2  }
0x8d: {  	s2 =	sadd.s32 s2, s17  }
0x8e: {  	[smem:$0x3FB8] =	sst s2  }
0x8f: {  	_ = 	snop  }
0x90: {  	s2 =	sld [smem:$0x3FD0];
	(tm) =	ssettm $0x1  }
0x91: {  	s18 =	sld [smem:$0x3FFB];
	_ =	sdelay $0x3  }
0x92: {  	_ =	strace s18  }
0x93: {  	s3 =	sld [smem:$0x3FFC];
	_ =	sdelay $0x3  }
0x94: {  	_ =	strace s3  }
0x95: {  	s3 =	sld [smem:$0x3FFD];
	_ =	sdelay $0x3  }
0x96: {  	_ =	strace s3  }
0x97: {  	_ =	strace $0x8FFFFFFF  }
0x98: {  	s19 =	sld [smem:$0x3FDB];
	_ =	sdelay $0x1  }
0x99: {  	s4 =	simm.s32 $_scs_section_size  }
0x9a: {  	s5 =	simm.s32 $_size__tile_overlayer_lowered;
	s6 =	simm.s32 $_tile_overlayer_lowered  }
0x9b: {  	s22 =	simm.s32 $0x1BFF;
	s21 =	sshll.u32 s6, $0x1;
	s3 =	sadd.s32 s4, s19  }
0x9c: {  	s7 =	simm.s32 $0x0;
	s20 =	sshll.u32 s5, $0x1;
	s5 =	sadd.s32 s21, s3  }
0x9d: {  	[timem:s7], [sflag:s22] =	dma.local [hbm:s5], s20  }
0x9e: {  	_ =	swait.ge [sflag:s22], s20  }
0x9f: {  	s4 =	ssub.s32 $0x0, s20;
	[sflag:s22] =	ssyncset.done $0x0  }
0xa0: {  	[sflag:s22] =	ssyncadd.s32 s4;
	_ =	sdelay $0x1  }
0xa1: {  	s23 =	simm.s32 $0x1B8B  }
0xa2: {  	_ =	swait.ge [sflag:s23], $0x1  }
0xa3: {  	[sflag:s23] =	ssyncset.done $0x0  }
0xa4: {  	s25 =	simm.s32 $0x1B8E;
	s24 =	sld [smem:$0x3FFE];
	[sflag:s23] =	ssyncadd.s32 $0xFFFFFFFF  }
0xa5: {  	s26 =	simm.s32 $execute0_lowered;
	[smem:$0x3FD2] =	sst s25  }
0xa6: {  	s5 =	sshll.u32 s26, $0x1;
	_ =	strace $0x80000046;
	[dreg:$0x1] =	wrdreg $0xFFFFFFFF  }
0xa7: {  	s28 =	simm.s32 $_size_execute0_lowered;
	s3 =	sadd.s32 s3, s5;
	[dreg:$0x0] =	wrdreg $0x0  }
0xa8: {  	s5 =	sshll.u32 s28, $0x1;
	[dreg:$0x2] =	wrdreg s3  }
0xa9: {  	[dreg:$0x3] =	wrdreg s5  }
0xaa: {  	[dreg:$0x4] =	wrdreg $0xC0  }
0xab: {  	_ =	task [dreg:s7], $0x5FFFF  }
0xac: {  	[dreg:$0x1] =	wrdreg $0xFFFFFFFF  }
0xad: {  	[dreg:$0x0] =	wrdreg $0x60  }
0xae: {  	[dreg:$0x2] =	wrdreg s24  }
0xaf: {  	[dreg:$0x3] =	wrdreg s2  }
0xb0: {  	[dreg:$0x4] =	wrdreg $0x30000  }
0xb1: {  	[dreg:$0x5] =	wrdreg $0x9  }
0xb2: {  	_ =	task.clear_ibuf [dreg:s7], $0x6FFFF;
	_ =	strace $0x90000046  }
0xb3: {  	s29 =	simm.s32 $0x9;
	_ =	strace $0x80000048  }
0xb4: {  	_ =	swait.ge [sflag:s29], $0x1  }
0xb5: {  	[sflag:s29] =	ssyncadd.s32 $0xFFFFFFFF  }
0xb6: {  	_ =	strace $0x90000048  }
0xb7: {  	_ =	sfence  }
0xb8: {  	s30 =	sld [smem:$0x0];
	_ =	sdelay $0x2  }
0xb9: {  	s31 =	sshll.u32 s1, $0xD;
	s1 =	sshrl.u32 s1, $0x2  }
0xba: {  	s3 =	sand.u32 $0x4000, s31;
	s1 =	sadd.s32 s1, s30  }
0xbb: {  	s0 =	sor.u32 s3, s0;
	s1 =	sshll.u32 s1, $0x11  }
0xbc: {  	s0 =	sor.u32 s1, s0  }
0xbd: {  	s0 =	sadd.s32 $0x8F2B, s0  }
0xbe: {  	[sflag:s0] =	ssyncadd.remote.s32 $0x1  }
0xbf: {  	_ =	sfence.sel $0xFFFF  }
0xc0: {  	[dreg:$0x0] =	wrdreg $0xFFFFFFFF;
	(pc) =	sbr.abs _section_cstart, $3  }
0xc1: {  	[dreg:$0x1] =	wrdreg $0xFFFFFFFF  }
0xc2: {  	_ =	task.clear_ibuf [dreg:s7], $0x2FFFF;
	_ =	strace $0x9FFFFFFF  }
0xc3: {  	(tm) =	ssettm $0x7FFFFFFF  }
tec
execute0_lowered:
.L_overlay_start_1:
0x0: {  	(tag) =	ssettag $0x1  }
0x1: {  	s6 =	rddreg [dreg:$0x0]  }
0x2: {  	s2 =	rddreg [dreg:$0x1]  }
0x3: {  	s0 =	srdreg.scid;
	s3 =	rddreg [dreg:$0x2];
	s4 =	simm.s32 $0x0  }
0x4: {  	s14 =	simm.s32 $0x80;
	s5 =	sand.u32 $0x1, s0;
	s0 =	stileid.u32  }
0x5: {  	s15 =	simm.s32 $0x1;
	s16 =	simm.s32 $0x0;
	s10 =	smul.u32 $0x2780, s0  }
0x6: {  	[smem:$0x7FF] =	sst s4;
	s1 =	sshll.u32 s5, $0x4;
	s11 =	smul.u32 $0x27800, s5  }
0x7: {  	s30 =	ssub.s32 $0x2, s5;
	s5 =	simm.s32 $0x50;
	s31 =	sshll.u32 s0, $0x6  }
0x8: {  	s7 =	sor.u32 s0, s1;
	s1 =	rddreg [dreg:$0x3];
	_ =	strace $0x80000047  }
0x9: {  	s12 =	sshrl.u32 s30, $0x1;
	s8 =	smul.u32 $0x2700, s7;
	s9 =	smin.u32 s7, $0x2  }
0xa: {  	s28 =	sadd.s32 s10, s11;
	s29 =	sshrl.u32 s10, $0x3;
	p0 =	slt.u32 s7, $0x2  }
0xb: {  	s12 =	ssub.s32 s30, s12;
	s13 =	sadd.s32 s10, s3;
	s9 =	sshll.u32 s9, $0x8  }
0xc: {  	s10 =	simm.s32 $0x2;
	s11 =	sadd.s32 s29, s6;
	s8 =	sadd.s32 s8, s9  }
0xd: {  	s5 =	simm.s32 @!p0 $0x4E;
	s13 =	sshrl.u32 s13, $0x3;
	s8 =	sshrl.u32 s8, $0x3  }
0xe: {  	s9 =	sshrl.u32 s28, $0x3;
	s7 =	sadd.s32 $0xE800, s11;
	s8 =	sadd.s32 s8, s6  }
0xf: {  	s11 =	simm.s32 $0x2800;
	s9 =	sadd.s32 s9, s6;
	s6 =	sadd.s32 $0x4A00, s8  }
0x10: {  	s8 =	sadd.s32 $0x13800, s9;
	s9 =	smax.u32 s12, $0x1;
	s12 =	sor.u32 $0x1C02, s31  }
.LBB2_1:
0x11: {  	[tilespmem:s4], [sflag:$0x2] =	stream.linear.gather [hbm4b:s6+s4], $0x2800, $0x38;
	[tilespmem:$0x5780] =	vst v63  }
0x12: {  	_ =	swait.ge [sflag:s10], $0x2800  }
0x13: {  	[sflag:s10] =	ssyncset.done $0x0  }
0x14: {  	[sflag:s10] =	ssyncadd.s32 $0xFFFFD800  }
0x15: {  	[tilespmem:s11], [sflag:$0x2] =	stream.linear.gather [hbm4b:s2+s4], $0x800, $0x38;
	[tilespmem:$0x5780] =	vst v63  }
0x16: {  	_ =	swait.ge [sflag:s10], $0x800  }
0x17: {  	[sflag:s10] =	ssyncset.done $0x0  }
0x18: {  	p0 =	sne.s32 s5, $0x1;
	[sflag:s10] =	ssyncadd.s32 $0xFFFFF800  }
0x19: {  	[spmem:s13], [sflag:s12] =	dma.local [hbm:s7], $0x4F0  }
.Ltmp0:
0x1a: {  	_ =	swait.ge [sflag:s10], $0x4F0;
	(pc) =	sbr.rel @!p0 .LBB2_3-.Ltmp0, $4  }
0x1b: {  	[sflag:s10] =	ssyncset.done $0x0  }
0x1c: {  	[sflag:s10] =	ssyncadd.s32 $0xFFFFFB10  }
0x1d: {  	s17 =	sadd.s32 $0xFFFFFFFF, s5;
	s18 =	simm.s32 $0x0;
	[bflag:$0x0] =	sbarrier.arrive $0xFFFF  }
0x1e: {  	[spmem:s3] =	stream.indirect.scatter.add.f32 [tilespmem:s11], [sflag:$0x1], $0x10, s4, s14, $0xb8;
	[tilespmem:$0x5780] =	vst v63  }
.LBB2_2:
0x1f: {  	p1 =	sne.s32 s17, $0x1  }
.Ltmp1:
0x20: {  	_ = 	snop;
	(pc) =	sbr.rel @p1 .LBB2_2-.Ltmp1, $3  }
0x21: {  	_ = 	snop  }
0x22: {  	s17 =	sadd.s32 $0xFFFFFFFF, s17;
	s18 =	sadd.s32 $0x80, s18;
	_ =	sdelay $0x1  }
0x23: {  	[spmem:s3] =	stream.indirect.scatter.add.f32 [tilespmem:s11], [sflag:$0x1], $0x10, s18, s14, $0xb8;
	[tilespmem:$0x5780] =	vst v63  }
.LBB2_3:
.Ltmp2:
0x24: {  	(pc) =	sbr.rel @!p0 .LBB2_5-.Ltmp2, $3  }
0x25: {  	_ =	sdelay $0x1  }
0x26: {  	_ =	swait.ge [sflag:s15], $0x800  }
0x27: {  	s17 =	sadd.s32 $0xFFFFFFFF, s5;
	[sflag:s15] =	ssyncset.done $0x0  }
.LBB2_4:
0x28: {  	p0 =	sne.s32 s17, $0x1;
	s17 =	sadd.s32 $0xFFFFFFFF, s17;
	[sflag:s15] =	ssyncadd.s32 $0xFFFFF800  }
.Ltmp3:
0x29: {  	(pc) =	sbr.rel @p0 .LBB2_4-.Ltmp3, $3  }
0x2a: {  	_ =	sdelay $0x1  }
0x2b: {  	_ =	swait.ge [sflag:s15], $0x800  }
0x2c: {  	[sflag:s15] =	ssyncset.done $0x0  }
.LBB2_5:
0x2d: {  	s16 =	sadd.s32 $0x1, s16  }
0x2e: {  	[sflag:s15] =	ssyncadd.s32 $0xFFFFF800;
	p0 =	sne.s32 s16, s9  }
.Ltmp4:
0x2f: {  	[bflag:$0x0] =	sbarrier.arrive $0xFFFF;
	(pc) =	sbr.rel @p0 .LBB2_1-.Ltmp4, $4  }
0x30: {  	[hbm:s8], [sflag:s12] =	dma.local [spmem:s13], $0x4F0  }
0x31: {  	_ =	swait.ge [sflag:s10], $0x4F0  }
0x32: {  	[sflag:s10] =	ssyncset.done $0x0  }
0x33: {  	[sflag:s10] =	ssyncadd.s32 $0xFFFFFB10  }
0x34: {  	_ =	sfence.sel $0x180000  }
0x35: {  	[bflag:$0x0] =	sbarrier.arrive $0xFFFF  }
0x36: {  	p0 =	sne.s32 s0, $0x0;
	_ =	strace $0x90000047  }
0x37: {  	s0 =	sadd.s32 @!p0 $0x100000, s1;
	[bflag:$0x2] =	sbarrier.arrive $0xFFFF  }
0x38: {  	[sflag:s0] =	ssyncadd.tile.s32 @!p0 $0x1;
	_ =	shalt  }
.Lfunc_end2:
_tile_overlayer_lowered:
.L_overlay_start_2:
0x39: {  	(tag) =	ssettag $0x2  }
0x3a: {  	s0 =	rddreg [dreg:$0x0];
	s2 =	stileid.u32  }
0x3b: {  	s1 =	rddreg [dreg:$0x1];
	p0 =	sne.s32 s2, $0x0  }
0x3c: {  	s3 =	rddreg [dreg:$0x2];
	[bflag:$0x3] =	sbarrier.arrive $0xFFFF;
	s2 =	simm.s32 @!p0 $0x1C02  }
0x3d: {  	[timem:s3], [sflag:s2] =	dma.local @!p0 [hbm:s0], s1  }
0x3e: {  	s0 =	simm.s32 @!p0 $0x2  }
0x3f: {  	_ =	swait.ge @!p0 [sflag:s0], s1  }
0x40: {  	s1 =	ssub.s32 @!p0 $0x0, s1;
	[sflag:s0] =	ssyncset.done @!p0 $0x0  }
0x41: {  	[sflag:s0] =	ssyncadd.s32 @!p0 s1  }
0x42: {  	[bflag:$0x3] =	sbarrier.arrive $0xFFFF  }
0x43: {  	_ =	shalt  }

// kernel: kernel.16.cloned.1.call-start
scs
__scs_entry_jumppad:
0x0: {  	(pc) =	sbr.rel $0x88, $3  }
0x1: {  	(tag) =	ssettag $0x0;
	lr =	simm.s32 $0x1  }
0x2: {  	[smem:$0x3F91] =	sst lr;
	_ =	strace $0xD0000000  }
0x3: {  	_ = 	snop  }
0x4: {  	_ = 	snop  }
0x5: {  	_ = 	snop  }
0x6: {  	_ = 	snop  }
0x7: {  	_ = 	snop  }
__scs_overlays_trampoline_lowered:
0x8: {  	[smem:$0x3FA0] =	sst s0  }
0x9: {  	[smem:$0x3FA1] =	sst s1  }
0xa: {  	[smem:$0x3FA2] =	sst s2  }
0xb: {  	[smem:$0x3FA3] =	sst s3  }
0xc: {  	[smem:$0x3FA4] =	sst s4  }
0xd: {  	[smem:$0x3FA5] =	sst s5  }
0xe: {  	[smem:$0x3FA6] =	sst s6  }
0xf: {  	[smem:$0x3FA7] =	sst s7  }
0x10: {  	[smem:$0x3FA8] =	sst s8  }
0x11: {  	[smem:$0x3FA9] =	sst s9;
	s0 =	simm.s32 @!p0 $0x0  }
0x12: {  	s1 =	sld [smem:$0x3F8F];
	s0 =	simm.s32 @p0 $0x1  }
0x13: {  	[smem:$0x3FAA] =	sst s0;
	s0 =	simm.s32 @!p1 $0x0  }
0x14: {  	s2 =	sld [smem:$0x3F8E];
	s0 =	simm.s32 @p1 $0x1  }
0x15: {  	[smem:$0x3FAB] =	sst s0;
	s0 =	simm.s32 @!p2 $0x0  }
0x16: {  	s3 =	sld [smem:$0x3FDB];
	s0 =	simm.s32 @p2 $0x1  }
0x17: {  	s4 =	simm.s32 $0x1BF5;
	[smem:$0x3FAD] =	sst s0  }
0x18: {  	s0 =	sld [smem:$0x3F90];
	_ =	swait.ge [sflag:s4], $0x0  }
0x19: {  	s7 =	sld [smem:$0x3F91]  }
0x1a: {  	s8 =	sadd.s32 $0xFFFFE003, lr  }
0x1b: {  	s9 =	sadd.s32 $0xFFFFFEF7, lr;
	s5 =	simm.s32 $0xFFFFFFFF;
	p2 =	slt.u32 s8, $0xFFFFF086  }
0x1c: {  	p1 =	slt.u32 s9, $0xF7A;
	s5 =	simm.s32 @!p2 $0x0  }
0x1d: {  	s5 =	simm.s32 @p1 $0x1;
	p0 =	seq.s32 s7, s2  }
0x1e: {  	s7 =	smul.u32 @!p0 $0xF7A, s2;
	p2 =	seq.s32 @!p0 s5, $0x0  }
0x1f: {  	s9 =	smul.u32 $0xF7A, s1;
	s8 =	simm.s32 @!p0 $0x1BF5;
	p2 =	por !p2, p0  }
0x20: {  	[sflag:s8] =	ssyncset.s32 @!p0 $0xFFFFF086;
	s6 =	sadd.s32 @!p0 s3, s7;
	s7 =	simm.s32 @!p0 $0x108  }
0x21: {  	s3 =	sadd.s32 s3, s9;
	s6 =	sadd.s32 @!p0 $0x88, s6;
	s7 =	simm.s32 @p2 $0x1082  }
0x22: {  	[simem:s7], [sflag:s8] =	dma.local @!p0 [hbm:s6], $0xF7A  }
0x23: {  	s9 =	sor.u32 $0xD0000000, s2;
	s6 =	simm.s32 $0x108;
	_ =	swait.ge @!p0 [sflag:s8], $0x0  }
0x24: {  	s3 =	sadd.s32 $0x88, s3;
	s6 =	simm.s32 @!p1 $0x1082;
	[sflag:s4] =	ssyncset.s32 $0xFFFFF086  }
0x25: {  	[simem:s6], [sflag:s4] =	dma.local [hbm:s3], $0xF7A  }
0x26: {  	[smem:$0x3F91] =	sst s1;
	(tag) =	ssettag s2;
	_ =	strace s9  }
0x27: {  	s1 =	sld [smem:$0x3FA1]  }
0x28: {  	s2 =	sld [smem:$0x3FA2]  }
0x29: {  	s4 =	sld [smem:$0x3FA4]  }
0x2a: {  	p0 =	seq.s32 s5, $0x0;
	s5 =	sld [smem:$0x3FA5]  }
0x2b: {  	s6 =	sld [smem:$0x3FA6]  }
0x2c: {  	s7 =	sld [smem:$0x3FA7]  }
0x2d: {  	s3 =	simm.s32 $0x108;
	s8 =	sld [smem:$0x3FA8]  }
0x2e: {  	s3 =	simm.s32 @!p0 $0x1082;
	s9 =	sld [smem:$0x3FA9]  }
0x2f: {  	lr =	sadd.s32 s0, s3;
	s0 =	sld [smem:$0x3FA0]  }
0x30: {  	s3 =	sld [smem:$0x3FA3]  }
0x31: {  	[smem:$0x3FAC] =	sst s10  }
0x32: {  	s10 =	sld [smem:$0x3FAA];
	_ =	sdelay $0x3  }
0x33: {  	p0 =	seq.s32 s10, $0x1;
	s10 =	sld [smem:$0x3FAC];
	_ =	sdelay $0x3  }
0x34: {  	[smem:$0x3FAC] =	sst s10  }
0x35: {  	s10 =	sld [smem:$0x3FAB];
	_ =	sdelay $0x3  }
0x36: {  	p1 =	seq.s32 s10, $0x1;
	s10 =	sld [smem:$0x3FAC];
	_ =	sdelay $0x3  }
0x37: {  	[smem:$0x3FAC] =	sst s10  }
0x38: {  	s10 =	sld [smem:$0x3FAD]  }
0x39: {  	_ = 	snop;
	(pc) =	sbr.ind lr, $3  }
0x3a: {  	_ = 	snop  }
0x3b: {  	_ = 	snop  }
0x3c: {  	p2 =	seq.s32 s10, $0x1;
	s10 =	sld [smem:$0x3FAC]  }
0x3d: {  	_ =	shalt  }
0x3e: {  	_ =	shalt  }
0x3f: {  	_ =	shalt  }
0x40: {  	_ =	shalt  }
0x41: {  	_ =	shalt  }
0x42: {  	_ =	shalt  }
0x43: {  	_ =	shalt  }
0x44: {  	_ =	shalt  }
0x45: {  	_ =	shalt  }
0x46: {  	_ =	shalt  }
0x47: {  	_ =	shalt  }
0x48: {  	_ =	shalt  }
0x49: {  	_ =	shalt  }
0x4a: {  	_ =	shalt  }
0x4b: {  	_ =	shalt  }
0x4c: {  	_ =	shalt  }
0x4d: {  	_ =	shalt  }
0x4e: {  	_ =	shalt  }
0x4f: {  	_ =	shalt  }
0x50: {  	_ =	shalt  }
0x51: {  	_ =	shalt  }
0x52: {  	_ =	shalt  }
0x53: {  	_ =	shalt  }
0x54: {  	_ =	shalt  }
0x55: {  	_ =	shalt  }
0x56: {  	_ =	shalt  }
0x57: {  	_ =	shalt  }
0x58: {  	_ =	shalt  }
0x59: {  	_ =	shalt  }
0x5a: {  	_ =	shalt  }
0x5b: {  	_ =	shalt  }
0x5c: {  	_ =	shalt  }
0x5d: {  	_ =	shalt  }
0x5e: {  	_ =	shalt  }
0x5f: {  	_ =	shalt  }
0x60: {  	_ =	shalt  }
0x61: {  	_ =	shalt  }
0x62: {  	_ =	shalt  }
0x63: {  	_ =	shalt  }
0x64: {  	_ =	shalt  }
0x65: {  	_ =	shalt  }
0x66: {  	_ =	shalt  }
0x67: {  	_ =	shalt  }
0x68: {  	_ =	shalt  }
0x69: {  	_ =	shalt  }
0x6a: {  	_ =	shalt  }
0x6b: {  	_ =	shalt  }
0x6c: {  	_ =	shalt  }
0x6d: {  	_ =	shalt  }
0x6e: {  	_ =	shalt  }
0x6f: {  	_ =	shalt  }
0x70: {  	_ =	shalt  }
0x71: {  	_ =	shalt  }
0x72: {  	_ =	shalt  }
0x73: {  	_ =	shalt  }
0x74: {  	_ =	shalt  }
0x75: {  	_ =	shalt  }
0x76: {  	_ =	shalt  }
0x77: {  	_ =	shalt  }
0x78: {  	_ =	shalt  }
0x79: {  	_ =	shalt  }
0x7a: {  	_ =	shalt  }
0x7b: {  	_ =	shalt  }
0x7c: {  	_ =	shalt  }
0x7d: {  	_ =	shalt  }
0x7e: {  	_ =	shalt  }
0x7f: {  	_ =	shalt  }
0x80: {  	_ =	shalt  }
0x81: {  	_ =	shalt  }
0x82: {  	_ =	shalt  }
0x83: {  	_ =	shalt  }
0x84: {  	_ =	shalt  }
0x85: {  	_ =	shalt  }
0x86: {  	_ =	shalt  }
0x87: {  	_ =	shalt  }
.Lfunc_end0:
.L_simem_size_0:
called_computation.1_lowered:
.L_overlay_start_0:
0x88: {  	s2 =	sld [smem:$0x3FD9]  }
0x89: {  	s3 =	sld [smem:$0x3FFE];
	_ =	sdelay $0x1  }
0x8a: {  	s1 =	srdreg.scid  }
0x8b: {  	s0 =	sand.u32 $0x1, s1  }
0x8c: {  	s16 =	sshll.u32 s0, $0xA;
	s2 =	sadd.s32 s3, s2  }
0x8d: {  	s2 =	sadd.s32 s2, s16  }
0x8e: {  	[smem:$0x3FB8] =	sst s2  }
0x8f: {  	_ = 	snop  }
0x90: {  	(tm) =	ssettm $0x1  }
0x91: {  	s17 =	sld [smem:$0x3FFB];
	_ =	sdelay $0x3  }
0x92: {  	_ =	strace s17  }
0x93: {  	s2 =	sld [smem:$0x3FFC];
	_ =	sdelay $0x3  }
0x94: {  	_ =	strace s2  }
0x95: {  	s2 =	sld [smem:$0x3FFD];
	_ =	sdelay $0x3  }
0x96: {  	_ =	strace s2  }
0x97: {  	_ =	strace $0x8FFFFFFF  }
0x98: {  	s18 =	sld [smem:$0x3FDB];
	_ =	sdelay $0x1  }
0x99: {  	s19 =	simm.s32 $_scs_section_size  }
0x9a: {  	s4 =	simm.s32 $_size__tile_overlayer_lowered;
	s5 =	simm.s32 $_tile_overlayer_lowered  }
0x9b: {  	s22 =	simm.s32 $0x1BFF;
	s21 =	sshll.u32 s5, $0x1;
	s2 =	sadd.s32 s19, s18  }
0x9c: {  	s6 =	simm.s32 $0x0;
	s20 =	sshll.u32 s4, $0x1;
	s4 =	sadd.s32 s21, s2  }
0x9d: {  	[timem:s6], [sflag:s22] =	dma.local [hbm:s4], s20  }
0x9e: {  	_ =	swait.ge [sflag:s22], s20  }
0x9f: {  	s3 =	ssub.s32 $0x0, s20;
	[sflag:s22] =	ssyncset.done $0x0  }
0xa0: {  	[sflag:s22] =	ssyncadd.s32 s3;
	_ =	sdelay $0x1  }
0xa1: {  	s23 =	simm.s32 $0x1B8B  }
0xa2: {  	_ =	swait.ge [sflag:s23], $0x1  }
0xa3: {  	[sflag:s23] =	ssyncset.done $0x0  }
0xa4: {  	s25 =	simm.s32 $0x1B8E;
	s24 =	sld [smem:$0x3FFE];
	[sflag:s23] =	ssyncadd.s32 $0xFFFFFFFF  }
0xa5: {  	s26 =	simm.s32 $execute0_lowered;
	[smem:$0x3FD2] =	sst s25  }
0xa6: {  	s4 =	sshll.u32 s26, $0x1;
	_ =	strace $0x80000049;
	[dreg:$0x1] =	wrdreg $0xFFFFFFFF  }
0xa7: {  	s28 =	simm.s32 $_size_execute0_lowered;
	s2 =	sadd.s32 s2, s4;
	[dreg:$0x0] =	wrdreg $0x0  }
0xa8: {  	s4 =	sshll.u32 s28, $0x1;
	[dreg:$0x2] =	wrdreg s2  }
0xa9: {  	[dreg:$0x3] =	wrdreg s4  }
0xaa: {  	[dreg:$0x4] =	wrdreg $0xC0  }
0xab: {  	_ =	task [dreg:s6], $0x5FFFF  }
0xac: {  	[dreg:$0x1] =	wrdreg $0xFFFFFFFF  }
0xad: {  	[dreg:$0x0] =	wrdreg $0x60  }
0xae: {  	[dreg:$0x2] =	wrdreg s24  }
0xaf: {  	[dreg:$0x3] =	wrdreg $0x90000  }
0xb0: {  	[dreg:$0x4] =	wrdreg $0x12E000  }
0xb1: {  	[dreg:$0x5] =	wrdreg $0x9  }
0xb2: {  	_ =	task.clear_ibuf [dreg:s6], $0x6FFFF;
	_ =	strace $0x90000049  }
0xb3: {  	s29 =	simm.s32 $0x9;
	_ =	strace $0x8000004B  }
0xb4: {  	_ =	swait.ge [sflag:s29], $0x1  }
0xb5: {  	[sflag:s29] =	ssyncadd.s32 $0xFFFFFFFF  }
0xb6: {  	_ =	strace $0x9000004B  }
0xb7: {  	_ =	sfence  }
0xb8: {  	s30 =	sld [smem:$0x0];
	_ =	sdelay $0x2  }
0xb9: {  	s31 =	sshll.u32 s1, $0xD;
	s1 =	sshrl.u32 s1, $0x2  }
0xba: {  	s3 =	sand.u32 $0x4000, s31;
	s1 =	sadd.s32 s1, s30  }
0xbb: {  	s0 =	sor.u32 s3, s0;
	s1 =	sshll.u32 s1, $0x11  }
0xbc: {  	s0 =	sor.u32 s1, s0  }
0xbd: {  	s0 =	sadd.s32 $0x8F2B, s0  }
0xbe: {  	[sflag:s0] =	ssyncadd.remote.s32 $0x1  }
0xbf: {  	_ =	sfence.sel $0xFFFF  }
0xc0: {  	[dreg:$0x0] =	wrdreg $0xFFFFFFFF;
	(pc) =	sbr.abs _section_cstart, $3  }
0xc1: {  	[dreg:$0x1] =	wrdreg $0xFFFFFFFF  }
0xc2: {  	_ =	task.clear_ibuf [dreg:s6], $0x2FFFF;
	_ =	strace $0x9FFFFFFF  }
0xc3: {  	(tm) =	ssettm $0x7FFFFFFF  }
tec
execute0_lowered:
.L_overlay_start_1:
0x0: {  	(tag) =	ssettag $0x1  }
0x1: {  	s5 =	rddreg [dreg:$0x0]  }
0x2: {  	s0 =	srdreg.scid;
	s2 =	rddreg [dreg:$0x1]  }
0x3: {  	s3 =	rddreg [dreg:$0x2];
	s4 =	simm.s32 $0x0;
	s15 =	simm.s32 $0x2800  }
0x4: {  	s19 =	simm.s32 $0x80;
	s20 =	simm.s32 $0x5000;
	s21 =	simm.s32 $0x7000  }
0x5: {  	s22 =	simm.s32 $0x1;
	s6 =	sand.u32 $0x1, s0;
	s0 =	stileid.u32  }
0x6: {  	s23 =	simm.s32 $0x2;
	s24 =	simm.s32 $0x0;
	s8 =	smul.u32 $0x9E00, s0  }
0x7: {  	[smem:$0x7FF] =	sst s4;
	s1 =	sshll.u32 s6, $0x4;
	s11 =	smul.u32 $0x9E000, s6  }
0x8: {  	s6 =	ssub.s32 $0x2, s6;
	s16 =	sshll.u32 s0, $0x6;
	s7 =	sor.u32 s0, s1  }
0x9: {  	s1 =	rddreg [dreg:$0x3];
	_ =	strace $0x8000004A;
	s29 =	sshrl.u32 s6, $0x1  }
0xa: {  	s16 =	sor.u32 $0x1C03, s16;
	s9 =	smul.u32 $0x2700, s7;
	s10 =	smin.u32 s7, $0x2  }
0xb: {  	s12 =	sshrl.u32 s8, $0x3;
	s28 =	sadd.s32 s8, s11;
	s14 =	ssub.s32 s6, s29  }
0xc: {  	p0 =	slt.u32 s7, $0x2;
	s11 =	simm.s32 $0x50;
	s17 =	sadd.s32 s8, s2  }
0xd: {  	s18 =	sadd.s32 s8, s3;
	s10 =	sshll.u32 s10, $0x8;
	s12 =	sadd.s32 s12, s5  }
0xe: {  	s11 =	simm.s32 @!p0 $0x4E;
	s17 =	sshrl.u32 s17, $0x3;
	s18 =	sshrl.u32 s18, $0x3  }
0xf: {  	s9 =	sadd.s32 s9, s10;
	s10 =	sshrl.u32 s28, $0x3;
	s7 =	sadd.s32 $0x62800, s12  }
0x10: {  	s30 =	sadd.s32 $0xFFFFFFFE, s11;
	s8 =	sadd.s32 $0x4EC00, s12;
	s11 =	sshll.u32 s11, $0x7  }
0x11: {  	s9 =	sshrl.u32 s9, $0x3;
	s13 =	sadd.s32 s10, s5;
	s31 =	sshll.u32 s30, $0x7  }
0x12: {  	s11 =	sadd.s32 $0x2780, s11;
	s9 =	sadd.s32 s9, s5;
	s10 =	sadd.s32 $0x2800, s31  }
0x13: {  	s12 =	sadd.s32 $0x76400, s13;
	s13 =	smax.u32 s14, $0x1;
	s14 =	simm.s32 $0x3  }
0x14: {  	s5 =	sadd.s32 $0x1D600, s9;
	s6 =	sadd.s32 $0x4A00, s9;
	s9 =	sshrl.u32 s30, $0x1  }
.LBB2_1:
0x15: {  	[tilespmem:s4], [sflag:$0x3] =	stream.linear.gather [hbm4b:s5+s4], $0x2800, $0x38;
	[tilespmem:$0x1CC00] =	vst v63  }
0x16: {  	_ =	swait.ge [sflag:s14], $0x2800  }
0x17: {  	[sflag:s14] =	ssyncset.done $0x0  }
0x18: {  	[sflag:s14] =	ssyncadd.s32 $0xFFFFD800  }
0x19: {  	[tilespmem:s15], [sflag:$0x3] =	stream.linear.gather [hbm4b:s6+s4], $0x2800, $0x38;
	[tilespmem:$0x1CC00] =	vst v63  }
0x1a: {  	_ =	swait.ge [sflag:s14], $0x2800  }
0x1b: {  	[sflag:s14] =	ssyncset.done $0x0  }
0x1c: {  	[sflag:s14] =	ssyncadd.s32 $0xFFFFD800  }
0x1d: {  	[spmem:s17], [sflag:s16] =	dma.local [hbm:s7], $0x13C0  }
0x1e: {  	_ =	swait.ge [sflag:s14], $0x13C0  }
0x1f: {  	[sflag:s14] =	ssyncset.done $0x0  }
0x20: {  	[sflag:s14] =	ssyncadd.s32 $0xFFFFEC40  }
0x21: {  	[spmem:s18], [sflag:s16] =	dma.local [hbm:s8], $0x13C0  }
0x22: {  	_ =	swait.ge [sflag:s14], $0x13C0  }
0x23: {  	[sflag:s14] =	ssyncset.done $0x0  }
0x24: {  	[sflag:s14] =	ssyncadd.s32 $0xFFFFEC40  }
0x25: {  	[bflag:$0x0] =	sbarrier.arrive $0xFFFF  }
0x26: {  	[tilespmem:s20], [sflag:$0x1] =	stream.indirect.gather [spmem:s3], $0x40, s4, s19, $0xb8;
	[tilespmem:$0x1CC00] =	vst v63  }
0x27: {  	_ = 	snop  }
0x28: {  	[tilespmem:s21], [sflag:$0x2] =	stream.indirect.gather [spmem:s3], $0x40, s19, s19, $0xb8;
	[tilespmem:$0x1CC00] =	vst v63  }
0x29: {  	_ =	swait.ge [sflag:s22], $0x2000  }
0x2a: {  	[sflag:s22] =	ssyncset.done $0x0  }
0x2b: {  	s25 =	simm.s32 $0x2800;
	[sflag:s22] =	ssyncadd.s32 $0xFFFFE000  }
0x2c: {  	[spmem:s2] =	stream.indirect.scatter.add.f32 [tilespmem:s20], [sflag:$0x3], $0x40, s25, s19, $0xb8;
	[tilespmem:$0x1CC00] =	vst v63  }
0x2d: {  	_ =	swait.ge [sflag:s14], $0x2000  }
0x2e: {  	[sflag:s14] =	ssyncset.done $0x0  }
0x2f: {  	s30 =	simm.s32 $0x100;
	[sflag:s14] =	ssyncadd.s32 $0xFFFFE000  }
0x30: {  	[tilespmem:s20], [sflag:$0x1] =	stream.indirect.gather [spmem:s3], $0x40, s30, s19, $0xb8;
	[tilespmem:$0x1CC00] =	vst v63  }
0x31: {  	_ =	swait.ge [sflag:s23], $0x2000  }
0x32: {  	p0 =	sne.s32 s9, $0x1;
	[sflag:s23] =	ssyncset.done $0x0  }
.Ltmp0:
0x33: {  	s31 =	simm.s32 $0x2880;
	[sflag:s23] =	ssyncadd.s32 $0xFFFFE000;
	(pc) =	sbr.rel @!p0 .LBB2_3-.Ltmp0, $4  }
0x34: {  	[spmem:s2] =	stream.indirect.scatter.add.f32 [tilespmem:s21], [sflag:$0x3], $0x40, s31, s19, $0xb8;
	[tilespmem:$0x1CC00] =	vst v63  }
0x35: {  	_ =	swait.ge [sflag:s14], $0x2000  }
0x36: {  	s26 =	simm.s32 $0x180;
	s28 =	simm.s32 $0x280;
	[sflag:s14] =	ssyncset.done $0x0  }
0x37: {  	s29 =	simm.s32 $0x2980;
	s25 =	sadd.s32 $0xFFFFFFFF, s9;
	[sflag:s14] =	ssyncadd.s32 $0xFFFFE000  }
.LBB2_2:
0x38: {  	[tilespmem:s21], [sflag:$0x2] =	stream.indirect.gather [spmem:s3], $0x40, s26, s19, $0xb8;
	[tilespmem:$0x1CC00] =	vst v63  }
0x39: {  	p0 =	sne.s32 s25, $0x1;
	s25 =	sadd.s32 $0xFFFFFFFF, s25;
	_ =	swait.ge [sflag:s22], $0x2000  }
0x3a: {  	s26 =	smov.u32 s28;
	[sflag:s22] =	ssyncset.done $0x0  }
0x3b: {  	s30 =	sadd.s32 $0xFFFFFF80, s29;
	[sflag:s22] =	ssyncadd.s32 $0xFFFFE000  }
0x3c: {  	[spmem:s2] =	stream.indirect.scatter.add.f32 [tilespmem:s20], [sflag:$0x3], $0x40, s30, s19, $0xb8;
	[tilespmem:$0x1CC00] =	vst v63  }
0x3d: {  	_ =	swait.ge [sflag:s14], $0x2000  }
0x3e: {  	[sflag:s14] =	ssyncset.done $0x0  }
0x3f: {  	s30 =	sadd.s32 $0xFFFFFF80, s28;
	[sflag:s14] =	ssyncadd.s32 $0xFFFFE000  }
0x40: {  	[tilespmem:s20], [sflag:$0x1] =	stream.indirect.gather [spmem:s3], $0x40, s30, s19, $0xb8;
	[tilespmem:$0x1CC00] =	vst v63  }
0x41: {  	_ =	swait.ge [sflag:s23], $0x2000  }
0x42: {  	[sflag:s23] =	ssyncset.done $0x0  }
.Ltmp1:
0x43: {  	[sflag:s23] =	ssyncadd.s32 $0xFFFFE000;
	(pc) =	sbr.rel @p0 .LBB2_2-.Ltmp1, $4  }
0x44: {  	[spmem:s2] =	stream.indirect.scatter.add.f32 [tilespmem:s21], [sflag:$0x3], $0x40, s29, s19, $0xb8;
	[tilespmem:$0x1CC00] =	vst v63  }
0x45: {  	_ =	swait.ge [sflag:s14], $0x2000  }
0x46: {  	[sflag:s14] =	ssyncset.done $0x0  }
0x47: {  	s28 =	sadd.s32 $0x100, s28;
	s29 =	sadd.s32 $0x100, s29;
	[sflag:s14] =	ssyncadd.s32 $0xFFFFE000  }
.LBB2_3:
0x48: {  	[tilespmem:s21], [sflag:$0x2] =	stream.indirect.gather [spmem:s3], $0x40, s26, s19, $0xb8;
	[tilespmem:$0x1CC00] =	vst v63  }
0x49: {  	_ =	swait.ge [sflag:s22], $0x2000  }
0x4a: {  	[sflag:s22] =	ssyncset.done $0x0  }
0x4b: {  	[sflag:s22] =	ssyncadd.s32 $0xFFFFE000  }
0x4c: {  	[spmem:s2] =	stream.indirect.scatter.add.f32 [tilespmem:s20], [sflag:$0x3], $0x40, s10, s19, $0xb8;
	[tilespmem:$0x1CC00] =	vst v63  }
0x4d: {  	_ =	swait.ge [sflag:s14], $0x2000  }
0x4e: {  	[sflag:s14] =	ssyncset.done $0x0  }
0x4f: {  	[sflag:s14] =	ssyncadd.s32 $0xFFFFE000  }
0x50: {  	_ =	swait.ge [sflag:s23], $0x2000  }
0x51: {  	[sflag:s23] =	ssyncset.done $0x0  }
0x52: {  	[sflag:s23] =	ssyncadd.s32 $0xFFFFE000  }
0x53: {  	[spmem:s2] =	stream.indirect.scatter.add.f32 [tilespmem:s21], [sflag:$0x3], $0x40, s11, s19, $0xb8;
	[tilespmem:$0x1CC00] =	vst v63  }
0x54: {  	_ =	swait.ge [sflag:s14], $0x2000  }
0x55: {  	s24 =	sadd.s32 $0x1, s24;
	[sflag:s14] =	ssyncset.done $0x0  }
0x56: {  	p0 =	sne.s32 s24, s13;
	[sflag:s14] =	ssyncadd.s32 $0xFFFFE000  }
.Ltmp2:
0x57: {  	[bflag:$0x0] =	sbarrier.arrive $0xFFFF;
	(pc) =	sbr.rel @p0 .LBB2_1-.Ltmp2, $4  }
0x58: {  	[hbm:s12], [sflag:s16] =	dma.local [spmem:s17], $0x13C0  }
0x59: {  	_ =	swait.ge [sflag:s14], $0x13C0  }
0x5a: {  	[sflag:s14] =	ssyncset.done $0x0  }
0x5b: {  	[sflag:s14] =	ssyncadd.s32 $0xFFFFEC40  }
0x5c: {  	_ =	sfence.sel $0x180000  }
0x5d: {  	[bflag:$0x0] =	sbarrier.arrive $0xFFFF  }
0x5e: {  	p0 =	sne.s32 s0, $0x0;
	_ =	strace $0x9000004A  }
0x5f: {  	s0 =	sadd.s32 @!p0 $0x100000, s1;
	[bflag:$0x2] =	sbarrier.arrive $0xFFFF  }
0x60: {  	[sflag:s0] =	ssyncadd.tile.s32 @!p0 $0x1;
	_ =	shalt  }
.Lfunc_end2:
_tile_overlayer_lowered:
.L_overlay_start_2:
0x61: {  	(tag) =	ssettag $0x2  }
0x62: {  	s0 =	rddreg [dreg:$0x0];
	s2 =	stileid.u32  }
0x63: {  	s1 =	rddreg [dreg:$0x1];
	p0 =	sne.s32 s2, $0x0  }
0x64: {  	s3 =	rddreg [dreg:$0x2];
	[bflag:$0x3] =	sbarrier.arrive $0xFFFF;
	s2 =	simm.s32 @!p0 $0x1C03  }
0x65: {  	[timem:s3], [sflag:s2] =	dma.local @!p0 [hbm:s0], s1  }
0x66: {  	s0 =	simm.s32 @!p0 $0x3  }
0x67: {  	_ =	swait.ge @!p0 [sflag:s0], s1  }
0x68: {  	s1 =	ssub.s32 @!p0 $0x0, s1;
	[sflag:s0] =	ssyncset.done @!p0 $0x0  }
0x69: {  	[sflag:s0] =	ssyncadd.s32 @!p0 s1  }
0x6a: {  	[bflag:$0x3] =	sbarrier.arrive $0xFFFF  }
0x6b: {  	_ =	shalt  }

// kernel: kernel.19.cloned.1.call-start
scs
__scs_entry_jumppad:
0x0: {  	(pc) =	sbr.rel $0x88, $3  }
0x1: {  	(tag) =	ssettag $0x0;
	lr =	simm.s32 $0x1  }
0x2: {  	[smem:$0x3F91] =	sst lr;
	_ =	strace $0xD0000000  }
0x3: {  	_ = 	snop  }
0x4: {  	_ = 	snop  }
0x5: {  	_ = 	snop  }
0x6: {  	_ = 	snop  }
0x7: {  	_ = 	snop  }
__scs_overlays_trampoline_lowered:
0x8: {  	[smem:$0x3FA0] =	sst s0  }
0x9: {  	[smem:$0x3FA1] =	sst s1  }
0xa: {  	[smem:$0x3FA2] =	sst s2  }
0xb: {  	[smem:$0x3FA3] =	sst s3  }
0xc: {  	[smem:$0x3FA4] =	sst s4  }
0xd: {  	[smem:$0x3FA5] =	sst s5  }
0xe: {  	[smem:$0x3FA6] =	sst s6  }
0xf: {  	[smem:$0x3FA7] =	sst s7  }
0x10: {  	[smem:$0x3FA8] =	sst s8  }
0x11: {  	[smem:$0x3FA9] =	sst s9;
	s0 =	simm.s32 @!p0 $0x0  }
0x12: {  	s1 =	sld [smem:$0x3F8F];
	s0 =	simm.s32 @p0 $0x1  }
0x13: {  	[smem:$0x3FAA] =	sst s0;
	s0 =	simm.s32 @!p1 $0x0  }
0x14: {  	s2 =	sld [smem:$0x3F8E];
	s0 =	simm.s32 @p1 $0x1  }
0x15: {  	[smem:$0x3FAB] =	sst s0;
	s0 =	simm.s32 @!p2 $0x0  }
0x16: {  	s3 =	sld [smem:$0x3FDB];
	s0 =	simm.s32 @p2 $0x1  }
0x17: {  	s4 =	simm.s32 $0x1BF5;
	[smem:$0x3FAD] =	sst s0  }
0x18: {  	s0 =	sld [smem:$0x3F90];
	_ =	swait.ge [sflag:s4], $0x0  }
0x19: {  	s7 =	sld [smem:$0x3F91]  }
0x1a: {  	s8 =	sadd.s32 $0xFFFFE003, lr  }
0x1b: {  	s9 =	sadd.s32 $0xFFFFFEF7, lr;
	s5 =	simm.s32 $0xFFFFFFFF;
	p2 =	slt.u32 s8, $0xFFFFF086  }
0x1c: {  	p1 =	slt.u32 s9, $0xF7A;
	s5 =	simm.s32 @!p2 $0x0  }
0x1d: {  	s5 =	simm.s32 @p1 $0x1;
	p0 =	seq.s32 s7, s2  }
0x1e: {  	s7 =	smul.u32 @!p0 $0xF7A, s2;
	p2 =	seq.s32 @!p0 s5, $0x0  }
0x1f: {  	s9 =	smul.u32 $0xF7A, s1;
	s8 =	simm.s32 @!p0 $0x1BF5;
	p2 =	por !p2, p0  }
0x20: {  	[sflag:s8] =	ssyncset.s32 @!p0 $0xFFFFF086;
	s6 =	sadd.s32 @!p0 s3, s7;
	s7 =	simm.s32 @!p0 $0x108  }
0x21: {  	s3 =	sadd.s32 s3, s9;
	s6 =	sadd.s32 @!p0 $0x88, s6;
	s7 =	simm.s32 @p2 $0x1082  }
0x22: {  	[simem:s7], [sflag:s8] =	dma.local @!p0 [hbm:s6], $0xF7A  }
0x23: {  	s9 =	sor.u32 $0xD0000000, s2;
	s6 =	simm.s32 $0x108;
	_ =	swait.ge @!p0 [sflag:s8], $0x0  }
0x24: {  	s3 =	sadd.s32 $0x88, s3;
	s6 =	simm.s32 @!p1 $0x1082;
	[sflag:s4] =	ssyncset.s32 $0xFFFFF086  }
0x25: {  	[simem:s6], [sflag:s4] =	dma.local [hbm:s3], $0xF7A  }
0x26: {  	[smem:$0x3F91] =	sst s1;
	(tag) =	ssettag s2;
	_ =	strace s9  }
0x27: {  	s1 =	sld [smem:$0x3FA1]  }
0x28: {  	s2 =	sld [smem:$0x3FA2]  }
0x29: {  	s4 =	sld [smem:$0x3FA4]  }
0x2a: {  	p0 =	seq.s32 s5, $0x0;
	s5 =	sld [smem:$0x3FA5]  }
0x2b: {  	s6 =	sld [smem:$0x3FA6]  }
0x2c: {  	s7 =	sld [smem:$0x3FA7]  }
0x2d: {  	s3 =	simm.s32 $0x108;
	s8 =	sld [smem:$0x3FA8]  }
0x2e: {  	s3 =	simm.s32 @!p0 $0x1082;
	s9 =	sld [smem:$0x3FA9]  }
0x2f: {  	lr =	sadd.s32 s0, s3;
	s0 =	sld [smem:$0x3FA0]  }
0x30: {  	s3 =	sld [smem:$0x3FA3]  }
0x31: {  	[smem:$0x3FAC] =	sst s10  }
0x32: {  	s10 =	sld [smem:$0x3FAA];
	_ =	sdelay $0x3  }
0x33: {  	p0 =	seq.s32 s10, $0x1;
	s10 =	sld [smem:$0x3FAC];
	_ =	sdelay $0x3  }
0x34: {  	[smem:$0x3FAC] =	sst s10  }
0x35: {  	s10 =	sld [smem:$0x3FAB];
	_ =	sdelay $0x3  }
0x36: {  	p1 =	seq.s32 s10, $0x1;
	s10 =	sld [smem:$0x3FAC];
	_ =	sdelay $0x3  }
0x37: {  	[smem:$0x3FAC] =	sst s10  }
0x38: {  	s10 =	sld [smem:$0x3FAD]  }
0x39: {  	_ = 	snop;
	(pc) =	sbr.ind lr, $3  }
0x3a: {  	_ = 	snop  }
0x3b: {  	_ = 	snop  }
0x3c: {  	p2 =	seq.s32 s10, $0x1;
	s10 =	sld [smem:$0x3FAC]  }
0x3d: {  	_ =	shalt  }
0x3e: {  	_ =	shalt  }
0x3f: {  	_ =	shalt  }
0x40: {  	_ =	shalt  }
0x41: {  	_ =	shalt  }
0x42: {  	_ =	shalt  }
0x43: {  	_ =	shalt  }
0x44: {  	_ =	shalt  }
0x45: {  	_ =	shalt  }
0x46: {  	_ =	shalt  }
0x47: {  	_ =	shalt  }
0x48: {  	_ =	shalt  }
0x49: {  	_ =	shalt  }
0x4a: {  	_ =	shalt  }
0x4b: {  	_ =	shalt  }
0x4c: {  	_ =	shalt  }
0x4d: {  	_ =	shalt  }
0x4e: {  	_ =	shalt  }
0x4f: {  	_ =	shalt  }
0x50: {  	_ =	shalt  }
0x51: {  	_ =	shalt  }
0x52: {  	_ =	shalt  }
0x53: {  	_ =	shalt  }
0x54: {  	_ =	shalt  }
0x55: {  	_ =	shalt  }
0x56: {  	_ =	shalt  }
0x57: {  	_ =	shalt  }
0x58: {  	_ =	shalt  }
0x59: {  	_ =	shalt  }
0x5a: {  	_ =	shalt  }
0x5b: {  	_ =	shalt  }
0x5c: {  	_ =	shalt  }
0x5d: {  	_ =	shalt  }
0x5e: {  	_ =	shalt  }
0x5f: {  	_ =	shalt  }
0x60: {  	_ =	shalt  }
0x61: {  	_ =	shalt  }
0x62: {  	_ =	shalt  }
0x63: {  	_ =	shalt  }
0x64: {  	_ =	shalt  }
0x65: {  	_ =	shalt  }
0x66: {  	_ =	shalt  }
0x67: {  	_ =	shalt  }
0x68: {  	_ =	shalt  }
0x69: {  	_ =	shalt  }
0x6a: {  	_ =	shalt  }
0x6b: {  	_ =	shalt  }
0x6c: {  	_ =	shalt  }
0x6d: {  	_ =	shalt  }
0x6e: {  	_ =	shalt  }
0x6f: {  	_ =	shalt  }
0x70: {  	_ =	shalt  }
0x71: {  	_ =	shalt  }
0x72: {  	_ =	shalt  }
0x73: {  	_ =	shalt  }
0x74: {  	_ =	shalt  }
0x75: {  	_ =	shalt  }
0x76: {  	_ =	shalt  }
0x77: {  	_ =	shalt  }
0x78: {  	_ =	shalt  }
0x79: {  	_ =	shalt  }
0x7a: {  	_ =	shalt  }
0x7b: {  	_ =	shalt  }
0x7c: {  	_ =	shalt  }
0x7d: {  	_ =	shalt  }
0x7e: {  	_ =	shalt  }
0x7f: {  	_ =	shalt  }
0x80: {  	_ =	shalt  }
0x81: {  	_ =	shalt  }
0x82: {  	_ =	shalt  }
0x83: {  	_ =	shalt  }
0x84: {  	_ =	shalt  }
0x85: {  	_ =	shalt  }
0x86: {  	_ =	shalt  }
0x87: {  	_ =	shalt  }
.Lfunc_end0:
.L_simem_size_0:
called_computation.2_lowered:
.L_overlay_start_0:
0x88: {  	s2 =	sld [smem:$0x3FD9]  }
0x89: {  	s3 =	sld [smem:$0x3FFE];
	_ =	sdelay $0x1  }
0x8a: {  	s1 =	srdreg.scid  }
0x8b: {  	s0 =	sand.u32 $0x1, s1  }
0x8c: {  	s16 =	sshll.u32 s0, $0xA;
	s2 =	sadd.s32 s3, s2  }
0x8d: {  	s2 =	sadd.s32 s2, s16  }
0x8e: {  	[smem:$0x3FB8] =	sst s2  }
0x8f: {  	_ = 	snop  }
0x90: {  	(tm) =	ssettm $0x1  }
0x91: {  	s17 =	sld [smem:$0x3FFB];
	_ =	sdelay $0x3  }
0x92: {  	_ =	strace s17  }
0x93: {  	s2 =	sld [smem:$0x3FFC];
	_ =	sdelay $0x3  }
0x94: {  	_ =	strace s2  }
0x95: {  	s2 =	sld [smem:$0x3FFD];
	_ =	sdelay $0x3  }
0x96: {  	_ =	strace s2  }
0x97: {  	_ =	strace $0x8FFFFFFF  }
0x98: {  	s18 =	sld [smem:$0x3FDB];
	_ =	sdelay $0x1  }
0x99: {  	s19 =	simm.s32 $_scs_section_size  }
0x9a: {  	s4 =	simm.s32 $_size__tile_overlayer_lowered;
	s5 =	simm.s32 $_tile_overlayer_lowered  }
0x9b: {  	s22 =	simm.s32 $0x1BFF;
	s21 =	sshll.u32 s5, $0x1;
	s2 =	sadd.s32 s19, s18  }
0x9c: {  	s6 =	simm.s32 $0x0;
	s20 =	sshll.u32 s4, $0x1;
	s4 =	sadd.s32 s21, s2  }
0x9d: {  	[timem:s6], [sflag:s22] =	dma.local [hbm:s4], s20  }
0x9e: {  	_ =	swait.ge [sflag:s22], s20  }
0x9f: {  	s3 =	ssub.s32 $0x0, s20;
	[sflag:s22] =	ssyncset.done $0x0  }
0xa0: {  	[sflag:s22] =	ssyncadd.s32 s3;
	_ =	sdelay $0x1  }
0xa1: {  	s23 =	simm.s32 $0x1B8B  }
0xa2: {  	_ =	swait.ge [sflag:s23], $0x1  }
0xa3: {  	[sflag:s23] =	ssyncset.done $0x0  }
0xa4: {  	s25 =	simm.s32 $0x1B8E;
	s24 =	sld [smem:$0x3FFE];
	[sflag:s23] =	ssyncadd.s32 $0xFFFFFFFF  }
0xa5: {  	s26 =	simm.s32 $execute0_lowered;
	[smem:$0x3FD2] =	sst s25  }
0xa6: {  	s4 =	sshll.u32 s26, $0x1;
	_ =	strace $0x8000004C;
	[dreg:$0x1] =	wrdreg $0xFFFFFFFF  }
0xa7: {  	s28 =	simm.s32 $_size_execute0_lowered;
	s2 =	sadd.s32 s2, s4;
	[dreg:$0x0] =	wrdreg $0x0  }
0xa8: {  	s4 =	sshll.u32 s28, $0x1;
	[dreg:$0x2] =	wrdreg s2  }
0xa9: {  	[dreg:$0x3] =	wrdreg s4  }
0xaa: {  	[dreg:$0x4] =	wrdreg $0xC0  }
0xab: {  	_ =	task [dreg:s6], $0x5FFFF  }
0xac: {  	[dreg:$0x1] =	wrdreg $0xFFFFFFFF  }
0xad: {  	[dreg:$0x0] =	wrdreg $0x60  }
0xae: {  	[dreg:$0x2] =	wrdreg s24  }
0xaf: {  	[dreg:$0x3] =	wrdreg $0x70000  }
0xb0: {  	[dreg:$0x4] =	wrdreg $0xBF000  }
0xb1: {  	[dreg:$0x5] =	wrdreg $0x9  }
0xb2: {  	_ =	task.clear_ibuf [dreg:s6], $0x6FFFF;
	_ =	strace $0x9000004C  }
0xb3: {  	s29 =	simm.s32 $0x9;
	_ =	strace $0x8000004E  }
0xb4: {  	_ =	swait.ge [sflag:s29], $0x1  }
0xb5: {  	[sflag:s29] =	ssyncadd.s32 $0xFFFFFFFF  }
0xb6: {  	_ =	strace $0x9000004E  }
0xb7: {  	_ =	sfence  }
0xb8: {  	s30 =	sld [smem:$0x0];
	_ =	sdelay $0x2  }
0xb9: {  	s31 =	sshll.u32 s1, $0xD;
	s1 =	sshrl.u32 s1, $0x2  }
0xba: {  	s3 =	sand.u32 $0x4000, s31;
	s1 =	sadd.s32 s1, s30  }
0xbb: {  	s0 =	sor.u32 s3, s0;
	s1 =	sshll.u32 s1, $0x11  }
0xbc: {  	s0 =	sor.u32 s1, s0  }
0xbd: {  	s0 =	sadd.s32 $0x8F2B, s0  }
0xbe: {  	[sflag:s0] =	ssyncadd.remote.s32 $0x1  }
0xbf: {  	_ =	sfence.sel $0xFFFF  }
0xc0: {  	[dreg:$0x0] =	wrdreg $0xFFFFFFFF;
	(pc) =	sbr.abs _section_cstart, $3  }
0xc1: {  	[dreg:$0x1] =	wrdreg $0xFFFFFFFF  }
0xc2: {  	_ =	task.clear_ibuf [dreg:s6], $0x2FFFF;
	_ =	strace $0x9FFFFFFF  }
0xc3: {  	(tm) =	ssettm $0x7FFFFFFF  }
tec
execute0_lowered:
.L_overlay_start_1:
0x0: {  	(tag) =	ssettag $0x1  }
0x1: {  	s5 =	rddreg [dreg:$0x0]  }
0x2: {  	s0 =	srdreg.scid;
	s2 =	rddreg [dreg:$0x1]  }
0x3: {  	s3 =	rddreg [dreg:$0x2];
	s4 =	simm.s32 $0x0;
	s15 =	simm.s32 $0x2800  }
0x4: {  	s19 =	simm.s32 $0x80;
	s20 =	simm.s32 $0x5000;
	s21 =	simm.s32 $0x6000  }
0x5: {  	s22 =	simm.s32 $0x1;
	s6 =	sand.u32 $0x1, s0;
	s0 =	stileid.u32  }
0x6: {  	s23 =	simm.s32 $0x2;
	s24 =	simm.s32 $0x0;
	s8 =	smul.u32 $0x4F00, s0  }
0x7: {  	[smem:$0x7FF] =	sst s4;
	s1 =	sshll.u32 s6, $0x4;
	s11 =	smul.u32 $0x4F000, s6  }
0x8: {  	s6 =	ssub.s32 $0x2, s6;
	s16 =	sshll.u32 s0, $0x6;
	s7 =	sor.u32 s0, s1  }
0x9: {  	s1 =	rddreg [dreg:$0x3];
	_ =	strace $0x8000004D;
	s29 =	sshrl.u32 s6, $0x1  }
0xa: {  	s16 =	sor.u32 $0x1C03, s16;
	s9 =	smul.u32 $0x2700, s7;
	s10 =	smin.u32 s7, $0x2  }
0xb: {  	s12 =	sshrl.u32 s8, $0x3;
	s28 =	sadd.s32 s8, s11;
	s14 =	ssub.s32 s6, s29  }
0xc: {  	p0 =	slt.u32 s7, $0x2;
	s11 =	simm.s32 $0x50;
	s17 =	sadd.s32 s8, s2  }
0xd: {  	s18 =	sadd.s32 s8, s3;
	s10 =	sshll.u32 s10, $0x8;
	s12 =	sadd.s32 s12, s5  }
0xe: {  	s11 =	simm.s32 @!p0 $0x4E;
	s17 =	sshrl.u32 s17, $0x3;
	s18 =	sshrl.u32 s18, $0x3  }
0xf: {  	s9 =	sadd.s32 s9, s10;
	s10 =	sshrl.u32 s28, $0x3;
	s7 =	sadd.s32 $0x9DC00, s12  }
0x10: {  	s30 =	sadd.s32 $0xFFFFFFFE, s11;
	s8 =	sadd.s32 $0x13800, s12;
	s11 =	sshll.u32 s11, $0x7  }
0x11: {  	s9 =	sshrl.u32 s9, $0x3;
	s13 =	sadd.s32 s10, s5;
	s31 =	sshll.u32 s30, $0x7  }
0x12: {  	s11 =	sadd.s32 $0x2780, s11;
	s9 =	sadd.s32 s9, s5;
	s10 =	sadd.s32 $0x2800, s31  }
0x13: {  	s12 =	sadd.s32 $0xA7A00, s13;
	s13 =	smax.u32 s14, $0x1;
	s14 =	simm.s32 $0x3  }
0x14: {  	s5 =	sadd.s32 $0x1D600, s9;
	s6 =	sadd.s32 $0x4A00, s9;
	s9 =	sshrl.u32 s30, $0x1  }
.LBB2_1:
0x15: {  	[tilespmem:s4], [sflag:$0x3] =	stream.linear.gather [hbm4b:s5+s4], $0x2800, $0x38;
	[tilespmem:$0x10E00] =	vst v63  }
0x16: {  	_ =	swait.ge [sflag:s14], $0x2800  }
0x17: {  	[sflag:s14] =	ssyncset.done $0x0  }
0x18: {  	[sflag:s14] =	ssyncadd.s32 $0xFFFFD800  }
0x19: {  	[tilespmem:s15], [sflag:$0x3] =	stream.linear.gather [hbm4b:s6+s4], $0x2800, $0x38;
	[tilespmem:$0x10E00] =	vst v63  }
0x1a: {  	_ =	swait.ge [sflag:s14], $0x2800  }
0x1b: {  	[sflag:s14] =	ssyncset.done $0x0  }
0x1c: {  	[sflag:s14] =	ssyncadd.s32 $0xFFFFD800  }
0x1d: {  	[spmem:s17], [sflag:s16] =	dma.local [hbm:s7], $0x9E0  }
0x1e: {  	_ =	swait.ge [sflag:s14], $0x9E0  }
0x1f: {  	[sflag:s14] =	ssyncset.done $0x0  }
0x20: {  	[sflag:s14] =	ssyncadd.s32 $0xFFFFF620  }
0x21: {  	[spmem:s18], [sflag:s16] =	dma.local [hbm:s8], $0x9E0  }
0x22: {  	_ =	swait.ge [sflag:s14], $0x9E0  }
0x23: {  	[sflag:s14] =	ssyncset.done $0x0  }
0x24: {  	[sflag:s14] =	ssyncadd.s32 $0xFFFFF620  }
0x25: {  	[bflag:$0x0] =	sbarrier.arrive $0xFFFF  }
0x26: {  	[tilespmem:s20], [sflag:$0x1] =	stream.indirect.gather [spmem:s3], $0x20, s4, s19, $0xb8;
	[tilespmem:$0x10E00] =	vst v63  }
0x27: {  	_ = 	snop  }
0x28: {  	[tilespmem:s21], [sflag:$0x2] =	stream.indirect.gather [spmem:s3], $0x20, s19, s19, $0xb8;
	[tilespmem:$0x10E00] =	vst v63  }
0x29: {  	_ =	swait.ge [sflag:s22], $0x1000  }
0x2a: {  	[sflag:s22] =	ssyncset.done $0x0  }
0x2b: {  	s25 =	simm.s32 $0x2800;
	[sflag:s22] =	ssyncadd.s32 $0xFFFFF000  }
0x2c: {  	[spmem:s2] =	stream.indirect.scatter.add.f32 [tilespmem:s20], [sflag:$0x3], $0x20, s25, s19, $0xb8;
	[tilespmem:$0x10E00] =	vst v63  }
0x2d: {  	_ =	swait.ge [sflag:s14], $0x1000  }
0x2e: {  	[sflag:s14] =	ssyncset.done $0x0  }
0x2f: {  	s30 =	simm.s32 $0x100;
	[sflag:s14] =	ssyncadd.s32 $0xFFFFF000  }
0x30: {  	[tilespmem:s20], [sflag:$0x1] =	stream.indirect.gather [spmem:s3], $0x20, s30, s19, $0xb8;
	[tilespmem:$0x10E00] =	vst v63  }
0x31: {  	_ =	swait.ge [sflag:s23], $0x1000  }
0x32: {  	p0 =	sne.s32 s9, $0x1;
	[sflag:s23] =	ssyncset.done $0x0  }
.Ltmp0:
0x33: {  	s31 =	simm.s32 $0x2880;
	[sflag:s23] =	ssyncadd.s32 $0xFFFFF000;
	(pc) =	sbr.rel @!p0 .LBB2_3-.Ltmp0, $4  }
0x34: {  	[spmem:s2] =	stream.indirect.scatter.add.f32 [tilespmem:s21], [sflag:$0x3], $0x20, s31, s19, $0xb8;
	[tilespmem:$0x10E00] =	vst v63  }
0x35: {  	_ =	swait.ge [sflag:s14], $0x1000  }
0x36: {  	s26 =	simm.s32 $0x180;
	s28 =	simm.s32 $0x280;
	[sflag:s14] =	ssyncset.done $0x0  }
0x37: {  	s29 =	simm.s32 $0x2980;
	s25 =	sadd.s32 $0xFFFFFFFF, s9;
	[sflag:s14] =	ssyncadd.s32 $0xFFFFF000  }
.LBB2_2:
0x38: {  	[tilespmem:s21], [sflag:$0x2] =	stream.indirect.gather [spmem:s3], $0x20, s26, s19, $0xb8;
	[tilespmem:$0x10E00] =	vst v63  }
0x39: {  	p0 =	sne.s32 s25, $0x1;
	s25 =	sadd.s32 $0xFFFFFFFF, s25;
	_ =	swait.ge [sflag:s22], $0x1000  }
0x3a: {  	s26 =	smov.u32 s28;
	[sflag:s22] =	ssyncset.done $0x0  }
0x3b: {  	s30 =	sadd.s32 $0xFFFFFF80, s29;
	[sflag:s22] =	ssyncadd.s32 $0xFFFFF000  }
0x3c: {  	[spmem:s2] =	stream.indirect.scatter.add.f32 [tilespmem:s20], [sflag:$0x3], $0x20, s30, s19, $0xb8;
	[tilespmem:$0x10E00] =	vst v63  }
0x3d: {  	_ =	swait.ge [sflag:s14], $0x1000  }
0x3e: {  	[sflag:s14] =	ssyncset.done $0x0  }
0x3f: {  	s30 =	sadd.s32 $0xFFFFFF80, s28;
	[sflag:s14] =	ssyncadd.s32 $0xFFFFF000  }
0x40: {  	[tilespmem:s20], [sflag:$0x1] =	stream.indirect.gather [spmem:s3], $0x20, s30, s19, $0xb8;
	[tilespmem:$0x10E00] =	vst v63  }
0x41: {  	_ =	swait.ge [sflag:s23], $0x1000  }
0x42: {  	[sflag:s23] =	ssyncset.done $0x0  }
.Ltmp1:
0x43: {  	[sflag:s23] =	ssyncadd.s32 $0xFFFFF000;
	(pc) =	sbr.rel @p0 .LBB2_2-.Ltmp1, $4  }
0x44: {  	[spmem:s2] =	stream.indirect.scatter.add.f32 [tilespmem:s21], [sflag:$0x3], $0x20, s29, s19, $0xb8;
	[tilespmem:$0x10E00] =	vst v63  }
0x45: {  	_ =	swait.ge [sflag:s14], $0x1000  }
0x46: {  	[sflag:s14] =	ssyncset.done $0x0  }
0x47: {  	s28 =	sadd.s32 $0x100, s28;
	s29 =	sadd.s32 $0x100, s29;
	[sflag:s14] =	ssyncadd.s32 $0xFFFFF000  }
.LBB2_3:
0x48: {  	[tilespmem:s21], [sflag:$0x2] =	stream.indirect.gather [spmem:s3], $0x20, s26, s19, $0xb8;
	[tilespmem:$0x10E00] =	vst v63  }
0x49: {  	_ =	swait.ge [sflag:s22], $0x1000  }
0x4a: {  	[sflag:s22] =	ssyncset.done $0x0  }
0x4b: {  	[sflag:s22] =	ssyncadd.s32 $0xFFFFF000  }
0x4c: {  	[spmem:s2] =	stream.indirect.scatter.add.f32 [tilespmem:s20], [sflag:$0x3], $0x20, s10, s19, $0xb8;
	[tilespmem:$0x10E00] =	vst v63  }
0x4d: {  	_ =	swait.ge [sflag:s14], $0x1000  }
0x4e: {  	[sflag:s14] =	ssyncset.done $0x0  }
0x4f: {  	[sflag:s14] =	ssyncadd.s32 $0xFFFFF000  }
0x50: {  	_ =	swait.ge [sflag:s23], $0x1000  }
0x51: {  	[sflag:s23] =	ssyncset.done $0x0  }
0x52: {  	[sflag:s23] =	ssyncadd.s32 $0xFFFFF000  }
0x53: {  	[spmem:s2] =	stream.indirect.scatter.add.f32 [tilespmem:s21], [sflag:$0x3], $0x20, s11, s19, $0xb8;
	[tilespmem:$0x10E00] =	vst v63  }
0x54: {  	_ =	swait.ge [sflag:s14], $0x1000  }
0x55: {  	s24 =	sadd.s32 $0x1, s24;
	[sflag:s14] =	ssyncset.done $0x0  }
0x56: {  	p0 =	sne.s32 s24, s13;
	[sflag:s14] =	ssyncadd.s32 $0xFFFFF000  }
.Ltmp2:
0x57: {  	[bflag:$0x0] =	sbarrier.arrive $0xFFFF;
	(pc) =	sbr.rel @p0 .LBB2_1-.Ltmp2, $4  }
0x58: {  	[hbm:s12], [sflag:s16] =	dma.local [spmem:s17], $0x9E0  }
0x59: {  	_ =	swait.ge [sflag:s14], $0x9E0  }
0x5a: {  	[sflag:s14] =	ssyncset.done $0x0  }
0x5b: {  	[sflag:s14] =	ssyncadd.s32 $0xFFFFF620  }
0x5c: {  	_ =	sfence.sel $0x180000  }
0x5d: {  	[bflag:$0x0] =	sbarrier.arrive $0xFFFF  }
0x5e: {  	p0 =	sne.s32 s0, $0x0;
	_ =	strace $0x9000004D  }
0x5f: {  	s0 =	sadd.s32 @!p0 $0x100000, s1;
	[bflag:$0x2] =	sbarrier.arrive $0xFFFF  }
0x60: {  	[sflag:s0] =	ssyncadd.tile.s32 @!p0 $0x1;
	_ =	shalt  }
.Lfunc_end2:
_tile_overlayer_lowered:
.L_overlay_start_2:
0x61: {  	(tag) =	ssettag $0x2  }
0x62: {  	s0 =	rddreg [dreg:$0x0];
	s2 =	stileid.u32  }
0x63: {  	s1 =	rddreg [dreg:$0x1];
	p0 =	sne.s32 s2, $0x0  }
0x64: {  	s3 =	rddreg [dreg:$0x2];
	[bflag:$0x3] =	sbarrier.arrive $0xFFFF;
	s2 =	simm.s32 @!p0 $0x1C03  }
0x65: {  	[timem:s3], [sflag:s2] =	dma.local @!p0 [hbm:s0], s1  }
0x66: {  	s0 =	simm.s32 @!p0 $0x3  }
0x67: {  	_ =	swait.ge @!p0 [sflag:s0], s1  }
0x68: {  	s1 =	ssub.s32 @!p0 $0x0, s1;
	[sflag:s0] =	ssyncset.done @!p0 $0x0  }
0x69: {  	[sflag:s0] =	ssyncadd.s32 @!p0 s1  }
0x6a: {  	[bflag:$0x3] =	sbarrier.arrive $0xFFFF  }
0x6b: {  	_ =	shalt  }

// kernel: kernel.22.cloned.1.call-start
scs
__scs_entry_jumppad:
0x0: {  	(pc) =	sbr.rel $0x88, $3  }
0x1: {  	(tag) =	ssettag $0x0;
	lr =	simm.s32 $0x1  }
0x2: {  	[smem:$0x3F91] =	sst lr;
	_ =	strace $0xD0000000  }
0x3: {  	_ = 	snop  }
0x4: {  	_ = 	snop  }
0x5: {  	_ = 	snop  }
0x6: {  	_ = 	snop  }
0x7: {  	_ = 	snop  }
__scs_overlays_trampoline_lowered:
0x8: {  	[smem:$0x3FA0] =	sst s0  }
0x9: {  	[smem:$0x3FA1] =	sst s1  }
0xa: {  	[smem:$0x3FA2] =	sst s2  }
0xb: {  	[smem:$0x3FA3] =	sst s3  }
0xc: {  	[smem:$0x3FA4] =	sst s4  }
0xd: {  	[smem:$0x3FA5] =	sst s5  }
0xe: {  	[smem:$0x3FA6] =	sst s6  }
0xf: {  	[smem:$0x3FA7] =	sst s7  }
0x10: {  	[smem:$0x3FA8] =	sst s8  }
0x11: {  	[smem:$0x3FA9] =	sst s9;
	s0 =	simm.s32 @!p0 $0x0  }
0x12: {  	s1 =	sld [smem:$0x3F8F];
	s0 =	simm.s32 @p0 $0x1  }
0x13: {  	[smem:$0x3FAA] =	sst s0;
	s0 =	simm.s32 @!p1 $0x0  }
0x14: {  	s2 =	sld [smem:$0x3F8E];
	s0 =	simm.s32 @p1 $0x1  }
0x15: {  	[smem:$0x3FAB] =	sst s0;
	s0 =	simm.s32 @!p2 $0x0  }
0x16: {  	s3 =	sld [smem:$0x3FDB];
	s0 =	simm.s32 @p2 $0x1  }
0x17: {  	s4 =	simm.s32 $0x1BF5;
	[smem:$0x3FAD] =	sst s0  }
0x18: {  	s0 =	sld [smem:$0x3F90];
	_ =	swait.ge [sflag:s4], $0x0  }
0x19: {  	s7 =	sld [smem:$0x3F91]  }
0x1a: {  	s8 =	sadd.s32 $0xFFFFE003, lr  }
0x1b: {  	s9 =	sadd.s32 $0xFFFFFEF7, lr;
	s5 =	simm.s32 $0xFFFFFFFF;
	p2 =	slt.u32 s8, $0xFFFFF086  }
0x1c: {  	p1 =	slt.u32 s9, $0xF7A;
	s5 =	simm.s32 @!p2 $0x0  }
0x1d: {  	s5 =	simm.s32 @p1 $0x1;
	p0 =	seq.s32 s7, s2  }
0x1e: {  	s7 =	smul.u32 @!p0 $0xF7A, s2;
	p2 =	seq.s32 @!p0 s5, $0x0  }
0x1f: {  	s9 =	smul.u32 $0xF7A, s1;
	s8 =	simm.s32 @!p0 $0x1BF5;
	p2 =	por !p2, p0  }
0x20: {  	[sflag:s8] =	ssyncset.s32 @!p0 $0xFFFFF086;
	s6 =	sadd.s32 @!p0 s3, s7;
	s7 =	simm.s32 @!p0 $0x108  }
0x21: {  	s3 =	sadd.s32 s3, s9;
	s6 =	sadd.s32 @!p0 $0x88, s6;
	s7 =	simm.s32 @p2 $0x1082  }
0x22: {  	[simem:s7], [sflag:s8] =	dma.local @!p0 [hbm:s6], $0xF7A  }
0x23: {  	s9 =	sor.u32 $0xD0000000, s2;
	s6 =	simm.s32 $0x108;
	_ =	swait.ge @!p0 [sflag:s8], $0x0  }
0x24: {  	s3 =	sadd.s32 $0x88, s3;
	s6 =	simm.s32 @!p1 $0x1082;
	[sflag:s4] =	ssyncset.s32 $0xFFFFF086  }
0x25: {  	[simem:s6], [sflag:s4] =	dma.local [hbm:s3], $0xF7A  }
0x26: {  	[smem:$0x3F91] =	sst s1;
	(tag) =	ssettag s2;
	_ =	strace s9  }
0x27: {  	s1 =	sld [smem:$0x3FA1]  }
0x28: {  	s2 =	sld [smem:$0x3FA2]  }
0x29: {  	s4 =	sld [smem:$0x3FA4]  }
0x2a: {  	p0 =	seq.s32 s5, $0x0;
	s5 =	sld [smem:$0x3FA5]  }
0x2b: {  	s6 =	sld [smem:$0x3FA6]  }
0x2c: {  	s7 =	sld [smem:$0x3FA7]  }
0x2d: {  	s3 =	simm.s32 $0x108;
	s8 =	sld [smem:$0x3FA8]  }
0x2e: {  	s3 =	simm.s32 @!p0 $0x1082;
	s9 =	sld [smem:$0x3FA9]  }
0x2f: {  	lr =	sadd.s32 s0, s3;
	s0 =	sld [smem:$0x3FA0]  }
0x30: {  	s3 =	sld [smem:$0x3FA3]  }
0x31: {  	[smem:$0x3FAC] =	sst s10  }
0x32: {  	s10 =	sld [smem:$0x3FAA];
	_ =	sdelay $0x3  }
0x33: {  	p0 =	seq.s32 s10, $0x1;
	s10 =	sld [smem:$0x3FAC];
	_ =	sdelay $0x3  }
0x34: {  	[smem:$0x3FAC] =	sst s10  }
0x35: {  	s10 =	sld [smem:$0x3FAB];
	_ =	sdelay $0x3  }
0x36: {  	p1 =	seq.s32 s10, $0x1;
	s10 =	sld [smem:$0x3FAC];
	_ =	sdelay $0x3  }
0x37: {  	[smem:$0x3FAC] =	sst s10  }
0x38: {  	s10 =	sld [smem:$0x3FAD]  }
0x39: {  	_ = 	snop;
	(pc) =	sbr.ind lr, $3  }
0x3a: {  	_ = 	snop  }
0x3b: {  	_ = 	snop  }
0x3c: {  	p2 =	seq.s32 s10, $0x1;
	s10 =	sld [smem:$0x3FAC]  }
0x3d: {  	_ =	shalt  }
0x3e: {  	_ =	shalt  }
0x3f: {  	_ =	shalt  }
0x40: {  	_ =	shalt  }
0x41: {  	_ =	shalt  }
0x42: {  	_ =	shalt  }
0x43: {  	_ =	shalt  }
0x44: {  	_ =	shalt  }
0x45: {  	_ =	shalt  }
0x46: {  	_ =	shalt  }
0x47: {  	_ =	shalt  }
0x48: {  	_ =	shalt  }
0x49: {  	_ =	shalt  }
0x4a: {  	_ =	shalt  }
0x4b: {  	_ =	shalt  }
0x4c: {  	_ =	shalt  }
0x4d: {  	_ =	shalt  }
0x4e: {  	_ =	shalt  }
0x4f: {  	_ =	shalt  }
0x50: {  	_ =	shalt  }
0x51: {  	_ =	shalt  }
0x52: {  	_ =	shalt  }
0x53: {  	_ =	shalt  }
0x54: {  	_ =	shalt  }
0x55: {  	_ =	shalt  }
0x56: {  	_ =	shalt  }
0x57: {  	_ =	shalt  }
0x58: {  	_ =	shalt  }
0x59: {  	_ =	shalt  }
0x5a: {  	_ =	shalt  }
0x5b: {  	_ =	shalt  }
0x5c: {  	_ =	shalt  }
0x5d: {  	_ =	shalt  }
0x5e: {  	_ =	shalt  }
0x5f: {  	_ =	shalt  }
0x60: {  	_ =	shalt  }
0x61: {  	_ =	shalt  }
0x62: {  	_ =	shalt  }
0x63: {  	_ =	shalt  }
0x64: {  	_ =	shalt  }
0x65: {  	_ =	shalt  }
0x66: {  	_ =	shalt  }
0x67: {  	_ =	shalt  }
0x68: {  	_ =	shalt  }
0x69: {  	_ =	shalt  }
0x6a: {  	_ =	shalt  }
0x6b: {  	_ =	shalt  }
0x6c: {  	_ =	shalt  }
0x6d: {  	_ =	shalt  }
0x6e: {  	_ =	shalt  }
0x6f: {  	_ =	shalt  }
0x70: {  	_ =	shalt  }
0x71: {  	_ =	shalt  }
0x72: {  	_ =	shalt  }
0x73: {  	_ =	shalt  }
0x74: {  	_ =	shalt  }
0x75: {  	_ =	shalt  }
0x76: {  	_ =	shalt  }
0x77: {  	_ =	shalt  }
0x78: {  	_ =	shalt  }
0x79: {  	_ =	shalt  }
0x7a: {  	_ =	shalt  }
0x7b: {  	_ =	shalt  }
0x7c: {  	_ =	shalt  }
0x7d: {  	_ =	shalt  }
0x7e: {  	_ =	shalt  }
0x7f: {  	_ =	shalt  }
0x80: {  	_ =	shalt  }
0x81: {  	_ =	shalt  }
0x82: {  	_ =	shalt  }
0x83: {  	_ =	shalt  }
0x84: {  	_ =	shalt  }
0x85: {  	_ =	shalt  }
0x86: {  	_ =	shalt  }
0x87: {  	_ =	shalt  }
.Lfunc_end0:
.L_simem_size_0:
called_computation.3_lowered:
.L_overlay_start_0:
0x88: {  	s2 =	sld [smem:$0x3FD9]  }
0x89: {  	s3 =	sld [smem:$0x3FFE];
	_ =	sdelay $0x1  }
0x8a: {  	s1 =	srdreg.scid  }
0x8b: {  	s0 =	sand.u32 $0x1, s1  }
0x8c: {  	s16 =	sshll.u32 s0, $0xA;
	s2 =	sadd.s32 s3, s2  }
0x8d: {  	s2 =	sadd.s32 s2, s16  }
0x8e: {  	[smem:$0x3FB8] =	sst s2  }
0x8f: {  	_ = 	snop  }
0x90: {  	(tm) =	ssettm $0x1  }
0x91: {  	s17 =	sld [smem:$0x3FFB];
	_ =	sdelay $0x3  }
0x92: {  	_ =	strace s17  }
0x93: {  	s2 =	sld [smem:$0x3FFC];
	_ =	sdelay $0x3  }
0x94: {  	_ =	strace s2  }
0x95: {  	s2 =	sld [smem:$0x3FFD];
	_ =	sdelay $0x3  }
0x96: {  	_ =	strace s2  }
0x97: {  	_ =	strace $0x8FFFFFFF  }
0x98: {  	s18 =	sld [smem:$0x3FDB];
	_ =	sdelay $0x1  }
0x99: {  	s19 =	simm.s32 $_scs_section_size  }
0x9a: {  	s4 =	simm.s32 $_size__tile_overlayer_lowered;
	s5 =	simm.s32 $_tile_overlayer_lowered  }
0x9b: {  	s22 =	simm.s32 $0x1BFF;
	s21 =	sshll.u32 s5, $0x1;
	s2 =	sadd.s32 s19, s18  }
0x9c: {  	s6 =	simm.s32 $0x0;
	s20 =	sshll.u32 s4, $0x1;
	s4 =	sadd.s32 s21, s2  }
0x9d: {  	[timem:s6], [sflag:s22] =	dma.local [hbm:s4], s20  }
0x9e: {  	_ =	swait.ge [sflag:s22], s20  }
0x9f: {  	s3 =	ssub.s32 $0x0, s20;
	[sflag:s22] =	ssyncset.done $0x0  }
0xa0: {  	[sflag:s22] =	ssyncadd.s32 s3;
	_ =	sdelay $0x1  }
0xa1: {  	s23 =	simm.s32 $0x1B8B  }
0xa2: {  	_ =	swait.ge [sflag:s23], $0x1  }
0xa3: {  	[sflag:s23] =	ssyncset.done $0x0  }
0xa4: {  	s25 =	simm.s32 $0x1B8E;
	s24 =	sld [smem:$0x3FFE];
	[sflag:s23] =	ssyncadd.s32 $0xFFFFFFFF  }
0xa5: {  	s26 =	simm.s32 $execute0_lowered;
	[smem:$0x3FD2] =	sst s25  }
0xa6: {  	s4 =	sshll.u32 s26, $0x1;
	_ =	strace $0x8000004F;
	[dreg:$0x1] =	wrdreg $0xFFFFFFFF  }
0xa7: {  	s28 =	simm.s32 $_size_execute0_lowered;
	s2 =	sadd.s32 s2, s4;
	[dreg:$0x0] =	wrdreg $0x0  }
0xa8: {  	s4 =	sshll.u32 s28, $0x1;
	[dreg:$0x2] =	wrdreg s2  }
0xa9: {  	[dreg:$0x3] =	wrdreg s4  }
0xaa: {  	[dreg:$0x4] =	wrdreg $0xC0  }
0xab: {  	_ =	task [dreg:s6], $0x5FFFF  }
0xac: {  	[dreg:$0x1] =	wrdreg $0xFFFFFFFF  }
0xad: {  	[dreg:$0x0] =	wrdreg $0x60  }
0xae: {  	[dreg:$0x2] =	wrdreg s24  }
0xaf: {  	[dreg:$0x3] =	wrdreg $0x60000  }
0xb0: {  	[dreg:$0x4] =	wrdreg $0x87800  }
0xb1: {  	[dreg:$0x5] =	wrdreg $0x9  }
0xb2: {  	_ =	task.clear_ibuf [dreg:s6], $0x6FFFF;
	_ =	strace $0x9000004F  }
0xb3: {  	s29 =	simm.s32 $0x9;
	_ =	strace $0x80000051  }
0xb4: {  	_ =	swait.ge [sflag:s29], $0x1  }
0xb5: {  	[sflag:s29] =	ssyncadd.s32 $0xFFFFFFFF  }
0xb6: {  	_ =	strace $0x90000051  }
0xb7: {  	_ =	sfence  }
0xb8: {  	s30 =	sld [smem:$0x0];
	_ =	sdelay $0x2  }
0xb9: {  	s31 =	sshll.u32 s1, $0xD;
	s1 =	sshrl.u32 s1, $0x2  }
0xba: {  	s3 =	sand.u32 $0x4000, s31;
	s1 =	sadd.s32 s1, s30  }
0xbb: {  	s0 =	sor.u32 s3, s0;
	s1 =	sshll.u32 s1, $0x11  }
0xbc: {  	s0 =	sor.u32 s1, s0  }
0xbd: {  	s0 =	sadd.s32 $0x8F2B, s0  }
0xbe: {  	[sflag:s0] =	ssyncadd.remote.s32 $0x1  }
0xbf: {  	_ =	sfence.sel $0xFFFF  }
0xc0: {  	[dreg:$0x0] =	wrdreg $0xFFFFFFFF;
	(pc) =	sbr.abs _section_cstart, $3  }
0xc1: {  	[dreg:$0x1] =	wrdreg $0xFFFFFFFF  }
0xc2: {  	_ =	task.clear_ibuf [dreg:s6], $0x2FFFF;
	_ =	strace $0x9FFFFFFF  }
0xc3: {  	(tm) =	ssettm $0x7FFFFFFF  }
tec
execute0_lowered:
.L_overlay_start_1:
0x0: {  	(tag) =	ssettag $0x1  }
0x1: {  	s5 =	rddreg [dreg:$0x0]  }
0x2: {  	s0 =	srdreg.scid;
	s2 =	rddreg [dreg:$0x1]  }
0x3: {  	s3 =	rddreg [dreg:$0x2];
	s4 =	simm.s32 $0x0;
	s15 =	simm.s32 $0x2800  }
0x4: {  	s19 =	simm.s32 $0x80;
	s20 =	simm.s32 $0x5000;
	s21 =	simm.s32 $0x5800  }
0x5: {  	s22 =	simm.s32 $0x1;
	s6 =	sand.u32 $0x1, s0;
	s0 =	stileid.u32  }
0x6: {  	s23 =	simm.s32 $0x2;
	s24 =	simm.s32 $0x0;
	s8 =	smul.u32 $0x2780, s0  }
0x7: {  	[smem:$0x7FF] =	sst s4;
	s1 =	sshll.u32 s6, $0x4;
	s11 =	smul.u32 $0x27800, s6  }
0x8: {  	s6 =	ssub.s32 $0x2, s6;
	s16 =	sshll.u32 s0, $0x6;
	s7 =	sor.u32 s0, s1  }
0x9: {  	s1 =	rddreg [dreg:$0x3];
	_ =	strace $0x80000050;
	s29 =	sshrl.u32 s6, $0x1  }
0xa: {  	s16 =	sor.u32 $0x1C03, s16;
	s9 =	smul.u32 $0x2700, s7;
	s10 =	smin.u32 s7, $0x2  }
0xb: {  	s12 =	sshrl.u32 s8, $0x3;
	s28 =	sadd.s32 s8, s11;
	s14 =	ssub.s32 s6, s29  }
0xc: {  	p0 =	slt.u32 s7, $0x2;
	s11 =	simm.s32 $0x50;
	s17 =	sadd.s32 s8, s2  }
0xd: {  	s18 =	sadd.s32 s8, s3;
	s10 =	sshll.u32 s10, $0x8;
	s12 =	sadd.s32 s12, s5  }
0xe: {  	s11 =	simm.s32 @!p0 $0x4E;
	s17 =	sshrl.u32 s17, $0x3;
	s18 =	sshrl.u32 s18, $0x3  }
0xf: {  	s9 =	sadd.s32 s9, s10;
	s10 =	sshrl.u32 s28, $0x3;
	s7 =	sadd.s32 $0xE800, s12  }
0x10: {  	s30 =	sadd.s32 $0xFFFFFFFE, s11;
	s8 =	sadd.s32 $0x13800, s12;
	s11 =	sshll.u32 s11, $0x7  }
0x11: {  	s9 =	sshrl.u32 s9, $0x3;
	s13 =	sadd.s32 s10, s5;
	s31 =	sshll.u32 s30, $0x7  }
0x12: {  	s11 =	sadd.s32 $0x2780, s11;
	s9 =	sadd.s32 s9, s5;
	s10 =	sadd.s32 $0x2800, s31  }
0x13: {  	s12 =	sadd.s32 $0x9DC00, s13;
	s13 =	smax.u32 s14, $0x1;
	s14 =	simm.s32 $0x3  }
0x14: {  	s5 =	sadd.s32 $0x1D600, s9;
	s6 =	sadd.s32 $0x4A00, s9;
	s9 =	sshrl.u32 s30, $0x1  }
.LBB2_1:
0x15: {  	[tilespmem:s4], [sflag:$0x3] =	stream.linear.gather [hbm4b:s5+s4], $0x2800, $0x38;
	[tilespmem:$0xAF00] =	vst v63  }
0x16: {  	_ =	swait.ge [sflag:s14], $0x2800  }
0x17: {  	[sflag:s14] =	ssyncset.done $0x0  }
0x18: {  	[sflag:s14] =	ssyncadd.s32 $0xFFFFD800  }
0x19: {  	[tilespmem:s15], [sflag:$0x3] =	stream.linear.gather [hbm4b:s6+s4], $0x2800, $0x38;
	[tilespmem:$0xAF00] =	vst v63  }
0x1a: {  	_ =	swait.ge [sflag:s14], $0x2800  }
0x1b: {  	[sflag:s14] =	ssyncset.done $0x0  }
0x1c: {  	[sflag:s14] =	ssyncadd.s32 $0xFFFFD800  }
0x1d: {  	[spmem:s17], [sflag:s16] =	dma.local [hbm:s7], $0x4F0  }
0x1e: {  	_ =	swait.ge [sflag:s14], $0x4F0  }
0x1f: {  	[sflag:s14] =	ssyncset.done $0x0  }
0x20: {  	[sflag:s14] =	ssyncadd.s32 $0xFFFFFB10  }
0x21: {  	[spmem:s18], [sflag:s16] =	dma.local [hbm:s8], $0x4F0  }
0x22: {  	_ =	swait.ge [sflag:s14], $0x4F0  }
0x23: {  	[sflag:s14] =	ssyncset.done $0x0  }
0x24: {  	[sflag:s14] =	ssyncadd.s32 $0xFFFFFB10  }
0x25: {  	[bflag:$0x0] =	sbarrier.arrive $0xFFFF  }
0x26: {  	[tilespmem:s20], [sflag:$0x1] =	stream.indirect.gather [spmem:s3], $0x10, s4, s19, $0xb8;
	[tilespmem:$0xAF00] =	vst v63  }
0x27: {  	_ = 	snop  }
0x28: {  	[tilespmem:s21], [sflag:$0x2] =	stream.indirect.gather [spmem:s3], $0x10, s19, s19, $0xb8;
	[tilespmem:$0xAF00] =	vst v63  }
0x29: {  	_ =	swait.ge [sflag:s22], $0x800  }
0x2a: {  	[sflag:s22] =	ssyncset.done $0x0  }
0x2b: {  	s25 =	simm.s32 $0x2800;
	[sflag:s22] =	ssyncadd.s32 $0xFFFFF800  }
0x2c: {  	[spmem:s2] =	stream.indirect.scatter.add.f32 [tilespmem:s20], [sflag:$0x3], $0x10, s25, s19, $0xb8;
	[tilespmem:$0xAF00] =	vst v63  }
0x2d: {  	_ =	swait.ge [sflag:s14], $0x800  }
0x2e: {  	[sflag:s14] =	ssyncset.done $0x0  }
0x2f: {  	s30 =	simm.s32 $0x100;
	[sflag:s14] =	ssyncadd.s32 $0xFFFFF800  }
0x30: {  	[tilespmem:s20], [sflag:$0x1] =	stream.indirect.gather [spmem:s3], $0x10, s30, s19, $0xb8;
	[tilespmem:$0xAF00] =	vst v63  }
0x31: {  	_ =	swait.ge [sflag:s23], $0x800  }
0x32: {  	p0 =	sne.s32 s9, $0x1;
	[sflag:s23] =	ssyncset.done $0x0  }
.Ltmp0:
0x33: {  	s31 =	simm.s32 $0x2880;
	[sflag:s23] =	ssyncadd.s32 $0xFFFFF800;
	(pc) =	sbr.rel @!p0 .LBB2_3-.Ltmp0, $4  }
0x34: {  	[spmem:s2] =	stream.indirect.scatter.add.f32 [tilespmem:s21], [sflag:$0x3], $0x10, s31, s19, $0xb8;
	[tilespmem:$0xAF00] =	vst v63  }
0x35: {  	_ =	swait.ge [sflag:s14], $0x800  }
0x36: {  	s26 =	simm.s32 $0x180;
	s28 =	simm.s32 $0x280;
	[sflag:s14] =	ssyncset.done $0x0  }
0x37: {  	s29 =	simm.s32 $0x2980;
	s25 =	sadd.s32 $0xFFFFFFFF, s9;
	[sflag:s14] =	ssyncadd.s32 $0xFFFFF800  }
.LBB2_2:
0x38: {  	[tilespmem:s21], [sflag:$0x2] =	stream.indirect.gather [spmem:s3], $0x10, s26, s19, $0xb8;
	[tilespmem:$0xAF00] =	vst v63  }
0x39: {  	p0 =	sne.s32 s25, $0x1;
	s25 =	sadd.s32 $0xFFFFFFFF, s25;
	_ =	swait.ge [sflag:s22], $0x800  }
0x3a: {  	s26 =	smov.u32 s28;
	[sflag:s22] =	ssyncset.done $0x0  }
0x3b: {  	s30 =	sadd.s32 $0xFFFFFF80, s29;
	[sflag:s22] =	ssyncadd.s32 $0xFFFFF800  }
0x3c: {  	[spmem:s2] =	stream.indirect.scatter.add.f32 [tilespmem:s20], [sflag:$0x3], $0x10, s30, s19, $0xb8;
	[tilespmem:$0xAF00] =	vst v63  }
0x3d: {  	_ =	swait.ge [sflag:s14], $0x800  }
0x3e: {  	[sflag:s14] =	ssyncset.done $0x0  }
0x3f: {  	s30 =	sadd.s32 $0xFFFFFF80, s28;
	[sflag:s14] =	ssyncadd.s32 $0xFFFFF800  }
0x40: {  	[tilespmem:s20], [sflag:$0x1] =	stream.indirect.gather [spmem:s3], $0x10, s30, s19, $0xb8;
	[tilespmem:$0xAF00] =	vst v63  }
0x41: {  	_ =	swait.ge [sflag:s23], $0x800  }
0x42: {  	[sflag:s23] =	ssyncset.done $0x0  }
.Ltmp1:
0x43: {  	[sflag:s23] =	ssyncadd.s32 $0xFFFFF800;
	(pc) =	sbr.rel @p0 .LBB2_2-.Ltmp1, $4  }
0x44: {  	[spmem:s2] =	stream.indirect.scatter.add.f32 [tilespmem:s21], [sflag:$0x3], $0x10, s29, s19, $0xb8;
	[tilespmem:$0xAF00] =	vst v63  }
0x45: {  	_ =	swait.ge [sflag:s14], $0x800  }
0x46: {  	[sflag:s14] =	ssyncset.done $0x0  }
0x47: {  	s28 =	sadd.s32 $0x100, s28;
	s29 =	sadd.s32 $0x100, s29;
	[sflag:s14] =	ssyncadd.s32 $0xFFFFF800  }
.LBB2_3:
0x48: {  	[tilespmem:s21], [sflag:$0x2] =	stream.indirect.gather [spmem:s3], $0x10, s26, s19, $0xb8;
	[tilespmem:$0xAF00] =	vst v63  }
0x49: {  	_ =	swait.ge [sflag:s22], $0x800  }
0x4a: {  	[sflag:s22] =	ssyncset.done $0x0  }
0x4b: {  	[sflag:s22] =	ssyncadd.s32 $0xFFFFF800  }
0x4c: {  	[spmem:s2] =	stream.indirect.scatter.add.f32 [tilespmem:s20], [sflag:$0x3], $0x10, s10, s19, $0xb8;
	[tilespmem:$0xAF00] =	vst v63  }
0x4d: {  	_ =	swait.ge [sflag:s14], $0x800  }
0x4e: {  	[sflag:s14] =	ssyncset.done $0x0  }
0x4f: {  	[sflag:s14] =	ssyncadd.s32 $0xFFFFF800  }
0x50: {  	_ =	swait.ge [sflag:s23], $0x800  }
0x51: {  	[sflag:s23] =	ssyncset.done $0x0  }
0x52: {  	[sflag:s23] =	ssyncadd.s32 $0xFFFFF800  }
0x53: {  	[spmem:s2] =	stream.indirect.scatter.add.f32 [tilespmem:s21], [sflag:$0x3], $0x10, s11, s19, $0xb8;
	[tilespmem:$0xAF00] =	vst v63  }
0x54: {  	_ =	swait.ge [sflag:s14], $0x800  }
0x55: {  	s24 =	sadd.s32 $0x1, s24;
	[sflag:s14] =	ssyncset.done $0x0  }
0x56: {  	p0 =	sne.s32 s24, s13;
	[sflag:s14] =	ssyncadd.s32 $0xFFFFF800  }
.Ltmp2:
0x57: {  	[bflag:$0x0] =	sbarrier.arrive $0xFFFF;
	(pc) =	sbr.rel @p0 .LBB2_1-.Ltmp2, $4  }
0x58: {  	[hbm:s12], [sflag:s16] =	dma.local [spmem:s17], $0x4F0  }
0x59: {  	_ =	swait.ge [sflag:s14], $0x4F0  }
0x5a: {  	[sflag:s14] =	ssyncset.done $0x0  }
0x5b: {  	[sflag:s14] =	ssyncadd.s32 $0xFFFFFB10  }
0x5c: {  	_ =	sfence.sel $0x180000  }
0x5d: {  	[bflag:$0x0] =	sbarrier.arrive $0xFFFF  }
0x5e: {  	p0 =	sne.s32 s0, $0x0;
	_ =	strace $0x90000050  }
0x5f: {  	s0 =	sadd.s32 @!p0 $0x100000, s1;
	[bflag:$0x2] =	sbarrier.arrive $0xFFFF  }
0x60: {  	[sflag:s0] =	ssyncadd.tile.s32 @!p0 $0x1;
	_ =	shalt  }
.Lfunc_end2:
_tile_overlayer_lowered:
.L_overlay_start_2:
0x61: {  	(tag) =	ssettag $0x2  }
0x62: {  	s0 =	rddreg [dreg:$0x0];
	s2 =	stileid.u32  }
0x63: {  	s1 =	rddreg [dreg:$0x1];
	p0 =	sne.s32 s2, $0x0  }
0x64: {  	s3 =	rddreg [dreg:$0x2];
	[bflag:$0x3] =	sbarrier.arrive $0xFFFF;
	s2 =	simm.s32 @!p0 $0x1C03  }
0x65: {  	[timem:s3], [sflag:s2] =	dma.local @!p0 [hbm:s0], s1  }
0x66: {  	s0 =	simm.s32 @!p0 $0x3  }
0x67: {  	_ =	swait.ge @!p0 [sflag:s0], s1  }
0x68: {  	s1 =	ssub.s32 @!p0 $0x0, s1;
	[sflag:s0] =	ssyncset.done @!p0 $0x0  }
0x69: {  	[sflag:s0] =	ssyncadd.s32 @!p0 s1  }
0x6a: {  	[bflag:$0x3] =	sbarrier.arrive $0xFFFF  }
0x6b: {  	_ =	shalt  }

</sc_bundles>
